<compile_context>
chip_gen: v7x
topology: tpu7x:2x2x1
jax: 0.10.2.dev20260603
libtpu: 0.0.44.dev20260713+nightly
codegen_flags: <defaults>
</compile_context>

<pallas_src>
import jax
import jax.numpy as jnp
from jax import lax
from jax.experimental import pallas as pl
from jax.experimental.pallas import tpu as pltpu
from jax.experimental.pallas import tpu_sc as plsc

B = 4096
VOCAB = 1000000
ND = 13
NS = 26
D = 32
NW = 32
BPW = B // NW
CPW = NS


def _mm_body(d_ref, w_ref, b_ref, o_ref):
    o_ref[...] = (
        jnp.dot(d_ref[...], w_ref[...], preferred_element_type=jnp.float32)
        + b_ref[...]
    )


def _dense_emb(dense, W, b):
    return pl.pallas_call(
        _mm_body,
        out_shape=jax.ShapeDtypeStruct((B, D), jnp.float32),
    )(dense, W, b.reshape(1, D))


RW = 2048
NQ = (VOCAB + 4 * RW - 1) // (4 * RW)
QPAD = NQ * RW


def _repack_body(t_ref, o_ref):
    t = t_ref[...]
    o_ref[...] = jnp.concatenate(
        [t[c * RW:(c + 1) * RW, :] for c in range(4)], axis=1
    )


def _repack_table(table):
    return pl.pallas_call(
        _repack_body,
        grid=(NQ,),
        in_specs=[pl.BlockSpec((4 * RW, D), lambda j: (j, 0))],
        out_specs=pl.BlockSpec((RW, 128), lambda j: (j, 0)),
        out_shape=jax.ShapeDtypeStruct((QPAD, 128), jnp.float32),
    )(table)


def _permute_idx(v):
    return 4 * (RW * (v // (4 * RW)) + v % RW) + (v // RW) % 4


CPAD = 32
SPW = BPW * NS


def _sc_body(idx_hbm, dst_hbm, ddst_hbm, demb_hbm, table_hbm, out_hbm,
             idx_v, dst_v, gbuf, ddst_v, dbuf, sem, sem2):
    wid = lax.axis_index("s") * 2 + lax.axis_index("c")
    pltpu.sync_copy(idx_hbm.at[pl.ds(wid * SPW, SPW)], idx_v)
    pltpu.sync_copy(dst_hbm.at[pl.ds(wid * CPAD, CPAD)], dst_v)
    pltpu.sync_copy(ddst_hbm.at[pl.ds(wid * 8, 8)], ddst_v)
    pltpu.sync_copy(demb_hbm.at[pl.ds(wid * BPW, BPW)], dbuf)
    gathers = []
    for j in range(CPW):
        gathers.append(
            pltpu.async_copy(
                table_hbm.at[idx_v.at[pl.ds(j * 128, 128)]], gbuf.at[j], sem
            )
        )
    for g in gathers:
        g.wait()
    scatters = [pltpu.async_copy(dbuf, out_hbm.at[ddst_v.at[0]], sem2)]
    for j in range(CPW):
        scatters.append(
            pltpu.async_copy(gbuf.at[j], out_hbm.at[dst_v.at[j]], sem2)
        )
    for s in scatters:
        s.wait()


_sc_call = pl.kernel(
    _sc_body,
    out_type=jax.ShapeDtypeStruct((B * 27, D), jnp.float32),
    mesh=plsc.VectorSubcoreMesh(core_axis_name="c", subcore_axis_name="s"),
    compiler_params=pltpu.CompilerParams(use_tc_tiling_on_sc=False),
    scratch_types=[
        pltpu.VMEM((SPW,), jnp.int32),
        pltpu.VMEM((CPAD, 128), jnp.int32),
        pltpu.VMEM((CPW, 128, D), jnp.float32),
        pltpu.VMEM((8, 128), jnp.int32),
        pltpu.VMEM((BPW, D), jnp.float32),
        pltpu.SemaphoreType.DMA,
        pltpu.SemaphoreType.DMA,
    ],
)


def kernel(dense, sparse_idx, table, W, b):
    demb = _dense_emb(dense, W, b)
    table_lin = _repack_table(table).reshape(4 * QPAD, D)
    idx_flat = _permute_idx(sparse_idx).reshape(B * NS)
    p = jnp.arange(B * NS, dtype=jnp.int32)
    dst = (p + p // NS + 1).reshape(NW, CPW, 128)
    dst_pad = jnp.pad(dst, ((0, 0), (0, CPAD - CPW), (0, 0))).reshape(
        NW * CPAD, 128
    )
    ddst = (jnp.arange(B, dtype=jnp.int32) * 27).reshape(NW, 1, 128)
    ddst_pad = jnp.pad(ddst, ((0, 0), (0, 7), (0, 0))).reshape(NW * 8, 128)
    out = _sc_call(idx_flat, dst_pad, ddst_pad, demb, table_lin)
    return out.reshape(B, 27, D)

# --- scband reference (transcript-rebuilt; emitter-appended) ---
"""Pipeline reference for scband-cat-block-88476326298188 (READ-ONLY COPY).

The authoritative reference and input builder live on the scoring server;
editing this copy changes nothing except your own understanding.
"""

import jax, jax.numpy as jnp
import numpy as np

BATCH = 4096
NUM_DENSE = 13
N_SPARSE = 26
VOCAB = 1000000
EMB_DIM = 32


def setup_inputs(seed: int = 0) -> dict:
    key = jax.random.key(seed)
    k1, k2, k3, k4, k5 = jax.random.split(key, 5)
    dense = jax.random.normal(k1, (BATCH, NUM_DENSE), dtype=jnp.float32)
    sparse_idx = jax.random.randint(k2, (BATCH, N_SPARSE), 0, VOCAB, dtype=jnp.int64 if jax.config.jax_enable_x64 else jnp.int32).astype(jnp.int32)
    # learned params: shared sparse embedding table + dense->embedding converter (linear)
    table = jax.random.normal(k3, (VOCAB, EMB_DIM), dtype=jnp.float32) * 0.01
    W = jax.random.normal(k4, (NUM_DENSE, EMB_DIM), dtype=jnp.float32) * (1.0 / np.sqrt(NUM_DENSE))
    b = jnp.zeros((EMB_DIM,), dtype=jnp.float32)
    return {"dense": dense, "sparse_idx": sparse_idx, "table": table, "W": W, "b": b}


def reference(dense, sparse_idx, table, W, b):
    # CatBlock in EMB mode:
    # 1) convert all dense feats to one common-dim embedding via linear converter
    dense_emb = (dense @ W + b)[:, None, :]              # [B, 1, D]
    # 2) embedding lookup for each sparse field (shared hashed table)
    sparse_emb = jnp.take(table, sparse_idx, axis=0)      # [B, n_sparse, D]
    # 3) concatenate into p: [B, 1 + n_sparse, D]; downstream splits per feat_id
    p = jnp.concatenate([dense_emb, sparse_emb], axis=1)
    return p

if __name__ == "__main__":
    import jax
    _d = setup_inputs()
    print(jax.jit(kernel)(*tuple(_d.values())))

</pallas_src>

<mosaic_0001>
#map = affine_map<(d0, d1) -> (0)>
#map1 = affine_map<(d0, d1) -> (0, 0)>
module attributes {stable_mosaic.version = 14 : i64} {
  func.func @_sc_body(%arg0: i32, %arg1: i32, %arg2: memref<106496xi32, #tpu.memory_space<hbm>>, %arg3: memref<1024x128xi32, #tpu.memory_space<hbm>>, %arg4: memref<256x128xi32, #tpu.memory_space<hbm>>, %arg5: memref<4096x32xf32, #tpu.memory_space<hbm>>, %arg6: memref<1007616x32xf32, #tpu.memory_space<hbm>>, %arg7: memref<110592x32xf32, #tpu.memory_space<hbm>>, %arg8: memref<3328xi32, #tpu.memory_space<vmem>>, %arg9: memref<32x128xi32, #tpu.memory_space<vmem>>, %arg10: memref<26x128x32xf32, #tpu.memory_space<vmem>>, %arg11: memref<8x128xi32, #tpu.memory_space<vmem>>, %arg12: memref<128x32xf32, #tpu.memory_space<vmem>>, %arg13: memref<!tpu.dma_semaphore, #tpu.memory_space<semaphore_mem>>, %arg14: memref<!tpu.dma_semaphore, #tpu.memory_space<semaphore_mem>>) attributes {dimension_semantics = [#tpu.dimension_semantics<core_parallel>, #tpu.dimension_semantics<subcore_parallel>], iteration_bounds = array<i64: 2, 16>, scalar_prefetch = 0 : i64, scratch_operands = 7 : i64, tpu.core_type = #tpu.core_type<sc_vector_subcore>, window_params = [{transform_indices = #map}, {transform_indices = #map1}, {transform_indices = #map1}, {transform_indices = #map1}, {transform_indices = #map1}, {transform_indices = #map1}]} {
    %mul3A = arith.constant 2 : i32
    %mul3A_0 = arith.muli %arg1, %mul3A : i32
    %add3A = arith.addi %mul3A_0, %arg0 : i32
    %mul3A_1 = arith.constant 3328 : i32
    %mul3A_2 = arith.muli %add3A, %mul3A_1 : i32
    "tpu.region"() ({
      %run_scoped3A = tpu.sem_alloc : memref<!tpu.dma_semaphore, #tpu.memory_space<semaphore_mem>>
      %dma_start3A_1165 = tpu.memref_slice %arg2[%mul3A_2] : memref<106496xi32, #tpu.memory_space<hbm>> -> memref<3328xi32, #tpu.memory_space<hbm>>
      %dma_start3A_1166 = tpu.memref_slice %arg2[%mul3A_2] : memref<106496xi32, #tpu.memory_space<hbm>> -> memref<3328xi32, #tpu.memory_space<hbm>>
      tpu.enqueue_dma source(%dma_start3A_1166 : memref<3328xi32, #tpu.memory_space<hbm>>) target(%arg8 : memref<3328xi32, #tpu.memory_space<vmem>>) target_semaphore(%run_scoped3A : memref<!tpu.dma_semaphore, #tpu.memory_space<semaphore_mem>>)
      %dma_wait3A_1167 = tpu.memref_slice %arg2[%mul3A_2] : memref<106496xi32, #tpu.memory_space<hbm>> -> memref<3328xi32, #tpu.memory_space<hbm>>
      %dma_wait3A_1168 = tpu.memref_slice %arg2[%mul3A_2] : memref<106496xi32, #tpu.memory_space<hbm>> -> memref<3328xi32, #tpu.memory_space<hbm>>
      tpu.wait_dma2 semaphore(%run_scoped3A : memref<!tpu.dma_semaphore, #tpu.memory_space<semaphore_mem>>) src(%dma_wait3A_1168 : memref<3328xi32, #tpu.memory_space<hbm>>) dst(%arg8 : memref<3328xi32, #tpu.memory_space<vmem>>)
      tpu.yield
    }) : () -> ()
    %mul3A_3 = arith.constant 32 : i32
    %mul3A_4 = arith.muli %add3A, %mul3A_3 : i32
    "tpu.region"() ({
      %run_scoped3A = tpu.sem_alloc : memref<!tpu.dma_semaphore, #tpu.memory_space<semaphore_mem>>
      %dma_start3A_1165 = arith.constant 0 : i32
      %dma_start3A_1166 = tpu.memref_slice %arg3[%mul3A_4, %dma_start3A_1165] : memref<1024x128xi32, #tpu.memory_space<hbm>> -> memref<32x128xi32, #tpu.memory_space<hbm>>
      %dma_start3A_1167 = arith.constant 0 : i32
      %dma_start3A_1168 = tpu.memref_slice %arg3[%mul3A_4, %dma_start3A_1167] : memref<1024x128xi32, #tpu.memory_space<hbm>> -> memref<32x128xi32, #tpu.memory_space<hbm>>
      tpu.enqueue_dma source(%dma_start3A_1168 : memref<32x128xi32, #tpu.memory_space<hbm>>) target(%arg9 : memref<32x128xi32, #tpu.memory_space<vmem>>) target_semaphore(%run_scoped3A : memref<!tpu.dma_semaphore, #tpu.memory_space<semaphore_mem>>)
      %dma_wait3A_1169 = arith.constant 0 : i32
      %dma_wait3A_1170 = tpu.memref_slice %arg3[%mul3A_4, %dma_wait3A_1169] : memref<1024x128xi32, #tpu.memory_space<hbm>> -> memref<32x128xi32, #tpu.memory_space<hbm>>
      %dma_wait3A_1171 = arith.constant 0 : i32
      %dma_wait3A_1172 = tpu.memref_slice %arg3[%mul3A_4, %dma_wait3A_1171] : memref<1024x128xi32, #tpu.memory_space<hbm>> -> memref<32x128xi32, #tpu.memory_space<hbm>>
      tpu.wait_dma2 semaphore(%run_scoped3A : memref<!tpu.dma_semaphore, #tpu.memory_space<semaphore_mem>>) src(%dma_wait3A_1172 : memref<32x128xi32, #tpu.memory_space<hbm>>) dst(%arg9 : memref<32x128xi32, #tpu.memory_space<vmem>>)
      tpu.yield
    }) : () -> ()
    %mul3A_5 = arith.constant 8 : i32
    %mul3A_6 = arith.muli %add3A, %mul3A_5 : i32
    "tpu.region"() ({
      %run_scoped3A = tpu.sem_alloc : memref<!tpu.dma_semaphore, #tpu.memory_space<semaphore_mem>>
      %dma_start3A_1165 = arith.constant 0 : i32
      %dma_start3A_1166 = tpu.memref_slice %arg4[%mul3A_6, %dma_start3A_1165] : memref<256x128xi32, #tpu.memory_space<hbm>> -> memref<8x128xi32, #tpu.memory_space<hbm>>
      %dma_start3A_1167 = arith.constant 0 : i32
      %dma_start3A_1168 = tpu.memref_slice %arg4[%mul3A_6, %dma_start3A_1167] : memref<256x128xi32, #tpu.memory_space<hbm>> -> memref<8x128xi32, #tpu.memory_space<hbm>>
      tpu.enqueue_dma source(%dma_start3A_1168 : memref<8x128xi32, #tpu.memory_space<hbm>>) target(%arg11 : memref<8x128xi32, #tpu.memory_space<vmem>>) target_semaphore(%run_scoped3A : memref<!tpu.dma_semaphore, #tpu.memory_space<semaphore_mem>>)
      %dma_wait3A_1169 = arith.constant 0 : i32
      %dma_wait3A_1170 = tpu.memref_slice %arg4[%mul3A_6, %dma_wait3A_1169] : memref<256x128xi32, #tpu.memory_space<hbm>> -> memref<8x128xi32, #tpu.memory_space<hbm>>
      %dma_wait3A_1171 = arith.constant 0 : i32
      %dma_wait3A_1172 = tpu.memref_slice %arg4[%mul3A_6, %dma_wait3A_1171] : memref<256x128xi32, #tpu.memory_space<hbm>> -> memref<8x128xi32, #tpu.memory_space<hbm>>
      tpu.wait_dma2 semaphore(%run_scoped3A : memref<!tpu.dma_semaphore, #tpu.memory_space<semaphore_mem>>) src(%dma_wait3A_1172 : memref<8x128xi32, #tpu.memory_space<hbm>>) dst(%arg11 : memref<8x128xi32, #tpu.memory_space<vmem>>)
      tpu.yield
    }) : () -> ()
    %mul3A_7 = arith.constant 128 : i32
    %mul3A_8 = arith.muli %add3A, %mul3A_7 : i32
    "tpu.region"() ({
      %run_scoped3A = tpu.sem_alloc : memref<!tpu.dma_semaphore, #tpu.memory_space<semaphore_mem>>
      %dma_start3A_1165 = arith.constant 0 : i32
      %dma_start3A_1166 = tpu.memref_slice %arg5[%mul3A_8, %dma_start3A_1165] : memref<4096x32xf32, #tpu.memory_space<hbm>> -> memref<128x32xf32, #tpu.memory_space<hbm>>
      %dma_start3A_1167 = arith.constant 0 : i32
      %dma_start3A_1168 = tpu.memref_slice %arg5[%mul3A_8, %dma_start3A_1167] : memref<4096x32xf32, #tpu.memory_space<hbm>> -> memref<128x32xf32, #tpu.memory_space<hbm>>
      tpu.enqueue_dma source(%dma_start3A_1168 : memref<128x32xf32, #tpu.memory_space<hbm>>) target(%arg12 : memref<128x32xf32, #tpu.memory_space<vmem>>) target_semaphore(%run_scoped3A : memref<!tpu.dma_semaphore, #tpu.memory_space<semaphore_mem>>)
      %dma_wait3A_1169 = arith.constant 0 : i32
      %dma_wait3A_1170 = tpu.memref_slice %arg5[%mul3A_8, %dma_wait3A_1169] : memref<4096x32xf32, #tpu.memory_space<hbm>> -> memref<128x32xf32, #tpu.memory_space<hbm>>
      %dma_wait3A_1171 = arith.constant 0 : i32
      %dma_wait3A_1172 = tpu.memref_slice %arg5[%mul3A_8, %dma_wait3A_1171] : memref<4096x32xf32, #tpu.memory_space<hbm>> -> memref<128x32xf32, #tpu.memory_space<hbm>>
      tpu.wait_dma2 semaphore(%run_scoped3A : memref<!tpu.dma_semaphore, #tpu.memory_space<semaphore_mem>>) src(%dma_wait3A_1172 : memref<128x32xf32, #tpu.memory_space<hbm>>) dst(%arg12 : memref<128x32xf32, #tpu.memory_space<vmem>>)
      tpu.yield
    }) : () -> ()
    %dma_start3A = arith.constant 0 : i32
    %dma_start3A_9 = arith.constant 0 : i32
    %dma_start3A_10 = arith.constant 0 : i32
    %dma_start3A_11 = tpu.memref_slice %arg10[%dma_start3A, %dma_start3A_9, %dma_start3A_10] : memref<26x128x32xf32, #tpu.memory_space<vmem>> -> memref<1x128x32xf32, #tpu.memory_space<vmem>>
    %dma_start3A_12 = tpu.memref_squeeze %dma_start3A_11 : memref<1x128x32xf32, #tpu.memory_space<vmem>> -> memref<128x32xf32, #tpu.memory_space<vmem>>
    %dma_start3A_13 = arith.constant 0 : i32
    %dma_start3A_14 = tpu.memref_slice %arg8[%dma_start3A_13] : memref<3328xi32, #tpu.memory_space<vmem>> -> memref<128xi32, #tpu.memory_space<vmem>>
    %dma_start3A_15 = arith.constant 0 : i32
    %dma_start3A_16 = arith.constant 0 : i32
    %dma_start3A_17 = tpu.memref_slice %arg6[%dma_start3A_15, %dma_start3A_16] : memref<1007616x32xf32, #tpu.memory_space<hbm>> -> memref<1007616x32xf32, #tpu.memory_space<hbm>>
    tpu.enqueue_indirect_dma source(%dma_start3A_17 : memref<1007616x32xf32, #tpu.memory_space<hbm>>) target(%dma_start3A_12 : memref<128x32xf32, #tpu.memory_space<vmem>>) offsets(%dma_start3A_14 : memref<128xi32, #tpu.memory_space<vmem>>) semaphore(%arg13 : memref<!tpu.dma_semaphore, #tpu.memory_space<semaphore_mem>>)
    %dma_start3A_18 = arith.constant 1 : i32
    %dma_start3A_19 = arith.constant 0 : i32
    %dma_start3A_20 = arith.constant 0 : i32
    %dma_start3A_21 = tpu.memref_slice %arg10[%dma_start3A_18, %dma_start3A_19, %dma_start3A_20] : memref<26x128x32xf32, #tpu.memory_space<vmem>> -> memref<1x128x32xf32, #tpu.memory_space<vmem>>
    %dma_start3A_22 = tpu.memref_squeeze %dma_start3A_21 : memref<1x128x32xf32, #tpu.memory_space<vmem>> -> memref<128x32xf32, #tpu.memory_space<vmem>>
    %dma_start3A_23 = arith.constant 128 : i32
    %dma_start3A_24 = tpu.memref_slice %arg8[%dma_start3A_23] : memref<3328xi32, #tpu.memory_space<vmem>> -> memref<128xi32, #tpu.memory_space<vmem>>
    %dma_start3A_25 = arith.constant 0 : i32
    %dma_start3A_26 = arith.constant 0 : i32
    %dma_start3A_27 = tpu.memref_slice %arg6[%dma_start3A_25, %dma_start3A_26] : memref<1007616x32xf32, #tpu.memory_space<hbm>> -> memref<1007616x32xf32, #tpu.memory_space<hbm>>
    tpu.enqueue_indirect_dma source(%dma_start3A_27 : memref<1007616x32xf32, #tpu.memory_space<hbm>>) target(%dma_start3A_22 : memref<128x32xf32, #tpu.memory_space<vmem>>) offsets(%dma_start3A_24 : memref<128xi32, #tpu.memory_space<vmem>>) semaphore(%arg13 : memref<!tpu.dma_semaphore, #tpu.memory_space<semaphore_mem>>)
    %dma_start3A_28 = arith.constant 2 : i32
    %dma_start3A_29 = arith.constant 0 : i32
    %dma_start3A_30 = arith.constant 0 : i32
    %dma_start3A_31 = tpu.memref_slice %arg10[%dma_start3A_28, %dma_start3A_29, %dma_start3A_30] : memref<26x128x32xf32, #tpu.memory_space<vmem>> -> memref<1x128x32xf32, #tpu.memory_space<vmem>>
    %dma_start3A_32 = tpu.memref_squeeze %dma_start3A_31 : memref<1x128x32xf32, #tpu.memory_space<vmem>> -> memref<128x32xf32, #tpu.memory_space<vmem>>
    %dma_start3A_33 = arith.constant 256 : i32
    %dma_start3A_34 = tpu.memref_slice %arg8[%dma_start3A_33] : memref<3328xi32, #tpu.memory_space<vmem>> -> memref<128xi32, #tpu.memory_space<vmem>>
    %dma_start3A_35 = arith.constant 0 : i32
    %dma_start3A_36 = arith.constant 0 : i32
    %dma_start3A_37 = tpu.memref_slice %arg6[%dma_start3A_35, %dma_start3A_36] : memref<1007616x32xf32, #tpu.memory_space<hbm>> -> memref<1007616x32xf32, #tpu.memory_space<hbm>>
    tpu.enqueue_indirect_dma source(%dma_start3A_37 : memref<1007616x32xf32, #tpu.memory_space<hbm>>) target(%dma_start3A_32 : memref<128x32xf32, #tpu.memory_space<vmem>>) offsets(%dma_start3A_34 : memref<128xi32, #tpu.memory_space<vmem>>) semaphore(%arg13 : memref<!tpu.dma_semaphore, #tpu.memory_space<semaphore_mem>>)
    %dma_start3A_38 = arith.constant 3 : i32
    %dma_start3A_39 = arith.constant 0 : i32
    %dma_start3A_40 = arith.constant 0 : i32
    %dma_start3A_41 = tpu.memref_slice %arg10[%dma_start3A_38, %dma_start3A_39, %dma_start3A_40] : memref<26x128x32xf32, #tpu.memory_space<vmem>> -> memref<1x128x32xf32, #tpu.memory_space<vmem>>
    %dma_start3A_42 = tpu.memref_squeeze %dma_start3A_41 : memref<1x128x32xf32, #tpu.memory_space<vmem>> -> memref<128x32xf32, #tpu.memory_space<vmem>>
    %dma_start3A_43 = arith.constant 384 : i32
    %dma_start3A_44 = tpu.memref_slice %arg8[%dma_start3A_43] : memref<3328xi32, #tpu.memory_space<vmem>> -> memref<128xi32, #tpu.memory_space<vmem>>
    %dma_start3A_45 = arith.constant 0 : i32
    %dma_start3A_46 = arith.constant 0 : i32
    %dma_start3A_47 = tpu.memref_slice %arg6[%dma_start3A_45, %dma_start3A_46] : memref<1007616x32xf32, #tpu.memory_space<hbm>> -> memref<1007616x32xf32, #tpu.memory_space<hbm>>
    tpu.enqueue_indirect_dma source(%dma_start3A_47 : memref<1007616x32xf32, #tpu.memory_space<hbm>>) target(%dma_start3A_42 : memref<128x32xf32, #tpu.memory_space<vmem>>) offsets(%dma_start3A_44 : memref<128xi32, #tpu.memory_space<vmem>>) semaphore(%arg13 : memref<!tpu.dma_semaphore, #tpu.memory_space<semaphore_mem>>)
    %dma_start3A_48 = arith.constant 4 : i32
    %dma_start3A_49 = arith.constant 0 : i32
    %dma_start3A_50 = arith.constant 0 : i32
    %dma_start3A_51 = tpu.memref_slice %arg10[%dma_start3A_48, %dma_start3A_49, %dma_start3A_50] : memref<26x128x32xf32, #tpu.memory_space<vmem>> -> memref<1x128x32xf32, #tpu.memory_space<vmem>>
    %dma_start3A_52 = tpu.memref_squeeze %dma_start3A_51 : memref<1x128x32xf32, #tpu.memory_space<vmem>> -> memref<128x32xf32, #tpu.memory_space<vmem>>
    %dma_start3A_53 = arith.constant 512 : i32
    %dma_start3A_54 = tpu.memref_slice %arg8[%dma_start3A_53] : memref<3328xi32, #tpu.memory_space<vmem>> -> memref<128xi32, #tpu.memory_space<vmem>>
    %dma_start3A_55 = arith.constant 0 : i32
    %dma_start3A_56 = arith.constant 0 : i32
    %dma_start3A_57 = tpu.memref_slice %arg6[%dma_start3A_55, %dma_start3A_56] : memref<1007616x32xf32, #tpu.memory_space<hbm>> -> memref<1007616x32xf32, #tpu.memory_space<hbm>>
    tpu.enqueue_indirect_dma source(%dma_start3A_57 : memref<1007616x32xf32, #tpu.memory_space<hbm>>) target(%dma_start3A_52 : memref<128x32xf32, #tpu.memory_space<vmem>>) offsets(%dma_start3A_54 : memref<128xi32, #tpu.memory_space<vmem>>) semaphore(%arg13 : memref<!tpu.dma_semaphore, #tpu.memory_space<semaphore_mem>>)
    %dma_start3A_58 = arith.constant 5 : i32
    %dma_start3A_59 = arith.constant 0 : i32
    %dma_start3A_60 = arith.constant 0 : i32
    %dma_start3A_61 = tpu.memref_slice %arg10[%dma_start3A_58, %dma_start3A_59, %dma_start3A_60] : memref<26x128x32xf32, #tpu.memory_space<vmem>> -> memref<1x128x32xf32, #tpu.memory_space<vmem>>
    %dma_start3A_62 = tpu.memref_squeeze %dma_start3A_61 : memref<1x128x32xf32, #tpu.memory_space<vmem>> -> memref<128x32xf32, #tpu.memory_space<vmem>>
    %dma_start3A_63 = arith.constant 640 : i32
    %dma_start3A_64 = tpu.memref_slice %arg8[%dma_start3A_63] : memref<3328xi32, #tpu.memory_space<vmem>> -> memref<128xi32, #tpu.memory_space<vmem>>
    %dma_start3A_65 = arith.constant 0 : i32
    %dma_start3A_66 = arith.constant 0 : i32
    %dma_start3A_67 = tpu.memref_slice %arg6[%dma_start3A_65, %dma_start3A_66] : memref<1007616x32xf32, #tpu.memory_space<hbm>> -> memref<1007616x32xf32, #tpu.memory_space<hbm>>
    tpu.enqueue_indirect_dma source(%dma_start3A_67 : memref<1007616x32xf32, #tpu.memory_space<hbm>>) target(%dma_start3A_62 : memref<128x32xf32, #tpu.memory_space<vmem>>) offsets(%dma_start3A_64 : memref<128xi32, #tpu.memory_space<vmem>>) semaphore(%arg13 : memref<!tpu.dma_semaphore, #tpu.memory_space<semaphore_mem>>)
    %dma_start3A_68 = arith.constant 6 : i32
    %dma_start3A_69 = arith.constant 0 : i32
    %dma_start3A_70 = arith.constant 0 : i32
    %dma_start3A_71 = tpu.memref_slice %arg10[%dma_start3A_68, %dma_start3A_69, %dma_start3A_70] : memref<26x128x32xf32, #tpu.memory_space<vmem>> -> memref<1x128x32xf32, #tpu.memory_space<vmem>>
    %dma_start3A_72 = tpu.memref_squeeze %dma_start3A_71 : memref<1x128x32xf32, #tpu.memory_space<vmem>> -> memref<128x32xf32, #tpu.memory_space<vmem>>
    %dma_start3A_73 = arith.constant 768 : i32
    %dma_start3A_74 = tpu.memref_slice %arg8[%dma_start3A_73] : memref<3328xi32, #tpu.memory_space<vmem>> -> memref<128xi32, #tpu.memory_space<vmem>>
    %dma_start3A_75 = arith.constant 0 : i32
    %dma_start3A_76 = arith.constant 0 : i32
    %dma_start3A_77 = tpu.memref_slice %arg6[%dma_start3A_75, %dma_start3A_76] : memref<1007616x32xf32, #tpu.memory_space<hbm>> -> memref<1007616x32xf32, #tpu.memory_space<hbm>>
    tpu.enqueue_indirect_dma source(%dma_start3A_77 : memref<1007616x32xf32, #tpu.memory_space<hbm>>) target(%dma_start3A_72 : memref<128x32xf32, #tpu.memory_space<vmem>>) offsets(%dma_start3A_74 : memref<128xi32, #tpu.memory_space<vmem>>) semaphore(%arg13 : memref<!tpu.dma_semaphore, #tpu.memory_space<semaphore_mem>>)
    %dma_start3A_78 = arith.constant 7 : i32
    %dma_start3A_79 = arith.constant 0 : i32
    %dma_start3A_80 = arith.constant 0 : i32
    %dma_start3A_81 = tpu.memref_slice %arg10[%dma_start3A_78, %dma_start3A_79, %dma_start3A_80] : memref<26x128x32xf32, #tpu.memory_space<vmem>> -> memref<1x128x32xf32, #tpu.memory_space<vmem>>
    %dma_start3A_82 = tpu.memref_squeeze %dma_start3A_81 : memref<1x128x32xf32, #tpu.memory_space<vmem>> -> memref<128x32xf32, #tpu.memory_space<vmem>>
    %dma_start3A_83 = arith.constant 896 : i32
    %dma_start3A_84 = tpu.memref_slice %arg8[%dma_start3A_83] : memref<3328xi32, #tpu.memory_space<vmem>> -> memref<128xi32, #tpu.memory_space<vmem>>
    %dma_start3A_85 = arith.constant 0 : i32
    %dma_start3A_86 = arith.constant 0 : i32
    %dma_start3A_87 = tpu.memref_slice %arg6[%dma_start3A_85, %dma_start3A_86] : memref<1007616x32xf32, #tpu.memory_space<hbm>> -> memref<1007616x32xf32, #tpu.memory_space<hbm>>
    tpu.enqueue_indirect_dma source(%dma_start3A_87 : memref<1007616x32xf32, #tpu.memory_space<hbm>>) target(%dma_start3A_82 : memref<128x32xf32, #tpu.memory_space<vmem>>) offsets(%dma_start3A_84 : memref<128xi32, #tpu.memory_space<vmem>>) semaphore(%arg13 : memref<!tpu.dma_semaphore, #tpu.memory_space<semaphore_mem>>)
    %dma_start3A_88 = arith.constant 8 : i32
    %dma_start3A_89 = arith.constant 0 : i32
    %dma_start3A_90 = arith.constant 0 : i32
    %dma_start3A_91 = tpu.memref_slice %arg10[%dma_start3A_88, %dma_start3A_89, %dma_start3A_90] : memref<26x128x32xf32, #tpu.memory_space<vmem>> -> memref<1x128x32xf32, #tpu.memory_space<vmem>>
    %dma_start3A_92 = tpu.memref_squeeze %dma_start3A_91 : memref<1x128x32xf32, #tpu.memory_space<vmem>> -> memref<128x32xf32, #tpu.memory_space<vmem>>
    %dma_start3A_93 = arith.constant 1024 : i32
    %dma_start3A_94 = tpu.memref_slice %arg8[%dma_start3A_93] : memref<3328xi32, #tpu.memory_space<vmem>> -> memref<128xi32, #tpu.memory_space<vmem>>
    %dma_start3A_95 = arith.constant 0 : i32
    %dma_start3A_96 = arith.constant 0 : i32
    %dma_start3A_97 = tpu.memref_slice %arg6[%dma_start3A_95, %dma_start3A_96] : memref<1007616x32xf32, #tpu.memory_space<hbm>> -> memref<1007616x32xf32, #tpu.memory_space<hbm>>
    tpu.enqueue_indirect_dma source(%dma_start3A_97 : memref<1007616x32xf32, #tpu.memory_space<hbm>>) target(%dma_start3A_92 : memref<128x32xf32, #tpu.memory_space<vmem>>) offsets(%dma_start3A_94 : memref<128xi32, #tpu.memory_space<vmem>>) semaphore(%arg13 : memref<!tpu.dma_semaphore, #tpu.memory_space<semaphore_mem>>)
    %dma_start3A_98 = arith.constant 9 : i32
    %dma_start3A_99 = arith.constant 0 : i32
    %dma_start3A_100 = arith.constant 0 : i32
    %dma_start3A_101 = tpu.memref_slice %arg10[%dma_start3A_98, %dma_start3A_99, %dma_start3A_100] : memref<26x128x32xf32, #tpu.memory_space<vmem>> -> memref<1x128x32xf32, #tpu.memory_space<vmem>>
    %dma_start3A_102 = tpu.memref_squeeze %dma_start3A_101 : memref<1x128x32xf32, #tpu.memory_space<vmem>> -> memref<128x32xf32, #tpu.memory_space<vmem>>
    %dma_start3A_103 = arith.constant 1152 : i32
    %dma_start3A_104 = tpu.memref_slice %arg8[%dma_start3A_103] : memref<3328xi32, #tpu.memory_space<vmem>> -> memref<128xi32, #tpu.memory_space<vmem>>
    %dma_start3A_105 = arith.constant 0 : i32
    %dma_start3A_106 = arith.constant 0 : i32
    %dma_start3A_107 = tpu.memref_slice %arg6[%dma_start3A_105, %dma_start3A_106] : memref<1007616x32xf32, #tpu.memory_space<hbm>> -> memref<1007616x32xf32, #tpu.memory_space<hbm>>
    tpu.enqueue_indirect_dma source(%dma_start3A_107 : memref<1007616x32xf32, #tpu.memory_space<hbm>>) target(%dma_start3A_102 : memref<128x32xf32, #tpu.memory_space<vmem>>) offsets(%dma_start3A_104 : memref<128xi32, #tpu.memory_space<vmem>>) semaphore(%arg13 : memref<!tpu.dma_semaphore, #tpu.memory_space<semaphore_mem>>)
    %dma_start3A_108 = arith.constant 10 : i32
    %dma_start3A_109 = arith.constant 0 : i32
    %dma_start3A_110 = arith.constant 0 : i32
    %dma_start3A_111 = tpu.memref_slice %arg10[%dma_start3A_108, %dma_start3A_109, %dma_start3A_110] : memref<26x128x32xf32, #tpu.memory_space<vmem>> -> memref<1x128x32xf32, #tpu.memory_space<vmem>>
    %dma_start3A_112 = tpu.memref_squeeze %dma_start3A_111 : memref<1x128x32xf32, #tpu.memory_space<vmem>> -> memref<128x32xf32, #tpu.memory_space<vmem>>
    %dma_start3A_113 = arith.constant 1280 : i32
    %dma_start3A_114 = tpu.memref_slice %arg8[%dma_start3A_113] : memref<3328xi32, #tpu.memory_space<vmem>> -> memref<128xi32, #tpu.memory_space<vmem>>
    %dma_start3A_115 = arith.constant 0 : i32
    %dma_start3A_116 = arith.constant 0 : i32
    %dma_start3A_117 = tpu.memref_slice %arg6[%dma_start3A_115, %dma_start3A_116] : memref<1007616x32xf32, #tpu.memory_space<hbm>> -> memref<1007616x32xf32, #tpu.memory_space<hbm>>
    tpu.enqueue_indirect_dma source(%dma_start3A_117 : memref<1007616x32xf32, #tpu.memory_space<hbm>>) target(%dma_start3A_112 : memref<128x32xf32, #tpu.memory_space<vmem>>) offsets(%dma_start3A_114 : memref<128xi32, #tpu.memory_space<vmem>>) semaphore(%arg13 : memref<!tpu.dma_semaphore, #tpu.memory_space<semaphore_mem>>)
    %dma_start3A_118 = arith.constant 11 : i32
    %dma_start3A_119 = arith.constant 0 : i32
    %dma_start3A_120 = arith.constant 0 : i32
    %dma_start3A_121 = tpu.memref_slice %arg10[%dma_start3A_118, %dma_start3A_119, %dma_start3A_120] : memref<26x128x32xf32, #tpu.memory_space<vmem>> -> memref<1x128x32xf32, #tpu.memory_space<vmem>>
    %dma_start3A_122 = tpu.memref_squeeze %dma_start3A_121 : memref<1x128x32xf32, #tpu.memory_space<vmem>> -> memref<128x32xf32, #tpu.memory_space<vmem>>
    %dma_start3A_123 = arith.constant 1408 : i32
    %dma_start3A_124 = tpu.memref_slice %arg8[%dma_start3A_123] : memref<3328xi32, #tpu.memory_space<vmem>> -> memref<128xi32, #tpu.memory_space<vmem>>
    %dma_start3A_125 = arith.constant 0 : i32
    %dma_start3A_126 = arith.constant 0 : i32
    %dma_start3A_127 = tpu.memref_slice %arg6[%dma_start3A_125, %dma_start3A_126] : memref<1007616x32xf32, #tpu.memory_space<hbm>> -> memref<1007616x32xf32, #tpu.memory_space<hbm>>
    tpu.enqueue_indirect_dma source(%dma_start3A_127 : memref<1007616x32xf32, #tpu.memory_space<hbm>>) target(%dma_start3A_122 : memref<128x32xf32, #tpu.memory_space<vmem>>) offsets(%dma_start3A_124 : memref<128xi32, #tpu.memory_space<vmem>>) semaphore(%arg13 : memref<!tpu.dma_semaphore, #tpu.memory_space<semaphore_mem>>)
    %dma_start3A_128 = arith.constant 12 : i32
    %dma_start3A_129 = arith.constant 0 : i32
    %dma_start3A_130 = arith.constant 0 : i32
    %dma_start3A_131 = tpu.memref_slice %arg10[%dma_start3A_128, %dma_start3A_129, %dma_start3A_130] : memref<26x128x32xf32, #tpu.memory_space<vmem>> -> memref<1x128x32xf32, #tpu.memory_space<vmem>>
    %dma_start3A_132 = tpu.memref_squeeze %dma_start3A_131 : memref<1x128x32xf32, #tpu.memory_space<vmem>> -> memref<128x32xf32, #tpu.memory_space<vmem>>
    %dma_start3A_133 = arith.constant 1536 : i32
    %dma_start3A_134 = tpu.memref_slice %arg8[%dma_start3A_133] : memref<3328xi32, #tpu.memory_space<vmem>> -> memref<128xi32, #tpu.memory_space<vmem>>
    %dma_start3A_135 = arith.constant 0 : i32
    %dma_start3A_136 = arith.constant 0 : i32
    %dma_start3A_137 = tpu.memref_slice %arg6[%dma_start3A_135, %dma_start3A_136] : memref<1007616x32xf32, #tpu.memory_space<hbm>> -> memref<1007616x32xf32, #tpu.memory_space<hbm>>
    tpu.enqueue_indirect_dma source(%dma_start3A_137 : memref<1007616x32xf32, #tpu.memory_space<hbm>>) target(%dma_start3A_132 : memref<128x32xf32, #tpu.memory_space<vmem>>) offsets(%dma_start3A_134 : memref<128xi32, #tpu.memory_space<vmem>>) semaphore(%arg13 : memref<!tpu.dma_semaphore, #tpu.memory_space<semaphore_mem>>)
    %dma_start3A_138 = arith.constant 13 : i32
    %dma_start3A_139 = arith.constant 0 : i32
    %dma_start3A_140 = arith.constant 0 : i32
    %dma_start3A_141 = tpu.memref_slice %arg10[%dma_start3A_138, %dma_start3A_139, %dma_start3A_140] : memref<26x128x32xf32, #tpu.memory_space<vmem>> -> memref<1x128x32xf32, #tpu.memory_space<vmem>>
    %dma_start3A_142 = tpu.memref_squeeze %dma_start3A_141 : memref<1x128x32xf32, #tpu.memory_space<vmem>> -> memref<128x32xf32, #tpu.memory_space<vmem>>
    %dma_start3A_143 = arith.constant 1664 : i32
    %dma_start3A_144 = tpu.memref_slice %arg8[%dma_start3A_143] : memref<3328xi32, #tpu.memory_space<vmem>> -> memref<128xi32, #tpu.memory_space<vmem>>
    %dma_start3A_145 = arith.constant 0 : i32
    %dma_start3A_146 = arith.constant 0 : i32
    %dma_start3A_147 = tpu.memref_slice %arg6[%dma_start3A_145, %dma_start3A_146] : memref<1007616x32xf32, #tpu.memory_space<hbm>> -> memref<1007616x32xf32, #tpu.memory_space<hbm>>
    tpu.enqueue_indirect_dma source(%dma_start3A_147 : memref<1007616x32xf32, #tpu.memory_space<hbm>>) target(%dma_start3A_142 : memref<128x32xf32, #tpu.memory_space<vmem>>) offsets(%dma_start3A_144 : memref<128xi32, #tpu.memory_space<vmem>>) semaphore(%arg13 : memref<!tpu.dma_semaphore, #tpu.memory_space<semaphore_mem>>)
    %dma_start3A_148 = arith.constant 14 : i32
    %dma_start3A_149 = arith.constant 0 : i32
    %dma_start3A_150 = arith.constant 0 : i32
    %dma_start3A_151 = tpu.memref_slice %arg10[%dma_start3A_148, %dma_start3A_149, %dma_start3A_150] : memref<26x128x32xf32, #tpu.memory_space<vmem>> -> memref<1x128x32xf32, #tpu.memory_space<vmem>>
    %dma_start3A_152 = tpu.memref_squeeze %dma_start3A_151 : memref<1x128x32xf32, #tpu.memory_space<vmem>> -> memref<128x32xf32, #tpu.memory_space<vmem>>
    %dma_start3A_153 = arith.constant 1792 : i32
    %dma_start3A_154 = tpu.memref_slice %arg8[%dma_start3A_153] : memref<3328xi32, #tpu.memory_space<vmem>> -> memref<128xi32, #tpu.memory_space<vmem>>
    %dma_start3A_155 = arith.constant 0 : i32
    %dma_start3A_156 = arith.constant 0 : i32
    %dma_start3A_157 = tpu.memref_slice %arg6[%dma_start3A_155, %dma_start3A_156] : memref<1007616x32xf32, #tpu.memory_space<hbm>> -> memref<1007616x32xf32, #tpu.memory_space<hbm>>
    tpu.enqueue_indirect_dma source(%dma_start3A_157 : memref<1007616x32xf32, #tpu.memory_space<hbm>>) target(%dma_start3A_152 : memref<128x32xf32, #tpu.memory_space<vmem>>) offsets(%dma_start3A_154 : memref<128xi32, #tpu.memory_space<vmem>>) semaphore(%arg13 : memref<!tpu.dma_semaphore, #tpu.memory_space<semaphore_mem>>)
    %dma_start3A_158 = arith.constant 15 : i32
    %dma_start3A_159 = arith.constant 0 : i32
    %dma_start3A_160 = arith.constant 0 : i32
    %dma_start3A_161 = tpu.memref_slice %arg10[%dma_start3A_158, %dma_start3A_159, %dma_start3A_160] : memref<26x128x32xf32, #tpu.memory_space<vmem>> -> memref<1x128x32xf32, #tpu.memory_space<vmem>>
    %dma_start3A_162 = tpu.memref_squeeze %dma_start3A_161 : memref<1x128x32xf32, #tpu.memory_space<vmem>> -> memref<128x32xf32, #tpu.memory_space<vmem>>
    %dma_start3A_163 = arith.constant 1920 : i32
    %dma_start3A_164 = tpu.memref_slice %arg8[%dma_start3A_163] : memref<3328xi32, #tpu.memory_space<vmem>> -> memref<128xi32, #tpu.memory_space<vmem>>
    %dma_start3A_165 = arith.constant 0 : i32
    %dma_start3A_166 = arith.constant 0 : i32
    %dma_start3A_167 = tpu.memref_slice %arg6[%dma_start3A_165, %dma_start3A_166] : memref<1007616x32xf32, #tpu.memory_space<hbm>> -> memref<1007616x32xf32, #tpu.memory_space<hbm>>
    tpu.enqueue_indirect_dma source(%dma_start3A_167 : memref<1007616x32xf32, #tpu.memory_space<hbm>>) target(%dma_start3A_162 : memref<128x32xf32, #tpu.memory_space<vmem>>) offsets(%dma_start3A_164 : memref<128xi32, #tpu.memory_space<vmem>>) semaphore(%arg13 : memref<!tpu.dma_semaphore, #tpu.memory_space<semaphore_mem>>)
    %dma_start3A_168 = arith.constant 16 : i32
    %dma_start3A_169 = arith.constant 0 : i32
    %dma_start3A_170 = arith.constant 0 : i32
    %dma_start3A_171 = tpu.memref_slice %arg10[%dma_start3A_168, %dma_start3A_169, %dma_start3A_170] : memref<26x128x32xf32, #tpu.memory_space<vmem>> -> memref<1x128x32xf32, #tpu.memory_space<vmem>>
    %dma_start3A_172 = tpu.memref_squeeze %dma_start3A_171 : memref<1x128x32xf32, #tpu.memory_space<vmem>> -> memref<128x32xf32, #tpu.memory_space<vmem>>
    %dma_start3A_173 = arith.constant 2048 : i32
    %dma_start3A_174 = tpu.memref_slice %arg8[%dma_start3A_173] : memref<3328xi32, #tpu.memory_space<vmem>> -> memref<128xi32, #tpu.memory_space<vmem>>
    %dma_start3A_175 = arith.constant 0 : i32
    %dma_start3A_176 = arith.constant 0 : i32
    %dma_start3A_177 = tpu.memref_slice %arg6[%dma_start3A_175, %dma_start3A_176] : memref<1007616x32xf32, #tpu.memory_space<hbm>> -> memref<1007616x32xf32, #tpu.memory_space<hbm>>
    tpu.enqueue_indirect_dma source(%dma_start3A_177 : memref<1007616x32xf32, #tpu.memory_space<hbm>>) target(%dma_start3A_172 : memref<128x32xf32, #tpu.memory_space<vmem>>) offsets(%dma_start3A_174 : memref<128xi32, #tpu.memory_space<vmem>>) semaphore(%arg13 : memref<!tpu.dma_semaphore, #tpu.memory_space<semaphore_mem>>)
    %dma_start3A_178 = arith.constant 17 : i32
    %dma_start3A_179 = arith.constant 0 : i32
    %dma_start3A_180 = arith.constant 0 : i32
    %dma_start3A_181 = tpu.memref_slice %arg10[%dma_start3A_178, %dma_start3A_179, %dma_start3A_180] : memref<26x128x32xf32, #tpu.memory_space<vmem>> -> memref<1x128x32xf32, #tpu.memory_space<vmem>>
    %dma_start3A_182 = tpu.memref_squeeze %dma_start3A_181 : memref<1x128x32xf32, #tpu.memory_space<vmem>> -> memref<128x32xf32, #tpu.memory_space<vmem>>
    %dma_start3A_183 = arith.constant 2176 : i32
    %dma_start3A_184 = tpu.memref_slice %arg8[%dma_start3A_183] : memref<3328xi32, #tpu.memory_space<vmem>> -> memref<128xi32, #tpu.memory_space<vmem>>
    %dma_start3A_185 = arith.constant 0 : i32
    %dma_start3A_186 = arith.constant 0 : i32
    %dma_start3A_187 = tpu.memref_slice %arg6[%dma_start3A_185, %dma_start3A_186] : memref<1007616x32xf32, #tpu.memory_space<hbm>> -> memref<1007616x32xf32, #tpu.memory_space<hbm>>
    tpu.enqueue_indirect_dma source(%dma_start3A_187 : memref<1007616x32xf32, #tpu.memory_space<hbm>>) target(%dma_start3A_182 : memref<128x32xf32, #tpu.memory_space<vmem>>) offsets(%dma_start3A_184 : memref<128xi32, #tpu.memory_space<vmem>>) semaphore(%arg13 : memref<!tpu.dma_semaphore, #tpu.memory_space<semaphore_mem>>)
    %dma_start3A_188 = arith.constant 18 : i32
    %dma_start3A_189 = arith.constant 0 : i32
    %dma_start3A_190 = arith.constant 0 : i32
    %dma_start3A_191 = tpu.memref_slice %arg10[%dma_start3A_188, %dma_start3A_189, %dma_start3A_190] : memref<26x128x32xf32, #tpu.memory_space<vmem>> -> memref<1x128x32xf32, #tpu.memory_space<vmem>>
    %dma_start3A_192 = tpu.memref_squeeze %dma_start3A_191 : memref<1x128x32xf32, #tpu.memory_space<vmem>> -> memref<128x32xf32, #tpu.memory_space<vmem>>
    %dma_start3A_193 = arith.constant 2304 : i32
    %dma_start3A_194 = tpu.memref_slice %arg8[%dma_start3A_193] : memref<3328xi32, #tpu.memory_space<vmem>> -> memref<128xi32, #tpu.memory_space<vmem>>
    %dma_start3A_195 = arith.constant 0 : i32
    %dma_start3A_196 = arith.constant 0 : i32
    %dma_start3A_197 = tpu.memref_slice %arg6[%dma_start3A_195, %dma_start3A_196] : memref<1007616x32xf32, #tpu.memory_space<hbm>> -> memref<1007616x32xf32, #tpu.memory_space<hbm>>
    tpu.enqueue_indirect_dma source(%dma_start3A_197 : memref<1007616x32xf32, #tpu.memory_space<hbm>>) target(%dma_start3A_192 : memref<128x32xf32, #tpu.memory_space<vmem>>) offsets(%dma_start3A_194 : memref<128xi32, #tpu.memory_space<vmem>>) semaphore(%arg13 : memref<!tpu.dma_semaphore, #tpu.memory_space<semaphore_mem>>)
    %dma_start3A_198 = arith.constant 19 : i32
    %dma_start3A_199 = arith.constant 0 : i32
    %dma_start3A_200 = arith.constant 0 : i32
    %dma_start3A_201 = tpu.memref_slice %arg10[%dma_start3A_198, %dma_start3A_199, %dma_start3A_200] : memref<26x128x32xf32, #tpu.memory_space<vmem>> -> memref<1x128x32xf32, #tpu.memory_space<vmem>>
    %dma_start3A_202 = tpu.memref_squeeze %dma_start3A_201 : memref<1x128x32xf32, #tpu.memory_space<vmem>> -> memref<128x32xf32, #tpu.memory_space<vmem>>
    %dma_start3A_203 = arith.constant 2432 : i32
    %dma_start3A_204 = tpu.memref_slice %arg8[%dma_start3A_203] : memref<3328xi32, #tpu.memory_space<vmem>> -> memref<128xi32, #tpu.memory_space<vmem>>
    %dma_start3A_205 = arith.constant 0 : i32
    %dma_start3A_206 = arith.constant 0 : i32
    %dma_start3A_207 = tpu.memref_slice %arg6[%dma_start3A_205, %dma_start3A_206] : memref<1007616x32xf32, #tpu.memory_space<hbm>> -> memref<1007616x32xf32, #tpu.memory_space<hbm>>
    tpu.enqueue_indirect_dma source(%dma_start3A_207 : memref<1007616x32xf32, #tpu.memory_space<hbm>>) target(%dma_start3A_202 : memref<128x32xf32, #tpu.memory_space<vmem>>) offsets(%dma_start3A_204 : memref<128xi32, #tpu.memory_space<vmem>>) semaphore(%arg13 : memref<!tpu.dma_semaphore, #tpu.memory_space<semaphore_mem>>)
    %dma_start3A_208 = arith.constant 20 : i32
    %dma_start3A_209 = arith.constant 0 : i32
    %dma_start3A_210 = arith.constant 0 : i32
    %dma_start3A_211 = tpu.memref_slice %arg10[%dma_start3A_208, %dma_start3A_209, %dma_start3A_210] : memref<26x128x32xf32, #tpu.memory_space<vmem>> -> memref<1x128x32xf32, #tpu.memory_space<vmem>>
    %dma_start3A_212 = tpu.memref_squeeze %dma_start3A_211 : memref<1x128x32xf32, #tpu.memory_space<vmem>> -> memref<128x32xf32, #tpu.memory_space<vmem>>
    %dma_start3A_213 = arith.constant 2560 : i32
    %dma_start3A_214 = tpu.memref_slice %arg8[%dma_start3A_213] : memref<3328xi32, #tpu.memory_space<vmem>> -> memref<128xi32, #tpu.memory_space<vmem>>
    %dma_start3A_215 = arith.constant 0 : i32
    %dma_start3A_216 = arith.constant 0 : i32
    %dma_start3A_217 = tpu.memref_slice %arg6[%dma_start3A_215, %dma_start3A_216] : memref<1007616x32xf32, #tpu.memory_space<hbm>> -> memref<1007616x32xf32, #tpu.memory_space<hbm>>
    tpu.enqueue_indirect_dma source(%dma_start3A_217 : memref<1007616x32xf32, #tpu.memory_space<hbm>>) target(%dma_start3A_212 : memref<128x32xf32, #tpu.memory_space<vmem>>) offsets(%dma_start3A_214 : memref<128xi32, #tpu.memory_space<vmem>>) semaphore(%arg13 : memref<!tpu.dma_semaphore, #tpu.memory_space<semaphore_mem>>)
    %dma_start3A_218 = arith.constant 21 : i32
    %dma_start3A_219 = arith.constant 0 : i32
    %dma_start3A_220 = arith.constant 0 : i32
    %dma_start3A_221 = tpu.memref_slice %arg10[%dma_start3A_218, %dma_start3A_219, %dma_start3A_220] : memref<26x128x32xf32, #tpu.memory_space<vmem>> -> memref<1x128x32xf32, #tpu.memory_space<vmem>>
    %dma_start3A_222 = tpu.memref_squeeze %dma_start3A_221 : memref<1x128x32xf32, #tpu.memory_space<vmem>> -> memref<128x32xf32, #tpu.memory_space<vmem>>
    %dma_start3A_223 = arith.constant 2688 : i32
    %dma_start3A_224 = tpu.memref_slice %arg8[%dma_start3A_223] : memref<3328xi32, #tpu.memory_space<vmem>> -> memref<128xi32, #tpu.memory_space<vmem>>
    %dma_start3A_225 = arith.constant 0 : i32
    %dma_start3A_226 = arith.constant 0 : i32
    %dma_start3A_227 = tpu.memref_slice %arg6[%dma_start3A_225, %dma_start3A_226] : memref<1007616x32xf32, #tpu.memory_space<hbm>> -> memref<1007616x32xf32, #tpu.memory_space<hbm>>
    tpu.enqueue_indirect_dma source(%dma_start3A_227 : memref<1007616x32xf32, #tpu.memory_space<hbm>>) target(%dma_start3A_222 : memref<128x32xf32, #tpu.memory_space<vmem>>) offsets(%dma_start3A_224 : memref<128xi32, #tpu.memory_space<vmem>>) semaphore(%arg13 : memref<!tpu.dma_semaphore, #tpu.memory_space<semaphore_mem>>)
    %dma_start3A_228 = arith.constant 22 : i32
    %dma_start3A_229 = arith.constant 0 : i32
    %dma_start3A_230 = arith.constant 0 : i32
    %dma_start3A_231 = tpu.memref_slice %arg10[%dma_start3A_228, %dma_start3A_229, %dma_start3A_230] : memref<26x128x32xf32, #tpu.memory_space<vmem>> -> memref<1x128x32xf32, #tpu.memory_space<vmem>>
    %dma_start3A_232 = tpu.memref_squeeze %dma_start3A_231 : memref<1x128x32xf32, #tpu.memory_space<vmem>> -> memref<128x32xf32, #tpu.memory_space<vmem>>
    %dma_start3A_233 = arith.constant 2816 : i32
    %dma_start3A_234 = tpu.memref_slice %arg8[%dma_start3A_233] : memref<3328xi32, #tpu.memory_space<vmem>> -> memref<128xi32, #tpu.memory_space<vmem>>
    %dma_start3A_235 = arith.constant 0 : i32
    %dma_start3A_236 = arith.constant 0 : i32
    %dma_start3A_237 = tpu.memref_slice %arg6[%dma_start3A_235, %dma_start3A_236] : memref<1007616x32xf32, #tpu.memory_space<hbm>> -> memref<1007616x32xf32, #tpu.memory_space<hbm>>
    tpu.enqueue_indirect_dma source(%dma_start3A_237 : memref<1007616x32xf32, #tpu.memory_space<hbm>>) target(%dma_start3A_232 : memref<128x32xf32, #tpu.memory_space<vmem>>) offsets(%dma_start3A_234 : memref<128xi32, #tpu.memory_space<vmem>>) semaphore(%arg13 : memref<!tpu.dma_semaphore, #tpu.memory_space<semaphore_mem>>)
    %dma_start3A_238 = arith.constant 23 : i32
    %dma_start3A_239 = arith.constant 0 : i32
    %dma_start3A_240 = arith.constant 0 : i32
    %dma_start3A_241 = tpu.memref_slice %arg10[%dma_start3A_238, %dma_start3A_239, %dma_start3A_240] : memref<26x128x32xf32, #tpu.memory_space<vmem>> -> memref<1x128x32xf32, #tpu.memory_space<vmem>>
    %dma_start3A_242 = tpu.memref_squeeze %dma_start3A_241 : memref<1x128x32xf32, #tpu.memory_space<vmem>> -> memref<128x32xf32, #tpu.memory_space<vmem>>
    %dma_start3A_243 = arith.constant 2944 : i32
    %dma_start3A_244 = tpu.memref_slice %arg8[%dma_start3A_243] : memref<3328xi32, #tpu.memory_space<vmem>> -> memref<128xi32, #tpu.memory_space<vmem>>
    %dma_start3A_245 = arith.constant 0 : i32
    %dma_start3A_246 = arith.constant 0 : i32
    %dma_start3A_247 = tpu.memref_slice %arg6[%dma_start3A_245, %dma_start3A_246] : memref<1007616x32xf32, #tpu.memory_space<hbm>> -> memref<1007616x32xf32, #tpu.memory_space<hbm>>
    tpu.enqueue_indirect_dma source(%dma_start3A_247 : memref<1007616x32xf32, #tpu.memory_space<hbm>>) target(%dma_start3A_242 : memref<128x32xf32, #tpu.memory_space<vmem>>) offsets(%dma_start3A_244 : memref<128xi32, #tpu.memory_space<vmem>>) semaphore(%arg13 : memref<!tpu.dma_semaphore, #tpu.memory_space<semaphore_mem>>)
    %dma_start3A_248 = arith.constant 24 : i32
    %dma_start3A_249 = arith.constant 0 : i32
    %dma_start3A_250 = arith.constant 0 : i32
    %dma_start3A_251 = tpu.memref_slice %arg10[%dma_start3A_248, %dma_start3A_249, %dma_start3A_250] : memref<26x128x32xf32, #tpu.memory_space<vmem>> -> memref<1x128x32xf32, #tpu.memory_space<vmem>>
    %dma_start3A_252 = tpu.memref_squeeze %dma_start3A_251 : memref<1x128x32xf32, #tpu.memory_space<vmem>> -> memref<128x32xf32, #tpu.memory_space<vmem>>
    %dma_start3A_253 = arith.constant 3072 : i32
    %dma_start3A_254 = tpu.memref_slice %arg8[%dma_start3A_253] : memref<3328xi32, #tpu.memory_space<vmem>> -> memref<128xi32, #tpu.memory_space<vmem>>
    %dma_start3A_255 = arith.constant 0 : i32
    %dma_start3A_256 = arith.constant 0 : i32
    %dma_start3A_257 = tpu.memref_slice %arg6[%dma_start3A_255, %dma_start3A_256] : memref<1007616x32xf32, #tpu.memory_space<hbm>> -> memref<1007616x32xf32, #tpu.memory_space<hbm>>
    tpu.enqueue_indirect_dma source(%dma_start3A_257 : memref<1007616x32xf32, #tpu.memory_space<hbm>>) target(%dma_start3A_252 : memref<128x32xf32, #tpu.memory_space<vmem>>) offsets(%dma_start3A_254 : memref<128xi32, #tpu.memory_space<vmem>>) semaphore(%arg13 : memref<!tpu.dma_semaphore, #tpu.memory_space<semaphore_mem>>)
    %dma_start3A_258 = arith.constant 25 : i32
    %dma_start3A_259 = arith.constant 0 : i32
    %dma_start3A_260 = arith.constant 0 : i32
    %dma_start3A_261 = tpu.memref_slice %arg10[%dma_start3A_258, %dma_start3A_259, %dma_start3A_260] : memref<26x128x32xf32, #tpu.memory_space<vmem>> -> memref<1x128x32xf32, #tpu.memory_space<vmem>>
    %dma_start3A_262 = tpu.memref_squeeze %dma_start3A_261 : memref<1x128x32xf32, #tpu.memory_space<vmem>> -> memref<128x32xf32, #tpu.memory_space<vmem>>
    %dma_start3A_263 = arith.constant 3200 : i32
    %dma_start3A_264 = tpu.memref_slice %arg8[%dma_start3A_263] : memref<3328xi32, #tpu.memory_space<vmem>> -> memref<128xi32, #tpu.memory_space<vmem>>
    %dma_start3A_265 = arith.constant 0 : i32
    %dma_start3A_266 = arith.constant 0 : i32
    %dma_start3A_267 = tpu.memref_slice %arg6[%dma_start3A_265, %dma_start3A_266] : memref<1007616x32xf32, #tpu.memory_space<hbm>> -> memref<1007616x32xf32, #tpu.memory_space<hbm>>
    tpu.enqueue_indirect_dma source(%dma_start3A_267 : memref<1007616x32xf32, #tpu.memory_space<hbm>>) target(%dma_start3A_262 : memref<128x32xf32, #tpu.memory_space<vmem>>) offsets(%dma_start3A_264 : memref<128xi32, #tpu.memory_space<vmem>>) semaphore(%arg13 : memref<!tpu.dma_semaphore, #tpu.memory_space<semaphore_mem>>)
    %dma_wait3A = arith.constant 0 : i32
    %dma_wait3A_268 = arith.constant 0 : i32
    %dma_wait3A_269 = arith.constant 0 : i32
    %dma_wait3A_270 = tpu.memref_slice %arg10[%dma_wait3A, %dma_wait3A_268, %dma_wait3A_269] : memref<26x128x32xf32, #tpu.memory_space<vmem>> -> memref<1x128x32xf32, #tpu.memory_space<vmem>>
    %dma_wait3A_271 = tpu.memref_squeeze %dma_wait3A_270 : memref<1x128x32xf32, #tpu.memory_space<vmem>> -> memref<128x32xf32, #tpu.memory_space<vmem>>
    %dma_wait3A_272 = arith.constant 0 : i32
    %dma_wait3A_273 = tpu.memref_slice %arg8[%dma_wait3A_272] : memref<3328xi32, #tpu.memory_space<vmem>> -> memref<128xi32, #tpu.memory_space<vmem>>
    %dma_wait3A_274 = arith.constant 0 : i32
    %dma_wait3A_275 = arith.constant 0 : i32
    %dma_wait3A_276 = tpu.memref_slice %arg6[%dma_wait3A_274, %dma_wait3A_275] : memref<1007616x32xf32, #tpu.memory_space<hbm>> -> memref<1007616x32xf32, #tpu.memory_space<hbm>>
    tpu.wait_indirect_dma semaphore(%arg13 : memref<!tpu.dma_semaphore, #tpu.memory_space<semaphore_mem>>) src(%dma_wait3A_276 : memref<1007616x32xf32, #tpu.memory_space<hbm>>) dst(%dma_wait3A_271 : memref<128x32xf32, #tpu.memory_space<vmem>>)
    %dma_wait3A_277 = arith.constant 1 : i32
    %dma_wait3A_278 = arith.constant 0 : i32
    %dma_wait3A_279 = arith.constant 0 : i32
    %dma_wait3A_280 = tpu.memref_slice %arg10[%dma_wait3A_277, %dma_wait3A_278, %dma_wait3A_279] : memref<26x128x32xf32, #tpu.memory_space<vmem>> -> memref<1x128x32xf32, #tpu.memory_space<vmem>>
    %dma_wait3A_281 = tpu.memref_squeeze %dma_wait3A_280 : memref<1x128x32xf32, #tpu.memory_space<vmem>> -> memref<128x32xf32, #tpu.memory_space<vmem>>
    %dma_wait3A_282 = arith.constant 128 : i32
    %dma_wait3A_283 = tpu.memref_slice %arg8[%dma_wait3A_282] : memref<3328xi32, #tpu.memory_space<vmem>> -> memref<128xi32, #tpu.memory_space<vmem>>
    %dma_wait3A_284 = arith.constant 0 : i32
    %dma_wait3A_285 = arith.constant 0 : i32
    %dma_wait3A_286 = tpu.memref_slice %arg6[%dma_wait3A_284, %dma_wait3A_285] : memref<1007616x32xf32, #tpu.memory_space<hbm>> -> memref<1007616x32xf32, #tpu.memory_space<hbm>>
    tpu.wait_indirect_dma semaphore(%arg13 : memref<!tpu.dma_semaphore, #tpu.memory_space<semaphore_mem>>) src(%dma_wait3A_286 : memref<1007616x32xf32, #tpu.memory_space<hbm>>) dst(%dma_wait3A_281 : memref<128x32xf32, #tpu.memory_space<vmem>>)
    %dma_wait3A_287 = arith.constant 2 : i32
    %dma_wait3A_288 = arith.constant 0 : i32
    %dma_wait3A_289 = arith.constant 0 : i32
    %dma_wait3A_290 = tpu.memref_slice %arg10[%dma_wait3A_287, %dma_wait3A_288, %dma_wait3A_289] : memref<26x128x32xf32, #tpu.memory_space<vmem>> -> memref<1x128x32xf32, #tpu.memory_space<vmem>>
    %dma_wait3A_291 = tpu.memref_squeeze %dma_wait3A_290 : memref<1x128x32xf32, #tpu.memory_space<vmem>> -> memref<128x32xf32, #tpu.memory_space<vmem>>
    %dma_wait3A_292 = arith.constant 256 : i32
    %dma_wait3A_293 = tpu.memref_slice %arg8[%dma_wait3A_292] : memref<3328xi32, #tpu.memory_space<vmem>> -> memref<128xi32, #tpu.memory_space<vmem>>
    %dma_wait3A_294 = arith.constant 0 : i32
    %dma_wait3A_295 = arith.constant 0 : i32
    %dma_wait3A_296 = tpu.memref_slice %arg6[%dma_wait3A_294, %dma_wait3A_295] : memref<1007616x32xf32, #tpu.memory_space<hbm>> -> memref<1007616x32xf32, #tpu.memory_space<hbm>>
    tpu.wait_indirect_dma semaphore(%arg13 : memref<!tpu.dma_semaphore, #tpu.memory_space<semaphore_mem>>) src(%dma_wait3A_296 : memref<1007616x32xf32, #tpu.memory_space<hbm>>) dst(%dma_wait3A_291 : memref<128x32xf32, #tpu.memory_space<vmem>>)
    %dma_wait3A_297 = arith.constant 3 : i32
    %dma_wait3A_298 = arith.constant 0 : i32
    %dma_wait3A_299 = arith.constant 0 : i32
    %dma_wait3A_300 = tpu.memref_slice %arg10[%dma_wait3A_297, %dma_wait3A_298, %dma_wait3A_299] : memref<26x128x32xf32, #tpu.memory_space<vmem>> -> memref<1x128x32xf32, #tpu.memory_space<vmem>>
    %dma_wait3A_301 = tpu.memref_squeeze %dma_wait3A_300 : memref<1x128x32xf32, #tpu.memory_space<vmem>> -> memref<128x32xf32, #tpu.memory_space<vmem>>
    %dma_wait3A_302 = arith.constant 384 : i32
    %dma_wait3A_303 = tpu.memref_slice %arg8[%dma_wait3A_302] : memref<3328xi32, #tpu.memory_space<vmem>> -> memref<128xi32, #tpu.memory_space<vmem>>
    %dma_wait3A_304 = arith.constant 0 : i32
    %dma_wait3A_305 = arith.constant 0 : i32
    %dma_wait3A_306 = tpu.memref_slice %arg6[%dma_wait3A_304, %dma_wait3A_305] : memref<1007616x32xf32, #tpu.memory_space<hbm>> -> memref<1007616x32xf32, #tpu.memory_space<hbm>>
    tpu.wait_indirect_dma semaphore(%arg13 : memref<!tpu.dma_semaphore, #tpu.memory_space<semaphore_mem>>) src(%dma_wait3A_306 : memref<1007616x32xf32, #tpu.memory_space<hbm>>) dst(%dma_wait3A_301 : memref<128x32xf32, #tpu.memory_space<vmem>>)
    %dma_wait3A_307 = arith.constant 4 : i32
    %dma_wait3A_308 = arith.constant 0 : i32
    %dma_wait3A_309 = arith.constant 0 : i32
    %dma_wait3A_310 = tpu.memref_slice %arg10[%dma_wait3A_307, %dma_wait3A_308, %dma_wait3A_309] : memref<26x128x32xf32, #tpu.memory_space<vmem>> -> memref<1x128x32xf32, #tpu.memory_space<vmem>>
    %dma_wait3A_311 = tpu.memref_squeeze %dma_wait3A_310 : memref<1x128x32xf32, #tpu.memory_space<vmem>> -> memref<128x32xf32, #tpu.memory_space<vmem>>
    %dma_wait3A_312 = arith.constant 512 : i32
    %dma_wait3A_313 = tpu.memref_slice %arg8[%dma_wait3A_312] : memref<3328xi32, #tpu.memory_space<vmem>> -> memref<128xi32, #tpu.memory_space<vmem>>
    %dma_wait3A_314 = arith.constant 0 : i32
    %dma_wait3A_315 = arith.constant 0 : i32
    %dma_wait3A_316 = tpu.memref_slice %arg6[%dma_wait3A_314, %dma_wait3A_315] : memref<1007616x32xf32, #tpu.memory_space<hbm>> -> memref<1007616x32xf32, #tpu.memory_space<hbm>>
    tpu.wait_indirect_dma semaphore(%arg13 : memref<!tpu.dma_semaphore, #tpu.memory_space<semaphore_mem>>) src(%dma_wait3A_316 : memref<1007616x32xf32, #tpu.memory_space<hbm>>) dst(%dma_wait3A_311 : memref<128x32xf32, #tpu.memory_space<vmem>>)
    %dma_wait3A_317 = arith.constant 5 : i32
    %dma_wait3A_318 = arith.constant 0 : i32
    %dma_wait3A_319 = arith.constant 0 : i32
    %dma_wait3A_320 = tpu.memref_slice %arg10[%dma_wait3A_317, %dma_wait3A_318, %dma_wait3A_319] : memref<26x128x32xf32, #tpu.memory_space<vmem>> -> memref<1x128x32xf32, #tpu.memory_space<vmem>>
    %dma_wait3A_321 = tpu.memref_squeeze %dma_wait3A_320 : memref<1x128x32xf32, #tpu.memory_space<vmem>> -> memref<128x32xf32, #tpu.memory_space<vmem>>
    %dma_wait3A_322 = arith.constant 640 : i32
    %dma_wait3A_323 = tpu.memref_slice %arg8[%dma_wait3A_322] : memref<3328xi32, #tpu.memory_space<vmem>> -> memref<128xi32, #tpu.memory_space<vmem>>
    %dma_wait3A_324 = arith.constant 0 : i32
    %dma_wait3A_325 = arith.constant 0 : i32
    %dma_wait3A_326 = tpu.memref_slice %arg6[%dma_wait3A_324, %dma_wait3A_325] : memref<1007616x32xf32, #tpu.memory_space<hbm>> -> memref<1007616x32xf32, #tpu.memory_space<hbm>>
    tpu.wait_indirect_dma semaphore(%arg13 : memref<!tpu.dma_semaphore, #tpu.memory_space<semaphore_mem>>) src(%dma_wait3A_326 : memref<1007616x32xf32, #tpu.memory_space<hbm>>) dst(%dma_wait3A_321 : memref<128x32xf32, #tpu.memory_space<vmem>>)
    %dma_wait3A_327 = arith.constant 6 : i32
    %dma_wait3A_328 = arith.constant 0 : i32
    %dma_wait3A_329 = arith.constant 0 : i32
    %dma_wait3A_330 = tpu.memref_slice %arg10[%dma_wait3A_327, %dma_wait3A_328, %dma_wait3A_329] : memref<26x128x32xf32, #tpu.memory_space<vmem>> -> memref<1x128x32xf32, #tpu.memory_space<vmem>>
    %dma_wait3A_331 = tpu.memref_squeeze %dma_wait3A_330 : memref<1x128x32xf32, #tpu.memory_space<vmem>> -> memref<128x32xf32, #tpu.memory_space<vmem>>
    %dma_wait3A_332 = arith.constant 768 : i32
    %dma_wait3A_333 = tpu.memref_slice %arg8[%dma_wait3A_332] : memref<3328xi32, #tpu.memory_space<vmem>> -> memref<128xi32, #tpu.memory_space<vmem>>
    %dma_wait3A_334 = arith.constant 0 : i32
    %dma_wait3A_335 = arith.constant 0 : i32
    %dma_wait3A_336 = tpu.memref_slice %arg6[%dma_wait3A_334, %dma_wait3A_335] : memref<1007616x32xf32, #tpu.memory_space<hbm>> -> memref<1007616x32xf32, #tpu.memory_space<hbm>>
    tpu.wait_indirect_dma semaphore(%arg13 : memref<!tpu.dma_semaphore, #tpu.memory_space<semaphore_mem>>) src(%dma_wait3A_336 : memref<1007616x32xf32, #tpu.memory_space<hbm>>) dst(%dma_wait3A_331 : memref<128x32xf32, #tpu.memory_space<vmem>>)
    %dma_wait3A_337 = arith.constant 7 : i32
    %dma_wait3A_338 = arith.constant 0 : i32
    %dma_wait3A_339 = arith.constant 0 : i32
    %dma_wait3A_340 = tpu.memref_slice %arg10[%dma_wait3A_337, %dma_wait3A_338, %dma_wait3A_339] : memref<26x128x32xf32, #tpu.memory_space<vmem>> -> memref<1x128x32xf32, #tpu.memory_space<vmem>>
    %dma_wait3A_341 = tpu.memref_squeeze %dma_wait3A_340 : memref<1x128x32xf32, #tpu.memory_space<vmem>> -> memref<128x32xf32, #tpu.memory_space<vmem>>
    %dma_wait3A_342 = arith.constant 896 : i32
    %dma_wait3A_343 = tpu.memref_slice %arg8[%dma_wait3A_342] : memref<3328xi32, #tpu.memory_space<vmem>> -> memref<128xi32, #tpu.memory_space<vmem>>
    %dma_wait3A_344 = arith.constant 0 : i32
    %dma_wait3A_345 = arith.constant 0 : i32
    %dma_wait3A_346 = tpu.memref_slice %arg6[%dma_wait3A_344, %dma_wait3A_345] : memref<1007616x32xf32, #tpu.memory_space<hbm>> -> memref<1007616x32xf32, #tpu.memory_space<hbm>>
    tpu.wait_indirect_dma semaphore(%arg13 : memref<!tpu.dma_semaphore, #tpu.memory_space<semaphore_mem>>) src(%dma_wait3A_346 : memref<1007616x32xf32, #tpu.memory_space<hbm>>) dst(%dma_wait3A_341 : memref<128x32xf32, #tpu.memory_space<vmem>>)
    %dma_wait3A_347 = arith.constant 8 : i32
    %dma_wait3A_348 = arith.constant 0 : i32
    %dma_wait3A_349 = arith.constant 0 : i32
    %dma_wait3A_350 = tpu.memref_slice %arg10[%dma_wait3A_347, %dma_wait3A_348, %dma_wait3A_349] : memref<26x128x32xf32, #tpu.memory_space<vmem>> -> memref<1x128x32xf32, #tpu.memory_space<vmem>>
    %dma_wait3A_351 = tpu.memref_squeeze %dma_wait3A_350 : memref<1x128x32xf32, #tpu.memory_space<vmem>> -> memref<128x32xf32, #tpu.memory_space<vmem>>
    %dma_wait3A_352 = arith.constant 1024 : i32
    %dma_wait3A_353 = tpu.memref_slice %arg8[%dma_wait3A_352] : memref<3328xi32, #tpu.memory_space<vmem>> -> memref<128xi32, #tpu.memory_space<vmem>>
    %dma_wait3A_354 = arith.constant 0 : i32
    %dma_wait3A_355 = arith.constant 0 : i32
    %dma_wait3A_356 = tpu.memref_slice %arg6[%dma_wait3A_354, %dma_wait3A_355] : memref<1007616x32xf32, #tpu.memory_space<hbm>> -> memref<1007616x32xf32, #tpu.memory_space<hbm>>
    tpu.wait_indirect_dma semaphore(%arg13 : memref<!tpu.dma_semaphore, #tpu.memory_space<semaphore_mem>>) src(%dma_wait3A_356 : memref<1007616x32xf32, #tpu.memory_space<hbm>>) dst(%dma_wait3A_351 : memref<128x32xf32, #tpu.memory_space<vmem>>)
    %dma_wait3A_357 = arith.constant 9 : i32
    %dma_wait3A_358 = arith.constant 0 : i32
    %dma_wait3A_359 = arith.constant 0 : i32
    %dma_wait3A_360 = tpu.memref_slice %arg10[%dma_wait3A_357, %dma_wait3A_358, %dma_wait3A_359] : memref<26x128x32xf32, #tpu.memory_space<vmem>> -> memref<1x128x32xf32, #tpu.memory_space<vmem>>
    %dma_wait3A_361 = tpu.memref_squeeze %dma_wait3A_360 : memref<1x128x32xf32, #tpu.memory_space<vmem>> -> memref<128x32xf32, #tpu.memory_space<vmem>>
    %dma_wait3A_362 = arith.constant 1152 : i32
    %dma_wait3A_363 = tpu.memref_slice %arg8[%dma_wait3A_362] : memref<3328xi32, #tpu.memory_space<vmem>> -> memref<128xi32, #tpu.memory_space<vmem>>
    %dma_wait3A_364 = arith.constant 0 : i32
    %dma_wait3A_365 = arith.constant 0 : i32
    %dma_wait3A_366 = tpu.memref_slice %arg6[%dma_wait3A_364, %dma_wait3A_365] : memref<1007616x32xf32, #tpu.memory_space<hbm>> -> memref<1007616x32xf32, #tpu.memory_space<hbm>>
    tpu.wait_indirect_dma semaphore(%arg13 : memref<!tpu.dma_semaphore, #tpu.memory_space<semaphore_mem>>) src(%dma_wait3A_366 : memref<1007616x32xf32, #tpu.memory_space<hbm>>) dst(%dma_wait3A_361 : memref<128x32xf32, #tpu.memory_space<vmem>>)
    %dma_wait3A_367 = arith.constant 10 : i32
    %dma_wait3A_368 = arith.constant 0 : i32
    %dma_wait3A_369 = arith.constant 0 : i32
    %dma_wait3A_370 = tpu.memref_slice %arg10[%dma_wait3A_367, %dma_wait3A_368, %dma_wait3A_369] : memref<26x128x32xf32, #tpu.memory_space<vmem>> -> memref<1x128x32xf32, #tpu.memory_space<vmem>>
    %dma_wait3A_371 = tpu.memref_squeeze %dma_wait3A_370 : memref<1x128x32xf32, #tpu.memory_space<vmem>> -> memref<128x32xf32, #tpu.memory_space<vmem>>
    %dma_wait3A_372 = arith.constant 1280 : i32
    %dma_wait3A_373 = tpu.memref_slice %arg8[%dma_wait3A_372] : memref<3328xi32, #tpu.memory_space<vmem>> -> memref<128xi32, #tpu.memory_space<vmem>>
    %dma_wait3A_374 = arith.constant 0 : i32
    %dma_wait3A_375 = arith.constant 0 : i32
    %dma_wait3A_376 = tpu.memref_slice %arg6[%dma_wait3A_374, %dma_wait3A_375] : memref<1007616x32xf32, #tpu.memory_space<hbm>> -> memref<1007616x32xf32, #tpu.memory_space<hbm>>
    tpu.wait_indirect_dma semaphore(%arg13 : memref<!tpu.dma_semaphore, #tpu.memory_space<semaphore_mem>>) src(%dma_wait3A_376 : memref<1007616x32xf32, #tpu.memory_space<hbm>>) dst(%dma_wait3A_371 : memref<128x32xf32, #tpu.memory_space<vmem>>)
    %dma_wait3A_377 = arith.constant 11 : i32
    %dma_wait3A_378 = arith.constant 0 : i32
    %dma_wait3A_379 = arith.constant 0 : i32
    %dma_wait3A_380 = tpu.memref_slice %arg10[%dma_wait3A_377, %dma_wait3A_378, %dma_wait3A_379] : memref<26x128x32xf32, #tpu.memory_space<vmem>> -> memref<1x128x32xf32, #tpu.memory_space<vmem>>
    %dma_wait3A_381 = tpu.memref_squeeze %dma_wait3A_380 : memref<1x128x32xf32, #tpu.memory_space<vmem>> -> memref<128x32xf32, #tpu.memory_space<vmem>>
    %dma_wait3A_382 = arith.constant 1408 : i32
    %dma_wait3A_383 = tpu.memref_slice %arg8[%dma_wait3A_382] : memref<3328xi32, #tpu.memory_space<vmem>> -> memref<128xi32, #tpu.memory_space<vmem>>
    %dma_wait3A_384 = arith.constant 0 : i32
    %dma_wait3A_385 = arith.constant 0 : i32
    %dma_wait3A_386 = tpu.memref_slice %arg6[%dma_wait3A_384, %dma_wait3A_385] : memref<1007616x32xf32, #tpu.memory_space<hbm>> -> memref<1007616x32xf32, #tpu.memory_space<hbm>>
    tpu.wait_indirect_dma semaphore(%arg13 : memref<!tpu.dma_semaphore, #tpu.memory_space<semaphore_mem>>) src(%dma_wait3A_386 : memref<1007616x32xf32, #tpu.memory_space<hbm>>) dst(%dma_wait3A_381 : memref<128x32xf32, #tpu.memory_space<vmem>>)
    %dma_wait3A_387 = arith.constant 12 : i32
    %dma_wait3A_388 = arith.constant 0 : i32
    %dma_wait3A_389 = arith.constant 0 : i32
    %dma_wait3A_390 = tpu.memref_slice %arg10[%dma_wait3A_387, %dma_wait3A_388, %dma_wait3A_389] : memref<26x128x32xf32, #tpu.memory_space<vmem>> -> memref<1x128x32xf32, #tpu.memory_space<vmem>>
    %dma_wait3A_391 = tpu.memref_squeeze %dma_wait3A_390 : memref<1x128x32xf32, #tpu.memory_space<vmem>> -> memref<128x32xf32, #tpu.memory_space<vmem>>
    %dma_wait3A_392 = arith.constant 1536 : i32
    %dma_wait3A_393 = tpu.memref_slice %arg8[%dma_wait3A_392] : memref<3328xi32, #tpu.memory_space<vmem>> -> memref<128xi32, #tpu.memory_space<vmem>>
    %dma_wait3A_394 = arith.constant 0 : i32
    %dma_wait3A_395 = arith.constant 0 : i32
    %dma_wait3A_396 = tpu.memref_slice %arg6[%dma_wait3A_394, %dma_wait3A_395] : memref<1007616x32xf32, #tpu.memory_space<hbm>> -> memref<1007616x32xf32, #tpu.memory_space<hbm>>
    tpu.wait_indirect_dma semaphore(%arg13 : memref<!tpu.dma_semaphore, #tpu.memory_space<semaphore_mem>>) src(%dma_wait3A_396 : memref<1007616x32xf32, #tpu.memory_space<hbm>>) dst(%dma_wait3A_391 : memref<128x32xf32, #tpu.memory_space<vmem>>)
    %dma_wait3A_397 = arith.constant 13 : i32
    %dma_wait3A_398 = arith.constant 0 : i32
    %dma_wait3A_399 = arith.constant 0 : i32
    %dma_wait3A_400 = tpu.memref_slice %arg10[%dma_wait3A_397, %dma_wait3A_398, %dma_wait3A_399] : memref<26x128x32xf32, #tpu.memory_space<vmem>> -> memref<1x128x32xf32, #tpu.memory_space<vmem>>
    %dma_wait3A_401 = tpu.memref_squeeze %dma_wait3A_400 : memref<1x128x32xf32, #tpu.memory_space<vmem>> -> memref<128x32xf32, #tpu.memory_space<vmem>>
    %dma_wait3A_402 = arith.constant 1664 : i32
    %dma_wait3A_403 = tpu.memref_slice %arg8[%dma_wait3A_402] : memref<3328xi32, #tpu.memory_space<vmem>> -> memref<128xi32, #tpu.memory_space<vmem>>
    %dma_wait3A_404 = arith.constant 0 : i32
    %dma_wait3A_405 = arith.constant 0 : i32
    %dma_wait3A_406 = tpu.memref_slice %arg6[%dma_wait3A_404, %dma_wait3A_405] : memref<1007616x32xf32, #tpu.memory_space<hbm>> -> memref<1007616x32xf32, #tpu.memory_space<hbm>>
    tpu.wait_indirect_dma semaphore(%arg13 : memref<!tpu.dma_semaphore, #tpu.memory_space<semaphore_mem>>) src(%dma_wait3A_406 : memref<1007616x32xf32, #tpu.memory_space<hbm>>) dst(%dma_wait3A_401 : memref<128x32xf32, #tpu.memory_space<vmem>>)
    %dma_wait3A_407 = arith.constant 14 : i32
    %dma_wait3A_408 = arith.constant 0 : i32
    %dma_wait3A_409 = arith.constant 0 : i32
    %dma_wait3A_410 = tpu.memref_slice %arg10[%dma_wait3A_407, %dma_wait3A_408, %dma_wait3A_409] : memref<26x128x32xf32, #tpu.memory_space<vmem>> -> memref<1x128x32xf32, #tpu.memory_space<vmem>>
    %dma_wait3A_411 = tpu.memref_squeeze %dma_wait3A_410 : memref<1x128x32xf32, #tpu.memory_space<vmem>> -> memref<128x32xf32, #tpu.memory_space<vmem>>
    %dma_wait3A_412 = arith.constant 1792 : i32
    %dma_wait3A_413 = tpu.memref_slice %arg8[%dma_wait3A_412] : memref<3328xi32, #tpu.memory_space<vmem>> -> memref<128xi32, #tpu.memory_space<vmem>>
    %dma_wait3A_414 = arith.constant 0 : i32
    %dma_wait3A_415 = arith.constant 0 : i32
    %dma_wait3A_416 = tpu.memref_slice %arg6[%dma_wait3A_414, %dma_wait3A_415] : memref<1007616x32xf32, #tpu.memory_space<hbm>> -> memref<1007616x32xf32, #tpu.memory_space<hbm>>
    tpu.wait_indirect_dma semaphore(%arg13 : memref<!tpu.dma_semaphore, #tpu.memory_space<semaphore_mem>>) src(%dma_wait3A_416 : memref<1007616x32xf32, #tpu.memory_space<hbm>>) dst(%dma_wait3A_411 : memref<128x32xf32, #tpu.memory_space<vmem>>)
    %dma_wait3A_417 = arith.constant 15 : i32
    %dma_wait3A_418 = arith.constant 0 : i32
    %dma_wait3A_419 = arith.constant 0 : i32
    %dma_wait3A_420 = tpu.memref_slice %arg10[%dma_wait3A_417, %dma_wait3A_418, %dma_wait3A_419] : memref<26x128x32xf32, #tpu.memory_space<vmem>> -> memref<1x128x32xf32, #tpu.memory_space<vmem>>
    %dma_wait3A_421 = tpu.memref_squeeze %dma_wait3A_420 : memref<1x128x32xf32, #tpu.memory_space<vmem>> -> memref<128x32xf32, #tpu.memory_space<vmem>>
    %dma_wait3A_422 = arith.constant 1920 : i32
    %dma_wait3A_423 = tpu.memref_slice %arg8[%dma_wait3A_422] : memref<3328xi32, #tpu.memory_space<vmem>> -> memref<128xi32, #tpu.memory_space<vmem>>
    %dma_wait3A_424 = arith.constant 0 : i32
    %dma_wait3A_425 = arith.constant 0 : i32
    %dma_wait3A_426 = tpu.memref_slice %arg6[%dma_wait3A_424, %dma_wait3A_425] : memref<1007616x32xf32, #tpu.memory_space<hbm>> -> memref<1007616x32xf32, #tpu.memory_space<hbm>>
    tpu.wait_indirect_dma semaphore(%arg13 : memref<!tpu.dma_semaphore, #tpu.memory_space<semaphore_mem>>) src(%dma_wait3A_426 : memref<1007616x32xf32, #tpu.memory_space<hbm>>) dst(%dma_wait3A_421 : memref<128x32xf32, #tpu.memory_space<vmem>>)
    %dma_wait3A_427 = arith.constant 16 : i32
    %dma_wait3A_428 = arith.constant 0 : i32
    %dma_wait3A_429 = arith.constant 0 : i32
    %dma_wait3A_430 = tpu.memref_slice %arg10[%dma_wait3A_427, %dma_wait3A_428, %dma_wait3A_429] : memref<26x128x32xf32, #tpu.memory_space<vmem>> -> memref<1x128x32xf32, #tpu.memory_space<vmem>>
    %dma_wait3A_431 = tpu.memref_squeeze %dma_wait3A_430 : memref<1x128x32xf32, #tpu.memory_space<vmem>> -> memref<128x32xf32, #tpu.memory_space<vmem>>
    %dma_wait3A_432 = arith.constant 2048 : i32
    %dma_wait3A_433 = tpu.memref_slice %arg8[%dma_wait3A_432] : memref<3328xi32, #tpu.memory_space<vmem>> -> memref<128xi32, #tpu.memory_space<vmem>>
    %dma_wait3A_434 = arith.constant 0 : i32
    %dma_wait3A_435 = arith.constant 0 : i32
    %dma_wait3A_436 = tpu.memref_slice %arg6[%dma_wait3A_434, %dma_wait3A_435] : memref<1007616x32xf32, #tpu.memory_space<hbm>> -> memref<1007616x32xf32, #tpu.memory_space<hbm>>
    tpu.wait_indirect_dma semaphore(%arg13 : memref<!tpu.dma_semaphore, #tpu.memory_space<semaphore_mem>>) src(%dma_wait3A_436 : memref<1007616x32xf32, #tpu.memory_space<hbm>>) dst(%dma_wait3A_431 : memref<128x32xf32, #tpu.memory_space<vmem>>)
    %dma_wait3A_437 = arith.constant 17 : i32
    %dma_wait3A_438 = arith.constant 0 : i32
    %dma_wait3A_439 = arith.constant 0 : i32
    %dma_wait3A_440 = tpu.memref_slice %arg10[%dma_wait3A_437, %dma_wait3A_438, %dma_wait3A_439] : memref<26x128x32xf32, #tpu.memory_space<vmem>> -> memref<1x128x32xf32, #tpu.memory_space<vmem>>
    %dma_wait3A_441 = tpu.memref_squeeze %dma_wait3A_440 : memref<1x128x32xf32, #tpu.memory_space<vmem>> -> memref<128x32xf32, #tpu.memory_space<vmem>>
    %dma_wait3A_442 = arith.constant 2176 : i32
    %dma_wait3A_443 = tpu.memref_slice %arg8[%dma_wait3A_442] : memref<3328xi32, #tpu.memory_space<vmem>> -> memref<128xi32, #tpu.memory_space<vmem>>
    %dma_wait3A_444 = arith.constant 0 : i32
    %dma_wait3A_445 = arith.constant 0 : i32
    %dma_wait3A_446 = tpu.memref_slice %arg6[%dma_wait3A_444, %dma_wait3A_445] : memref<1007616x32xf32, #tpu.memory_space<hbm>> -> memref<1007616x32xf32, #tpu.memory_space<hbm>>
    tpu.wait_indirect_dma semaphore(%arg13 : memref<!tpu.dma_semaphore, #tpu.memory_space<semaphore_mem>>) src(%dma_wait3A_446 : memref<1007616x32xf32, #tpu.memory_space<hbm>>) dst(%dma_wait3A_441 : memref<128x32xf32, #tpu.memory_space<vmem>>)
    %dma_wait3A_447 = arith.constant 18 : i32
    %dma_wait3A_448 = arith.constant 0 : i32
    %dma_wait3A_449 = arith.constant 0 : i32
    %dma_wait3A_450 = tpu.memref_slice %arg10[%dma_wait3A_447, %dma_wait3A_448, %dma_wait3A_449] : memref<26x128x32xf32, #tpu.memory_space<vmem>> -> memref<1x128x32xf32, #tpu.memory_space<vmem>>
    %dma_wait3A_451 = tpu.memref_squeeze %dma_wait3A_450 : memref<1x128x32xf32, #tpu.memory_space<vmem>> -> memref<128x32xf32, #tpu.memory_space<vmem>>
    %dma_wait3A_452 = arith.constant 2304 : i32
    %dma_wait3A_453 = tpu.memref_slice %arg8[%dma_wait3A_452] : memref<3328xi32, #tpu.memory_space<vmem>> -> memref<128xi32, #tpu.memory_space<vmem>>
    %dma_wait3A_454 = arith.constant 0 : i32
    %dma_wait3A_455 = arith.constant 0 : i32
    %dma_wait3A_456 = tpu.memref_slice %arg6[%dma_wait3A_454, %dma_wait3A_455] : memref<1007616x32xf32, #tpu.memory_space<hbm>> -> memref<1007616x32xf32, #tpu.memory_space<hbm>>
    tpu.wait_indirect_dma semaphore(%arg13 : memref<!tpu.dma_semaphore, #tpu.memory_space<semaphore_mem>>) src(%dma_wait3A_456 : memref<1007616x32xf32, #tpu.memory_space<hbm>>) dst(%dma_wait3A_451 : memref<128x32xf32, #tpu.memory_space<vmem>>)
    %dma_wait3A_457 = arith.constant 19 : i32
    %dma_wait3A_458 = arith.constant 0 : i32
    %dma_wait3A_459 = arith.constant 0 : i32
    %dma_wait3A_460 = tpu.memref_slice %arg10[%dma_wait3A_457, %dma_wait3A_458, %dma_wait3A_459] : memref<26x128x32xf32, #tpu.memory_space<vmem>> -> memref<1x128x32xf32, #tpu.memory_space<vmem>>
    %dma_wait3A_461 = tpu.memref_squeeze %dma_wait3A_460 : memref<1x128x32xf32, #tpu.memory_space<vmem>> -> memref<128x32xf32, #tpu.memory_space<vmem>>
    %dma_wait3A_462 = arith.constant 2432 : i32
    %dma_wait3A_463 = tpu.memref_slice %arg8[%dma_wait3A_462] : memref<3328xi32, #tpu.memory_space<vmem>> -> memref<128xi32, #tpu.memory_space<vmem>>
    %dma_wait3A_464 = arith.constant 0 : i32
    %dma_wait3A_465 = arith.constant 0 : i32
    %dma_wait3A_466 = tpu.memref_slice %arg6[%dma_wait3A_464, %dma_wait3A_465] : memref<1007616x32xf32, #tpu.memory_space<hbm>> -> memref<1007616x32xf32, #tpu.memory_space<hbm>>
    tpu.wait_indirect_dma semaphore(%arg13 : memref<!tpu.dma_semaphore, #tpu.memory_space<semaphore_mem>>) src(%dma_wait3A_466 : memref<1007616x32xf32, #tpu.memory_space<hbm>>) dst(%dma_wait3A_461 : memref<128x32xf32, #tpu.memory_space<vmem>>)
    %dma_wait3A_467 = arith.constant 20 : i32
    %dma_wait3A_468 = arith.constant 0 : i32
    %dma_wait3A_469 = arith.constant 0 : i32
    %dma_wait3A_470 = tpu.memref_slice %arg10[%dma_wait3A_467, %dma_wait3A_468, %dma_wait3A_469] : memref<26x128x32xf32, #tpu.memory_space<vmem>> -> memref<1x128x32xf32, #tpu.memory_space<vmem>>
    %dma_wait3A_471 = tpu.memref_squeeze %dma_wait3A_470 : memref<1x128x32xf32, #tpu.memory_space<vmem>> -> memref<128x32xf32, #tpu.memory_space<vmem>>
    %dma_wait3A_472 = arith.constant 2560 : i32
    %dma_wait3A_473 = tpu.memref_slice %arg8[%dma_wait3A_472] : memref<3328xi32, #tpu.memory_space<vmem>> -> memref<128xi32, #tpu.memory_space<vmem>>
    %dma_wait3A_474 = arith.constant 0 : i32
    %dma_wait3A_475 = arith.constant 0 : i32
    %dma_wait3A_476 = tpu.memref_slice %arg6[%dma_wait3A_474, %dma_wait3A_475] : memref<1007616x32xf32, #tpu.memory_space<hbm>> -> memref<1007616x32xf32, #tpu.memory_space<hbm>>
    tpu.wait_indirect_dma semaphore(%arg13 : memref<!tpu.dma_semaphore, #tpu.memory_space<semaphore_mem>>) src(%dma_wait3A_476 : memref<1007616x32xf32, #tpu.memory_space<hbm>>) dst(%dma_wait3A_471 : memref<128x32xf32, #tpu.memory_space<vmem>>)
    %dma_wait3A_477 = arith.constant 21 : i32
    %dma_wait3A_478 = arith.constant 0 : i32
    %dma_wait3A_479 = arith.constant 0 : i32
    %dma_wait3A_480 = tpu.memref_slice %arg10[%dma_wait3A_477, %dma_wait3A_478, %dma_wait3A_479] : memref<26x128x32xf32, #tpu.memory_space<vmem>> -> memref<1x128x32xf32, #tpu.memory_space<vmem>>
    %dma_wait3A_481 = tpu.memref_squeeze %dma_wait3A_480 : memref<1x128x32xf32, #tpu.memory_space<vmem>> -> memref<128x32xf32, #tpu.memory_space<vmem>>
    %dma_wait3A_482 = arith.constant 2688 : i32
    %dma_wait3A_483 = tpu.memref_slice %arg8[%dma_wait3A_482] : memref<3328xi32, #tpu.memory_space<vmem>> -> memref<128xi32, #tpu.memory_space<vmem>>
    %dma_wait3A_484 = arith.constant 0 : i32
    %dma_wait3A_485 = arith.constant 0 : i32
    %dma_wait3A_486 = tpu.memref_slice %arg6[%dma_wait3A_484, %dma_wait3A_485] : memref<1007616x32xf32, #tpu.memory_space<hbm>> -> memref<1007616x32xf32, #tpu.memory_space<hbm>>
    tpu.wait_indirect_dma semaphore(%arg13 : memref<!tpu.dma_semaphore, #tpu.memory_space<semaphore_mem>>) src(%dma_wait3A_486 : memref<1007616x32xf32, #tpu.memory_space<hbm>>) dst(%dma_wait3A_481 : memref<128x32xf32, #tpu.memory_space<vmem>>)
    %dma_wait3A_487 = arith.constant 22 : i32
    %dma_wait3A_488 = arith.constant 0 : i32
    %dma_wait3A_489 = arith.constant 0 : i32
    %dma_wait3A_490 = tpu.memref_slice %arg10[%dma_wait3A_487, %dma_wait3A_488, %dma_wait3A_489] : memref<26x128x32xf32, #tpu.memory_space<vmem>> -> memref<1x128x32xf32, #tpu.memory_space<vmem>>
    %dma_wait3A_491 = tpu.memref_squeeze %dma_wait3A_490 : memref<1x128x32xf32, #tpu.memory_space<vmem>> -> memref<128x32xf32, #tpu.memory_space<vmem>>
    %dma_wait3A_492 = arith.constant 2816 : i32
    %dma_wait3A_493 = tpu.memref_slice %arg8[%dma_wait3A_492] : memref<3328xi32, #tpu.memory_space<vmem>> -> memref<128xi32, #tpu.memory_space<vmem>>
    %dma_wait3A_494 = arith.constant 0 : i32
    %dma_wait3A_495 = arith.constant 0 : i32
    %dma_wait3A_496 = tpu.memref_slice %arg6[%dma_wait3A_494, %dma_wait3A_495] : memref<1007616x32xf32, #tpu.memory_space<hbm>> -> memref<1007616x32xf32, #tpu.memory_space<hbm>>
    tpu.wait_indirect_dma semaphore(%arg13 : memref<!tpu.dma_semaphore, #tpu.memory_space<semaphore_mem>>) src(%dma_wait3A_496 : memref<1007616x32xf32, #tpu.memory_space<hbm>>) dst(%dma_wait3A_491 : memref<128x32xf32, #tpu.memory_space<vmem>>)
    %dma_wait3A_497 = arith.constant 23 : i32
    %dma_wait3A_498 = arith.constant 0 : i32
    %dma_wait3A_499 = arith.constant 0 : i32
    %dma_wait3A_500 = tpu.memref_slice %arg10[%dma_wait3A_497, %dma_wait3A_498, %dma_wait3A_499] : memref<26x128x32xf32, #tpu.memory_space<vmem>> -> memref<1x128x32xf32, #tpu.memory_space<vmem>>
    %dma_wait3A_501 = tpu.memref_squeeze %dma_wait3A_500 : memref<1x128x32xf32, #tpu.memory_space<vmem>> -> memref<128x32xf32, #tpu.memory_space<vmem>>
    %dma_wait3A_502 = arith.constant 2944 : i32
    %dma_wait3A_503 = tpu.memref_slice %arg8[%dma_wait3A_502] : memref<3328xi32, #tpu.memory_space<vmem>> -> memref<128xi32, #tpu.memory_space<vmem>>
    %dma_wait3A_504 = arith.constant 0 : i32
    %dma_wait3A_505 = arith.constant 0 : i32
    %dma_wait3A_506 = tpu.memref_slice %arg6[%dma_wait3A_504, %dma_wait3A_505] : memref<1007616x32xf32, #tpu.memory_space<hbm>> -> memref<1007616x32xf32, #tpu.memory_space<hbm>>
    tpu.wait_indirect_dma semaphore(%arg13 : memref<!tpu.dma_semaphore, #tpu.memory_space<semaphore_mem>>) src(%dma_wait3A_506 : memref<1007616x32xf32, #tpu.memory_space<hbm>>) dst(%dma_wait3A_501 : memref<128x32xf32, #tpu.memory_space<vmem>>)
    %dma_wait3A_507 = arith.constant 24 : i32
    %dma_wait3A_508 = arith.constant 0 : i32
    %dma_wait3A_509 = arith.constant 0 : i32
    %dma_wait3A_510 = tpu.memref_slice %arg10[%dma_wait3A_507, %dma_wait3A_508, %dma_wait3A_509] : memref<26x128x32xf32, #tpu.memory_space<vmem>> -> memref<1x128x32xf32, #tpu.memory_space<vmem>>
    %dma_wait3A_511 = tpu.memref_squeeze %dma_wait3A_510 : memref<1x128x32xf32, #tpu.memory_space<vmem>> -> memref<128x32xf32, #tpu.memory_space<vmem>>
    %dma_wait3A_512 = arith.constant 3072 : i32
    %dma_wait3A_513 = tpu.memref_slice %arg8[%dma_wait3A_512] : memref<3328xi32, #tpu.memory_space<vmem>> -> memref<128xi32, #tpu.memory_space<vmem>>
    %dma_wait3A_514 = arith.constant 0 : i32
    %dma_wait3A_515 = arith.constant 0 : i32
    %dma_wait3A_516 = tpu.memref_slice %arg6[%dma_wait3A_514, %dma_wait3A_515] : memref<1007616x32xf32, #tpu.memory_space<hbm>> -> memref<1007616x32xf32, #tpu.memory_space<hbm>>
    tpu.wait_indirect_dma semaphore(%arg13 : memref<!tpu.dma_semaphore, #tpu.memory_space<semaphore_mem>>) src(%dma_wait3A_516 : memref<1007616x32xf32, #tpu.memory_space<hbm>>) dst(%dma_wait3A_511 : memref<128x32xf32, #tpu.memory_space<vmem>>)
    %dma_wait3A_517 = arith.constant 25 : i32
    %dma_wait3A_518 = arith.constant 0 : i32
    %dma_wait3A_519 = arith.constant 0 : i32
    %dma_wait3A_520 = tpu.memref_slice %arg10[%dma_wait3A_517, %dma_wait3A_518, %dma_wait3A_519] : memref<26x128x32xf32, #tpu.memory_space<vmem>> -> memref<1x128x32xf32, #tpu.memory_space<vmem>>
    %dma_wait3A_521 = tpu.memref_squeeze %dma_wait3A_520 : memref<1x128x32xf32, #tpu.memory_space<vmem>> -> memref<128x32xf32, #tpu.memory_space<vmem>>
    %dma_wait3A_522 = arith.constant 3200 : i32
    %dma_wait3A_523 = tpu.memref_slice %arg8[%dma_wait3A_522] : memref<3328xi32, #tpu.memory_space<vmem>> -> memref<128xi32, #tpu.memory_space<vmem>>
    %dma_wait3A_524 = arith.constant 0 : i32
    %dma_wait3A_525 = arith.constant 0 : i32
    %dma_wait3A_526 = tpu.memref_slice %arg6[%dma_wait3A_524, %dma_wait3A_525] : memref<1007616x32xf32, #tpu.memory_space<hbm>> -> memref<1007616x32xf32, #tpu.memory_space<hbm>>
    tpu.wait_indirect_dma semaphore(%arg13 : memref<!tpu.dma_semaphore, #tpu.memory_space<semaphore_mem>>) src(%dma_wait3A_526 : memref<1007616x32xf32, #tpu.memory_space<hbm>>) dst(%dma_wait3A_521 : memref<128x32xf32, #tpu.memory_space<vmem>>)
    %dma_start3A_527 = arith.constant 0 : i32
    %dma_start3A_528 = arith.constant 0 : i32
    %dma_start3A_529 = tpu.memref_slice %arg11[%dma_start3A_527, %dma_start3A_528] : memref<8x128xi32, #tpu.memory_space<vmem>> -> memref<1x128xi32, #tpu.memory_space<vmem>>
    %dma_start3A_530 = tpu.memref_squeeze %dma_start3A_529 : memref<1x128xi32, #tpu.memory_space<vmem>> -> memref<128xi32, #tpu.memory_space<vmem>>
    %dma_start3A_531 = arith.constant 0 : i32
    %dma_start3A_532 = arith.constant 0 : i32
    %dma_start3A_533 = tpu.memref_slice %arg7[%dma_start3A_531, %dma_start3A_532] : memref<110592x32xf32, #tpu.memory_space<hbm>> -> memref<110592x32xf32, #tpu.memory_space<hbm>>
    tpu.enqueue_indirect_dma source(%arg12 : memref<128x32xf32, #tpu.memory_space<vmem>>) target(%dma_start3A_533 : memref<110592x32xf32, #tpu.memory_space<hbm>>) offsets(%dma_start3A_530 : memref<128xi32, #tpu.memory_space<vmem>>) semaphore(%arg14 : memref<!tpu.dma_semaphore, #tpu.memory_space<semaphore_mem>>)
    %dma_start3A_534 = arith.constant 0 : i32
    %dma_start3A_535 = arith.constant 0 : i32
    %dma_start3A_536 = arith.constant 0 : i32
    %dma_start3A_537 = arith.constant 0 : i32
    %dma_start3A_538 = tpu.memref_slice %arg10[%dma_start3A_534, %dma_start3A_536, %dma_start3A_537] : memref<26x128x32xf32, #tpu.memory_space<vmem>> -> memref<1x128x32xf32, #tpu.memory_space<vmem>>
    %dma_start3A_539 = tpu.memref_squeeze %dma_start3A_538 : memref<1x128x32xf32, #tpu.memory_space<vmem>> -> memref<128x32xf32, #tpu.memory_space<vmem>>
    %dma_start3A_540 = arith.constant 0 : i32
    %dma_start3A_541 = tpu.memref_slice %arg9[%dma_start3A_535, %dma_start3A_540] : memref<32x128xi32, #tpu.memory_space<vmem>> -> memref<1x128xi32, #tpu.memory_space<vmem>>
    %dma_start3A_542 = tpu.memref_squeeze %dma_start3A_541 : memref<1x128xi32, #tpu.memory_space<vmem>> -> memref<128xi32, #tpu.memory_space<vmem>>
    %dma_start3A_543 = arith.constant 0 : i32
    %dma_start3A_544 = arith.constant 0 : i32
    %dma_start3A_545 = tpu.memref_slice %arg7[%dma_start3A_543, %dma_start3A_544] : memref<110592x32xf32, #tpu.memory_space<hbm>> -> memref<110592x32xf32, #tpu.memory_space<hbm>>
    tpu.enqueue_indirect_dma source(%dma_start3A_539 : memref<128x32xf32, #tpu.memory_space<vmem>>) target(%dma_start3A_545 : memref<110592x32xf32, #tpu.memory_space<hbm>>) offsets(%dma_start3A_542 : memref<128xi32, #tpu.memory_space<vmem>>) semaphore(%arg14 : memref<!tpu.dma_semaphore, #tpu.memory_space<semaphore_mem>>)
    %dma_start3A_546 = arith.constant 1 : i32
    %dma_start3A_547 = arith.constant 1 : i32
    %dma_start3A_548 = arith.constant 0 : i32
    %dma_start3A_549 = arith.constant 0 : i32
    %dma_start3A_550 = tpu.memref_slice %arg10[%dma_start3A_546, %dma_start3A_548, %dma_start3A_549] : memref<26x128x32xf32, #tpu.memory_space<vmem>> -> memref<1x128x32xf32, #tpu.memory_space<vmem>>
    %dma_start3A_551 = tpu.memref_squeeze %dma_start3A_550 : memref<1x128x32xf32, #tpu.memory_space<vmem>> -> memref<128x32xf32, #tpu.memory_space<vmem>>
    %dma_start3A_552 = arith.constant 0 : i32
    %dma_start3A_553 = tpu.memref_slice %arg9[%dma_start3A_547, %dma_start3A_552] : memref<32x128xi32, #tpu.memory_space<vmem>> -> memref<1x128xi32, #tpu.memory_space<vmem>>
    %dma_start3A_554 = tpu.memref_squeeze %dma_start3A_553 : memref<1x128xi32, #tpu.memory_space<vmem>> -> memref<128xi32, #tpu.memory_space<vmem>>
    %dma_start3A_555 = arith.constant 0 : i32
    %dma_start3A_556 = arith.constant 0 : i32
    %dma_start3A_557 = tpu.memref_slice %arg7[%dma_start3A_555, %dma_start3A_556] : memref<110592x32xf32, #tpu.memory_space<hbm>> -> memref<110592x32xf32, #tpu.memory_space<hbm>>
    tpu.enqueue_indirect_dma source(%dma_start3A_551 : memref<128x32xf32, #tpu.memory_space<vmem>>) target(%dma_start3A_557 : memref<110592x32xf32, #tpu.memory_space<hbm>>) offsets(%dma_start3A_554 : memref<128xi32, #tpu.memory_space<vmem>>) semaphore(%arg14 : memref<!tpu.dma_semaphore, #tpu.memory_space<semaphore_mem>>)
    %dma_start3A_558 = arith.constant 2 : i32
    %dma_start3A_559 = arith.constant 2 : i32
    %dma_start3A_560 = arith.constant 0 : i32
    %dma_start3A_561 = arith.constant 0 : i32
    %dma_start3A_562 = tpu.memref_slice %arg10[%dma_start3A_558, %dma_start3A_560, %dma_start3A_561] : memref<26x128x32xf32, #tpu.memory_space<vmem>> -> memref<1x128x32xf32, #tpu.memory_space<vmem>>
    %dma_start3A_563 = tpu.memref_squeeze %dma_start3A_562 : memref<1x128x32xf32, #tpu.memory_space<vmem>> -> memref<128x32xf32, #tpu.memory_space<vmem>>
    %dma_start3A_564 = arith.constant 0 : i32
    %dma_start3A_565 = tpu.memref_slice %arg9[%dma_start3A_559, %dma_start3A_564] : memref<32x128xi32, #tpu.memory_space<vmem>> -> memref<1x128xi32, #tpu.memory_space<vmem>>
    %dma_start3A_566 = tpu.memref_squeeze %dma_start3A_565 : memref<1x128xi32, #tpu.memory_space<vmem>> -> memref<128xi32, #tpu.memory_space<vmem>>
    %dma_start3A_567 = arith.constant 0 : i32
    %dma_start3A_568 = arith.constant 0 : i32
    %dma_start3A_569 = tpu.memref_slice %arg7[%dma_start3A_567, %dma_start3A_568] : memref<110592x32xf32, #tpu.memory_space<hbm>> -> memref<110592x32xf32, #tpu.memory_space<hbm>>
    tpu.enqueue_indirect_dma source(%dma_start3A_563 : memref<128x32xf32, #tpu.memory_space<vmem>>) target(%dma_start3A_569 : memref<110592x32xf32, #tpu.memory_space<hbm>>) offsets(%dma_start3A_566 : memref<128xi32, #tpu.memory_space<vmem>>) semaphore(%arg14 : memref<!tpu.dma_semaphore, #tpu.memory_space<semaphore_mem>>)
    %dma_start3A_570 = arith.constant 3 : i32
    %dma_start3A_571 = arith.constant 3 : i32
    %dma_start3A_572 = arith.constant 0 : i32
    %dma_start3A_573 = arith.constant 0 : i32
    %dma_start3A_574 = tpu.memref_slice %arg10[%dma_start3A_570, %dma_start3A_572, %dma_start3A_573] : memref<26x128x32xf32, #tpu.memory_space<vmem>> -> memref<1x128x32xf32, #tpu.memory_space<vmem>>
    %dma_start3A_575 = tpu.memref_squeeze %dma_start3A_574 : memref<1x128x32xf32, #tpu.memory_space<vmem>> -> memref<128x32xf32, #tpu.memory_space<vmem>>
    %dma_start3A_576 = arith.constant 0 : i32
    %dma_start3A_577 = tpu.memref_slice %arg9[%dma_start3A_571, %dma_start3A_576] : memref<32x128xi32, #tpu.memory_space<vmem>> -> memref<1x128xi32, #tpu.memory_space<vmem>>
    %dma_start3A_578 = tpu.memref_squeeze %dma_start3A_577 : memref<1x128xi32, #tpu.memory_space<vmem>> -> memref<128xi32, #tpu.memory_space<vmem>>
    %dma_start3A_579 = arith.constant 0 : i32
    %dma_start3A_580 = arith.constant 0 : i32
    %dma_start3A_581 = tpu.memref_slice %arg7[%dma_start3A_579, %dma_start3A_580] : memref<110592x32xf32, #tpu.memory_space<hbm>> -> memref<110592x32xf32, #tpu.memory_space<hbm>>
    tpu.enqueue_indirect_dma source(%dma_start3A_575 : memref<128x32xf32, #tpu.memory_space<vmem>>) target(%dma_start3A_581 : memref<110592x32xf32, #tpu.memory_space<hbm>>) offsets(%dma_start3A_578 : memref<128xi32, #tpu.memory_space<vmem>>) semaphore(%arg14 : memref<!tpu.dma_semaphore, #tpu.memory_space<semaphore_mem>>)
    %dma_start3A_582 = arith.constant 4 : i32
    %dma_start3A_583 = arith.constant 4 : i32
    %dma_start3A_584 = arith.constant 0 : i32
    %dma_start3A_585 = arith.constant 0 : i32
    %dma_start3A_586 = tpu.memref_slice %arg10[%dma_start3A_582, %dma_start3A_584, %dma_start3A_585] : memref<26x128x32xf32, #tpu.memory_space<vmem>> -> memref<1x128x32xf32, #tpu.memory_space<vmem>>
    %dma_start3A_587 = tpu.memref_squeeze %dma_start3A_586 : memref<1x128x32xf32, #tpu.memory_space<vmem>> -> memref<128x32xf32, #tpu.memory_space<vmem>>
    %dma_start3A_588 = arith.constant 0 : i32
    %dma_start3A_589 = tpu.memref_slice %arg9[%dma_start3A_583, %dma_start3A_588] : memref<32x128xi32, #tpu.memory_space<vmem>> -> memref<1x128xi32, #tpu.memory_space<vmem>>
    %dma_start3A_590 = tpu.memref_squeeze %dma_start3A_589 : memref<1x128xi32, #tpu.memory_space<vmem>> -> memref<128xi32, #tpu.memory_space<vmem>>
    %dma_start3A_591 = arith.constant 0 : i32
    %dma_start3A_592 = arith.constant 0 : i32
    %dma_start3A_593 = tpu.memref_slice %arg7[%dma_start3A_591, %dma_start3A_592] : memref<110592x32xf32, #tpu.memory_space<hbm>> -> memref<110592x32xf32, #tpu.memory_space<hbm>>
    tpu.enqueue_indirect_dma source(%dma_start3A_587 : memref<128x32xf32, #tpu.memory_space<vmem>>) target(%dma_start3A_593 : memref<110592x32xf32, #tpu.memory_space<hbm>>) offsets(%dma_start3A_590 : memref<128xi32, #tpu.memory_space<vmem>>) semaphore(%arg14 : memref<!tpu.dma_semaphore, #tpu.memory_space<semaphore_mem>>)
    %dma_start3A_594 = arith.constant 5 : i32
    %dma_start3A_595 = arith.constant 5 : i32
    %dma_start3A_596 = arith.constant 0 : i32
    %dma_start3A_597 = arith.constant 0 : i32
    %dma_start3A_598 = tpu.memref_slice %arg10[%dma_start3A_594, %dma_start3A_596, %dma_start3A_597] : memref<26x128x32xf32, #tpu.memory_space<vmem>> -> memref<1x128x32xf32, #tpu.memory_space<vmem>>
    %dma_start3A_599 = tpu.memref_squeeze %dma_start3A_598 : memref<1x128x32xf32, #tpu.memory_space<vmem>> -> memref<128x32xf32, #tpu.memory_space<vmem>>
    %dma_start3A_600 = arith.constant 0 : i32
    %dma_start3A_601 = tpu.memref_slice %arg9[%dma_start3A_595, %dma_start3A_600] : memref<32x128xi32, #tpu.memory_space<vmem>> -> memref<1x128xi32, #tpu.memory_space<vmem>>
    %dma_start3A_602 = tpu.memref_squeeze %dma_start3A_601 : memref<1x128xi32, #tpu.memory_space<vmem>> -> memref<128xi32, #tpu.memory_space<vmem>>
    %dma_start3A_603 = arith.constant 0 : i32
    %dma_start3A_604 = arith.constant 0 : i32
    %dma_start3A_605 = tpu.memref_slice %arg7[%dma_start3A_603, %dma_start3A_604] : memref<110592x32xf32, #tpu.memory_space<hbm>> -> memref<110592x32xf32, #tpu.memory_space<hbm>>
    tpu.enqueue_indirect_dma source(%dma_start3A_599 : memref<128x32xf32, #tpu.memory_space<vmem>>) target(%dma_start3A_605 : memref<110592x32xf32, #tpu.memory_space<hbm>>) offsets(%dma_start3A_602 : memref<128xi32, #tpu.memory_space<vmem>>) semaphore(%arg14 : memref<!tpu.dma_semaphore, #tpu.memory_space<semaphore_mem>>)
    %dma_start3A_606 = arith.constant 6 : i32
    %dma_start3A_607 = arith.constant 6 : i32
    %dma_start3A_608 = arith.constant 0 : i32
    %dma_start3A_609 = arith.constant 0 : i32
    %dma_start3A_610 = tpu.memref_slice %arg10[%dma_start3A_606, %dma_start3A_608, %dma_start3A_609] : memref<26x128x32xf32, #tpu.memory_space<vmem>> -> memref<1x128x32xf32, #tpu.memory_space<vmem>>
    %dma_start3A_611 = tpu.memref_squeeze %dma_start3A_610 : memref<1x128x32xf32, #tpu.memory_space<vmem>> -> memref<128x32xf32, #tpu.memory_space<vmem>>
    %dma_start3A_612 = arith.constant 0 : i32
    %dma_start3A_613 = tpu.memref_slice %arg9[%dma_start3A_607, %dma_start3A_612] : memref<32x128xi32, #tpu.memory_space<vmem>> -> memref<1x128xi32, #tpu.memory_space<vmem>>
    %dma_start3A_614 = tpu.memref_squeeze %dma_start3A_613 : memref<1x128xi32, #tpu.memory_space<vmem>> -> memref<128xi32, #tpu.memory_space<vmem>>
    %dma_start3A_615 = arith.constant 0 : i32
    %dma_start3A_616 = arith.constant 0 : i32
    %dma_start3A_617 = tpu.memref_slice %arg7[%dma_start3A_615, %dma_start3A_616] : memref<110592x32xf32, #tpu.memory_space<hbm>> -> memref<110592x32xf32, #tpu.memory_space<hbm>>
    tpu.enqueue_indirect_dma source(%dma_start3A_611 : memref<128x32xf32, #tpu.memory_space<vmem>>) target(%dma_start3A_617 : memref<110592x32xf32, #tpu.memory_space<hbm>>) offsets(%dma_start3A_614 : memref<128xi32, #tpu.memory_space<vmem>>) semaphore(%arg14 : memref<!tpu.dma_semaphore, #tpu.memory_space<semaphore_mem>>)
    %dma_start3A_618 = arith.constant 7 : i32
    %dma_start3A_619 = arith.constant 7 : i32
    %dma_start3A_620 = arith.constant 0 : i32
    %dma_start3A_621 = arith.constant 0 : i32
    %dma_start3A_622 = tpu.memref_slice %arg10[%dma_start3A_618, %dma_start3A_620, %dma_start3A_621] : memref<26x128x32xf32, #tpu.memory_space<vmem>> -> memref<1x128x32xf32, #tpu.memory_space<vmem>>
    %dma_start3A_623 = tpu.memref_squeeze %dma_start3A_622 : memref<1x128x32xf32, #tpu.memory_space<vmem>> -> memref<128x32xf32, #tpu.memory_space<vmem>>
    %dma_start3A_624 = arith.constant 0 : i32
    %dma_start3A_625 = tpu.memref_slice %arg9[%dma_start3A_619, %dma_start3A_624] : memref<32x128xi32, #tpu.memory_space<vmem>> -> memref<1x128xi32, #tpu.memory_space<vmem>>
    %dma_start3A_626 = tpu.memref_squeeze %dma_start3A_625 : memref<1x128xi32, #tpu.memory_space<vmem>> -> memref<128xi32, #tpu.memory_space<vmem>>
    %dma_start3A_627 = arith.constant 0 : i32
    %dma_start3A_628 = arith.constant 0 : i32
    %dma_start3A_629 = tpu.memref_slice %arg7[%dma_start3A_627, %dma_start3A_628] : memref<110592x32xf32, #tpu.memory_space<hbm>> -> memref<110592x32xf32, #tpu.memory_space<hbm>>
    tpu.enqueue_indirect_dma source(%dma_start3A_623 : memref<128x32xf32, #tpu.memory_space<vmem>>) target(%dma_start3A_629 : memref<110592x32xf32, #tpu.memory_space<hbm>>) offsets(%dma_start3A_626 : memref<128xi32, #tpu.memory_space<vmem>>) semaphore(%arg14 : memref<!tpu.dma_semaphore, #tpu.memory_space<semaphore_mem>>)
    %dma_start3A_630 = arith.constant 8 : i32
    %dma_start3A_631 = arith.constant 8 : i32
    %dma_start3A_632 = arith.constant 0 : i32
    %dma_start3A_633 = arith.constant 0 : i32
    %dma_start3A_634 = tpu.memref_slice %arg10[%dma_start3A_630, %dma_start3A_632, %dma_start3A_633] : memref<26x128x32xf32, #tpu.memory_space<vmem>> -> memref<1x128x32xf32, #tpu.memory_space<vmem>>
    %dma_start3A_635 = tpu.memref_squeeze %dma_start3A_634 : memref<1x128x32xf32, #tpu.memory_space<vmem>> -> memref<128x32xf32, #tpu.memory_space<vmem>>
    %dma_start3A_636 = arith.constant 0 : i32
    %dma_start3A_637 = tpu.memref_slice %arg9[%dma_start3A_631, %dma_start3A_636] : memref<32x128xi32, #tpu.memory_space<vmem>> -> memref<1x128xi32, #tpu.memory_space<vmem>>
    %dma_start3A_638 = tpu.memref_squeeze %dma_start3A_637 : memref<1x128xi32, #tpu.memory_space<vmem>> -> memref<128xi32, #tpu.memory_space<vmem>>
    %dma_start3A_639 = arith.constant 0 : i32
    %dma_start3A_640 = arith.constant 0 : i32
    %dma_start3A_641 = tpu.memref_slice %arg7[%dma_start3A_639, %dma_start3A_640] : memref<110592x32xf32, #tpu.memory_space<hbm>> -> memref<110592x32xf32, #tpu.memory_space<hbm>>
    tpu.enqueue_indirect_dma source(%dma_start3A_635 : memref<128x32xf32, #tpu.memory_space<vmem>>) target(%dma_start3A_641 : memref<110592x32xf32, #tpu.memory_space<hbm>>) offsets(%dma_start3A_638 : memref<128xi32, #tpu.memory_space<vmem>>) semaphore(%arg14 : memref<!tpu.dma_semaphore, #tpu.memory_space<semaphore_mem>>)
    %dma_start3A_642 = arith.constant 9 : i32
    %dma_start3A_643 = arith.constant 9 : i32
    %dma_start3A_644 = arith.constant 0 : i32
    %dma_start3A_645 = arith.constant 0 : i32
    %dma_start3A_646 = tpu.memref_slice %arg10[%dma_start3A_642, %dma_start3A_644, %dma_start3A_645] : memref<26x128x32xf32, #tpu.memory_space<vmem>> -> memref<1x128x32xf32, #tpu.memory_space<vmem>>
    %dma_start3A_647 = tpu.memref_squeeze %dma_start3A_646 : memref<1x128x32xf32, #tpu.memory_space<vmem>> -> memref<128x32xf32, #tpu.memory_space<vmem>>
    %dma_start3A_648 = arith.constant 0 : i32
    %dma_start3A_649 = tpu.memref_slice %arg9[%dma_start3A_643, %dma_start3A_648] : memref<32x128xi32, #tpu.memory_space<vmem>> -> memref<1x128xi32, #tpu.memory_space<vmem>>
    %dma_start3A_650 = tpu.memref_squeeze %dma_start3A_649 : memref<1x128xi32, #tpu.memory_space<vmem>> -> memref<128xi32, #tpu.memory_space<vmem>>
    %dma_start3A_651 = arith.constant 0 : i32
    %dma_start3A_652 = arith.constant 0 : i32
    %dma_start3A_653 = tpu.memref_slice %arg7[%dma_start3A_651, %dma_start3A_652] : memref<110592x32xf32, #tpu.memory_space<hbm>> -> memref<110592x32xf32, #tpu.memory_space<hbm>>
    tpu.enqueue_indirect_dma source(%dma_start3A_647 : memref<128x32xf32, #tpu.memory_space<vmem>>) target(%dma_start3A_653 : memref<110592x32xf32, #tpu.memory_space<hbm>>) offsets(%dma_start3A_650 : memref<128xi32, #tpu.memory_space<vmem>>) semaphore(%arg14 : memref<!tpu.dma_semaphore, #tpu.memory_space<semaphore_mem>>)
    %dma_start3A_654 = arith.constant 10 : i32
    %dma_start3A_655 = arith.constant 10 : i32
    %dma_start3A_656 = arith.constant 0 : i32
    %dma_start3A_657 = arith.constant 0 : i32
    %dma_start3A_658 = tpu.memref_slice %arg10[%dma_start3A_654, %dma_start3A_656, %dma_start3A_657] : memref<26x128x32xf32, #tpu.memory_space<vmem>> -> memref<1x128x32xf32, #tpu.memory_space<vmem>>
    %dma_start3A_659 = tpu.memref_squeeze %dma_start3A_658 : memref<1x128x32xf32, #tpu.memory_space<vmem>> -> memref<128x32xf32, #tpu.memory_space<vmem>>
    %dma_start3A_660 = arith.constant 0 : i32
    %dma_start3A_661 = tpu.memref_slice %arg9[%dma_start3A_655, %dma_start3A_660] : memref<32x128xi32, #tpu.memory_space<vmem>> -> memref<1x128xi32, #tpu.memory_space<vmem>>
    %dma_start3A_662 = tpu.memref_squeeze %dma_start3A_661 : memref<1x128xi32, #tpu.memory_space<vmem>> -> memref<128xi32, #tpu.memory_space<vmem>>
    %dma_start3A_663 = arith.constant 0 : i32
    %dma_start3A_664 = arith.constant 0 : i32
    %dma_start3A_665 = tpu.memref_slice %arg7[%dma_start3A_663, %dma_start3A_664] : memref<110592x32xf32, #tpu.memory_space<hbm>> -> memref<110592x32xf32, #tpu.memory_space<hbm>>
    tpu.enqueue_indirect_dma source(%dma_start3A_659 : memref<128x32xf32, #tpu.memory_space<vmem>>) target(%dma_start3A_665 : memref<110592x32xf32, #tpu.memory_space<hbm>>) offsets(%dma_start3A_662 : memref<128xi32, #tpu.memory_space<vmem>>) semaphore(%arg14 : memref<!tpu.dma_semaphore, #tpu.memory_space<semaphore_mem>>)
    %dma_start3A_666 = arith.constant 11 : i32
    %dma_start3A_667 = arith.constant 11 : i32
    %dma_start3A_668 = arith.constant 0 : i32
    %dma_start3A_669 = arith.constant 0 : i32
    %dma_start3A_670 = tpu.memref_slice %arg10[%dma_start3A_666, %dma_start3A_668, %dma_start3A_669] : memref<26x128x32xf32, #tpu.memory_space<vmem>> -> memref<1x128x32xf32, #tpu.memory_space<vmem>>
    %dma_start3A_671 = tpu.memref_squeeze %dma_start3A_670 : memref<1x128x32xf32, #tpu.memory_space<vmem>> -> memref<128x32xf32, #tpu.memory_space<vmem>>
    %dma_start3A_672 = arith.constant 0 : i32
    %dma_start3A_673 = tpu.memref_slice %arg9[%dma_start3A_667, %dma_start3A_672] : memref<32x128xi32, #tpu.memory_space<vmem>> -> memref<1x128xi32, #tpu.memory_space<vmem>>
    %dma_start3A_674 = tpu.memref_squeeze %dma_start3A_673 : memref<1x128xi32, #tpu.memory_space<vmem>> -> memref<128xi32, #tpu.memory_space<vmem>>
    %dma_start3A_675 = arith.constant 0 : i32
    %dma_start3A_676 = arith.constant 0 : i32
    %dma_start3A_677 = tpu.memref_slice %arg7[%dma_start3A_675, %dma_start3A_676] : memref<110592x32xf32, #tpu.memory_space<hbm>> -> memref<110592x32xf32, #tpu.memory_space<hbm>>
    tpu.enqueue_indirect_dma source(%dma_start3A_671 : memref<128x32xf32, #tpu.memory_space<vmem>>) target(%dma_start3A_677 : memref<110592x32xf32, #tpu.memory_space<hbm>>) offsets(%dma_start3A_674 : memref<128xi32, #tpu.memory_space<vmem>>) semaphore(%arg14 : memref<!tpu.dma_semaphore, #tpu.memory_space<semaphore_mem>>)
    %dma_start3A_678 = arith.constant 12 : i32
    %dma_start3A_679 = arith.constant 12 : i32
    %dma_start3A_680 = arith.constant 0 : i32
    %dma_start3A_681 = arith.constant 0 : i32
    %dma_start3A_682 = tpu.memref_slice %arg10[%dma_start3A_678, %dma_start3A_680, %dma_start3A_681] : memref<26x128x32xf32, #tpu.memory_space<vmem>> -> memref<1x128x32xf32, #tpu.memory_space<vmem>>
    %dma_start3A_683 = tpu.memref_squeeze %dma_start3A_682 : memref<1x128x32xf32, #tpu.memory_space<vmem>> -> memref<128x32xf32, #tpu.memory_space<vmem>>
    %dma_start3A_684 = arith.constant 0 : i32
    %dma_start3A_685 = tpu.memref_slice %arg9[%dma_start3A_679, %dma_start3A_684] : memref<32x128xi32, #tpu.memory_space<vmem>> -> memref<1x128xi32, #tpu.memory_space<vmem>>
    %dma_start3A_686 = tpu.memref_squeeze %dma_start3A_685 : memref<1x128xi32, #tpu.memory_space<vmem>> -> memref<128xi32, #tpu.memory_space<vmem>>
    %dma_start3A_687 = arith.constant 0 : i32
    %dma_start3A_688 = arith.constant 0 : i32
    %dma_start3A_689 = tpu.memref_slice %arg7[%dma_start3A_687, %dma_start3A_688] : memref<110592x32xf32, #tpu.memory_space<hbm>> -> memref<110592x32xf32, #tpu.memory_space<hbm>>
    tpu.enqueue_indirect_dma source(%dma_start3A_683 : memref<128x32xf32, #tpu.memory_space<vmem>>) target(%dma_start3A_689 : memref<110592x32xf32, #tpu.memory_space<hbm>>) offsets(%dma_start3A_686 : memref<128xi32, #tpu.memory_space<vmem>>) semaphore(%arg14 : memref<!tpu.dma_semaphore, #tpu.memory_space<semaphore_mem>>)
    %dma_start3A_690 = arith.constant 13 : i32
    %dma_start3A_691 = arith.constant 13 : i32
    %dma_start3A_692 = arith.constant 0 : i32
    %dma_start3A_693 = arith.constant 0 : i32
    %dma_start3A_694 = tpu.memref_slice %arg10[%dma_start3A_690, %dma_start3A_692, %dma_start3A_693] : memref<26x128x32xf32, #tpu.memory_space<vmem>> -> memref<1x128x32xf32, #tpu.memory_space<vmem>>
    %dma_start3A_695 = tpu.memref_squeeze %dma_start3A_694 : memref<1x128x32xf32, #tpu.memory_space<vmem>> -> memref<128x32xf32, #tpu.memory_space<vmem>>
    %dma_start3A_696 = arith.constant 0 : i32
    %dma_start3A_697 = tpu.memref_slice %arg9[%dma_start3A_691, %dma_start3A_696] : memref<32x128xi32, #tpu.memory_space<vmem>> -> memref<1x128xi32, #tpu.memory_space<vmem>>
    %dma_start3A_698 = tpu.memref_squeeze %dma_start3A_697 : memref<1x128xi32, #tpu.memory_space<vmem>> -> memref<128xi32, #tpu.memory_space<vmem>>
    %dma_start3A_699 = arith.constant 0 : i32
    %dma_start3A_700 = arith.constant 0 : i32
    %dma_start3A_701 = tpu.memref_slice %arg7[%dma_start3A_699, %dma_start3A_700] : memref<110592x32xf32, #tpu.memory_space<hbm>> -> memref<110592x32xf32, #tpu.memory_space<hbm>>
    tpu.enqueue_indirect_dma source(%dma_start3A_695 : memref<128x32xf32, #tpu.memory_space<vmem>>) target(%dma_start3A_701 : memref<110592x32xf32, #tpu.memory_space<hbm>>) offsets(%dma_start3A_698 : memref<128xi32, #tpu.memory_space<vmem>>) semaphore(%arg14 : memref<!tpu.dma_semaphore, #tpu.memory_space<semaphore_mem>>)
    %dma_start3A_702 = arith.constant 14 : i32
    %dma_start3A_703 = arith.constant 14 : i32
    %dma_start3A_704 = arith.constant 0 : i32
    %dma_start3A_705 = arith.constant 0 : i32
    %dma_start3A_706 = tpu.memref_slice %arg10[%dma_start3A_702, %dma_start3A_704, %dma_start3A_705] : memref<26x128x32xf32, #tpu.memory_space<vmem>> -> memref<1x128x32xf32, #tpu.memory_space<vmem>>
    %dma_start3A_707 = tpu.memref_squeeze %dma_start3A_706 : memref<1x128x32xf32, #tpu.memory_space<vmem>> -> memref<128x32xf32, #tpu.memory_space<vmem>>
    %dma_start3A_708 = arith.constant 0 : i32
    %dma_start3A_709 = tpu.memref_slice %arg9[%dma_start3A_703, %dma_start3A_708] : memref<32x128xi32, #tpu.memory_space<vmem>> -> memref<1x128xi32, #tpu.memory_space<vmem>>
    %dma_start3A_710 = tpu.memref_squeeze %dma_start3A_709 : memref<1x128xi32, #tpu.memory_space<vmem>> -> memref<128xi32, #tpu.memory_space<vmem>>
    %dma_start3A_711 = arith.constant 0 : i32
    %dma_start3A_712 = arith.constant 0 : i32
    %dma_start3A_713 = tpu.memref_slice %arg7[%dma_start3A_711, %dma_start3A_712] : memref<110592x32xf32, #tpu.memory_space<hbm>> -> memref<110592x32xf32, #tpu.memory_space<hbm>>
    tpu.enqueue_indirect_dma source(%dma_start3A_707 : memref<128x32xf32, #tpu.memory_space<vmem>>) target(%dma_start3A_713 : memref<110592x32xf32, #tpu.memory_space<hbm>>) offsets(%dma_start3A_710 : memref<128xi32, #tpu.memory_space<vmem>>) semaphore(%arg14 : memref<!tpu.dma_semaphore, #tpu.memory_space<semaphore_mem>>)
    %dma_start3A_714 = arith.constant 15 : i32
    %dma_start3A_715 = arith.constant 15 : i32
    %dma_start3A_716 = arith.constant 0 : i32
    %dma_start3A_717 = arith.constant 0 : i32
    %dma_start3A_718 = tpu.memref_slice %arg10[%dma_start3A_714, %dma_start3A_716, %dma_start3A_717] : memref<26x128x32xf32, #tpu.memory_space<vmem>> -> memref<1x128x32xf32, #tpu.memory_space<vmem>>
    %dma_start3A_719 = tpu.memref_squeeze %dma_start3A_718 : memref<1x128x32xf32, #tpu.memory_space<vmem>> -> memref<128x32xf32, #tpu.memory_space<vmem>>
    %dma_start3A_720 = arith.constant 0 : i32
    %dma_start3A_721 = tpu.memref_slice %arg9[%dma_start3A_715, %dma_start3A_720] : memref<32x128xi32, #tpu.memory_space<vmem>> -> memref<1x128xi32, #tpu.memory_space<vmem>>
    %dma_start3A_722 = tpu.memref_squeeze %dma_start3A_721 : memref<1x128xi32, #tpu.memory_space<vmem>> -> memref<128xi32, #tpu.memory_space<vmem>>
    %dma_start3A_723 = arith.constant 0 : i32
    %dma_start3A_724 = arith.constant 0 : i32
    %dma_start3A_725 = tpu.memref_slice %arg7[%dma_start3A_723, %dma_start3A_724] : memref<110592x32xf32, #tpu.memory_space<hbm>> -> memref<110592x32xf32, #tpu.memory_space<hbm>>
    tpu.enqueue_indirect_dma source(%dma_start3A_719 : memref<128x32xf32, #tpu.memory_space<vmem>>) target(%dma_start3A_725 : memref<110592x32xf32, #tpu.memory_space<hbm>>) offsets(%dma_start3A_722 : memref<128xi32, #tpu.memory_space<vmem>>) semaphore(%arg14 : memref<!tpu.dma_semaphore, #tpu.memory_space<semaphore_mem>>)
    %dma_start3A_726 = arith.constant 16 : i32
    %dma_start3A_727 = arith.constant 16 : i32
    %dma_start3A_728 = arith.constant 0 : i32
    %dma_start3A_729 = arith.constant 0 : i32
    %dma_start3A_730 = tpu.memref_slice %arg10[%dma_start3A_726, %dma_start3A_728, %dma_start3A_729] : memref<26x128x32xf32, #tpu.memory_space<vmem>> -> memref<1x128x32xf32, #tpu.memory_space<vmem>>
    %dma_start3A_731 = tpu.memref_squeeze %dma_start3A_730 : memref<1x128x32xf32, #tpu.memory_space<vmem>> -> memref<128x32xf32, #tpu.memory_space<vmem>>
    %dma_start3A_732 = arith.constant 0 : i32
    %dma_start3A_733 = tpu.memref_slice %arg9[%dma_start3A_727, %dma_start3A_732] : memref<32x128xi32, #tpu.memory_space<vmem>> -> memref<1x128xi32, #tpu.memory_space<vmem>>
    %dma_start3A_734 = tpu.memref_squeeze %dma_start3A_733 : memref<1x128xi32, #tpu.memory_space<vmem>> -> memref<128xi32, #tpu.memory_space<vmem>>
    %dma_start3A_735 = arith.constant 0 : i32
    %dma_start3A_736 = arith.constant 0 : i32
    %dma_start3A_737 = tpu.memref_slice %arg7[%dma_start3A_735, %dma_start3A_736] : memref<110592x32xf32, #tpu.memory_space<hbm>> -> memref<110592x32xf32, #tpu.memory_space<hbm>>
    tpu.enqueue_indirect_dma source(%dma_start3A_731 : memref<128x32xf32, #tpu.memory_space<vmem>>) target(%dma_start3A_737 : memref<110592x32xf32, #tpu.memory_space<hbm>>) offsets(%dma_start3A_734 : memref<128xi32, #tpu.memory_space<vmem>>) semaphore(%arg14 : memref<!tpu.dma_semaphore, #tpu.memory_space<semaphore_mem>>)
    %dma_start3A_738 = arith.constant 17 : i32
    %dma_start3A_739 = arith.constant 17 : i32
    %dma_start3A_740 = arith.constant 0 : i32
    %dma_start3A_741 = arith.constant 0 : i32
    %dma_start3A_742 = tpu.memref_slice %arg10[%dma_start3A_738, %dma_start3A_740, %dma_start3A_741] : memref<26x128x32xf32, #tpu.memory_space<vmem>> -> memref<1x128x32xf32, #tpu.memory_space<vmem>>
    %dma_start3A_743 = tpu.memref_squeeze %dma_start3A_742 : memref<1x128x32xf32, #tpu.memory_space<vmem>> -> memref<128x32xf32, #tpu.memory_space<vmem>>
    %dma_start3A_744 = arith.constant 0 : i32
    %dma_start3A_745 = tpu.memref_slice %arg9[%dma_start3A_739, %dma_start3A_744] : memref<32x128xi32, #tpu.memory_space<vmem>> -> memref<1x128xi32, #tpu.memory_space<vmem>>
    %dma_start3A_746 = tpu.memref_squeeze %dma_start3A_745 : memref<1x128xi32, #tpu.memory_space<vmem>> -> memref<128xi32, #tpu.memory_space<vmem>>
    %dma_start3A_747 = arith.constant 0 : i32
    %dma_start3A_748 = arith.constant 0 : i32
    %dma_start3A_749 = tpu.memref_slice %arg7[%dma_start3A_747, %dma_start3A_748] : memref<110592x32xf32, #tpu.memory_space<hbm>> -> memref<110592x32xf32, #tpu.memory_space<hbm>>
    tpu.enqueue_indirect_dma source(%dma_start3A_743 : memref<128x32xf32, #tpu.memory_space<vmem>>) target(%dma_start3A_749 : memref<110592x32xf32, #tpu.memory_space<hbm>>) offsets(%dma_start3A_746 : memref<128xi32, #tpu.memory_space<vmem>>) semaphore(%arg14 : memref<!tpu.dma_semaphore, #tpu.memory_space<semaphore_mem>>)
    %dma_start3A_750 = arith.constant 18 : i32
    %dma_start3A_751 = arith.constant 18 : i32
    %dma_start3A_752 = arith.constant 0 : i32
    %dma_start3A_753 = arith.constant 0 : i32
    %dma_start3A_754 = tpu.memref_slice %arg10[%dma_start3A_750, %dma_start3A_752, %dma_start3A_753] : memref<26x128x32xf32, #tpu.memory_space<vmem>> -> memref<1x128x32xf32, #tpu.memory_space<vmem>>
    %dma_start3A_755 = tpu.memref_squeeze %dma_start3A_754 : memref<1x128x32xf32, #tpu.memory_space<vmem>> -> memref<128x32xf32, #tpu.memory_space<vmem>>
    %dma_start3A_756 = arith.constant 0 : i32
    %dma_start3A_757 = tpu.memref_slice %arg9[%dma_start3A_751, %dma_start3A_756] : memref<32x128xi32, #tpu.memory_space<vmem>> -> memref<1x128xi32, #tpu.memory_space<vmem>>
    %dma_start3A_758 = tpu.memref_squeeze %dma_start3A_757 : memref<1x128xi32, #tpu.memory_space<vmem>> -> memref<128xi32, #tpu.memory_space<vmem>>
    %dma_start3A_759 = arith.constant 0 : i32
    %dma_start3A_760 = arith.constant 0 : i32
    %dma_start3A_761 = tpu.memref_slice %arg7[%dma_start3A_759, %dma_start3A_760] : memref<110592x32xf32, #tpu.memory_space<hbm>> -> memref<110592x32xf32, #tpu.memory_space<hbm>>
    tpu.enqueue_indirect_dma source(%dma_start3A_755 : memref<128x32xf32, #tpu.memory_space<vmem>>) target(%dma_start3A_761 : memref<110592x32xf32, #tpu.memory_space<hbm>>) offsets(%dma_start3A_758 : memref<128xi32, #tpu.memory_space<vmem>>) semaphore(%arg14 : memref<!tpu.dma_semaphore, #tpu.memory_space<semaphore_mem>>)
    %dma_start3A_762 = arith.constant 19 : i32
    %dma_start3A_763 = arith.constant 19 : i32
    %dma_start3A_764 = arith.constant 0 : i32
    %dma_start3A_765 = arith.constant 0 : i32
    %dma_start3A_766 = tpu.memref_slice %arg10[%dma_start3A_762, %dma_start3A_764, %dma_start3A_765] : memref<26x128x32xf32, #tpu.memory_space<vmem>> -> memref<1x128x32xf32, #tpu.memory_space<vmem>>
    %dma_start3A_767 = tpu.memref_squeeze %dma_start3A_766 : memref<1x128x32xf32, #tpu.memory_space<vmem>> -> memref<128x32xf32, #tpu.memory_space<vmem>>
    %dma_start3A_768 = arith.constant 0 : i32
    %dma_start3A_769 = tpu.memref_slice %arg9[%dma_start3A_763, %dma_start3A_768] : memref<32x128xi32, #tpu.memory_space<vmem>> -> memref<1x128xi32, #tpu.memory_space<vmem>>
    %dma_start3A_770 = tpu.memref_squeeze %dma_start3A_769 : memref<1x128xi32, #tpu.memory_space<vmem>> -> memref<128xi32, #tpu.memory_space<vmem>>
    %dma_start3A_771 = arith.constant 0 : i32
    %dma_start3A_772 = arith.constant 0 : i32
    %dma_start3A_773 = tpu.memref_slice %arg7[%dma_start3A_771, %dma_start3A_772] : memref<110592x32xf32, #tpu.memory_space<hbm>> -> memref<110592x32xf32, #tpu.memory_space<hbm>>
    tpu.enqueue_indirect_dma source(%dma_start3A_767 : memref<128x32xf32, #tpu.memory_space<vmem>>) target(%dma_start3A_773 : memref<110592x32xf32, #tpu.memory_space<hbm>>) offsets(%dma_start3A_770 : memref<128xi32, #tpu.memory_space<vmem>>) semaphore(%arg14 : memref<!tpu.dma_semaphore, #tpu.memory_space<semaphore_mem>>)
    %dma_start3A_774 = arith.constant 20 : i32
    %dma_start3A_775 = arith.constant 20 : i32
    %dma_start3A_776 = arith.constant 0 : i32
    %dma_start3A_777 = arith.constant 0 : i32
    %dma_start3A_778 = tpu.memref_slice %arg10[%dma_start3A_774, %dma_start3A_776, %dma_start3A_777] : memref<26x128x32xf32, #tpu.memory_space<vmem>> -> memref<1x128x32xf32, #tpu.memory_space<vmem>>
    %dma_start3A_779 = tpu.memref_squeeze %dma_start3A_778 : memref<1x128x32xf32, #tpu.memory_space<vmem>> -> memref<128x32xf32, #tpu.memory_space<vmem>>
    %dma_start3A_780 = arith.constant 0 : i32
    %dma_start3A_781 = tpu.memref_slice %arg9[%dma_start3A_775, %dma_start3A_780] : memref<32x128xi32, #tpu.memory_space<vmem>> -> memref<1x128xi32, #tpu.memory_space<vmem>>
    %dma_start3A_782 = tpu.memref_squeeze %dma_start3A_781 : memref<1x128xi32, #tpu.memory_space<vmem>> -> memref<128xi32, #tpu.memory_space<vmem>>
    %dma_start3A_783 = arith.constant 0 : i32
    %dma_start3A_784 = arith.constant 0 : i32
    %dma_start3A_785 = tpu.memref_slice %arg7[%dma_start3A_783, %dma_start3A_784] : memref<110592x32xf32, #tpu.memory_space<hbm>> -> memref<110592x32xf32, #tpu.memory_space<hbm>>
    tpu.enqueue_indirect_dma source(%dma_start3A_779 : memref<128x32xf32, #tpu.memory_space<vmem>>) target(%dma_start3A_785 : memref<110592x32xf32, #tpu.memory_space<hbm>>) offsets(%dma_start3A_782 : memref<128xi32, #tpu.memory_space<vmem>>) semaphore(%arg14 : memref<!tpu.dma_semaphore, #tpu.memory_space<semaphore_mem>>)
    %dma_start3A_786 = arith.constant 21 : i32
    %dma_start3A_787 = arith.constant 21 : i32
    %dma_start3A_788 = arith.constant 0 : i32
    %dma_start3A_789 = arith.constant 0 : i32
    %dma_start3A_790 = tpu.memref_slice %arg10[%dma_start3A_786, %dma_start3A_788, %dma_start3A_789] : memref<26x128x32xf32, #tpu.memory_space<vmem>> -> memref<1x128x32xf32, #tpu.memory_space<vmem>>
    %dma_start3A_791 = tpu.memref_squeeze %dma_start3A_790 : memref<1x128x32xf32, #tpu.memory_space<vmem>> -> memref<128x32xf32, #tpu.memory_space<vmem>>
    %dma_start3A_792 = arith.constant 0 : i32
    %dma_start3A_793 = tpu.memref_slice %arg9[%dma_start3A_787, %dma_start3A_792] : memref<32x128xi32, #tpu.memory_space<vmem>> -> memref<1x128xi32, #tpu.memory_space<vmem>>
    %dma_start3A_794 = tpu.memref_squeeze %dma_start3A_793 : memref<1x128xi32, #tpu.memory_space<vmem>> -> memref<128xi32, #tpu.memory_space<vmem>>
    %dma_start3A_795 = arith.constant 0 : i32
    %dma_start3A_796 = arith.constant 0 : i32
    %dma_start3A_797 = tpu.memref_slice %arg7[%dma_start3A_795, %dma_start3A_796] : memref<110592x32xf32, #tpu.memory_space<hbm>> -> memref<110592x32xf32, #tpu.memory_space<hbm>>
    tpu.enqueue_indirect_dma source(%dma_start3A_791 : memref<128x32xf32, #tpu.memory_space<vmem>>) target(%dma_start3A_797 : memref<110592x32xf32, #tpu.memory_space<hbm>>) offsets(%dma_start3A_794 : memref<128xi32, #tpu.memory_space<vmem>>) semaphore(%arg14 : memref<!tpu.dma_semaphore, #tpu.memory_space<semaphore_mem>>)
    %dma_start3A_798 = arith.constant 22 : i32
    %dma_start3A_799 = arith.constant 22 : i32
    %dma_start3A_800 = arith.constant 0 : i32
    %dma_start3A_801 = arith.constant 0 : i32
    %dma_start3A_802 = tpu.memref_slice %arg10[%dma_start3A_798, %dma_start3A_800, %dma_start3A_801] : memref<26x128x32xf32, #tpu.memory_space<vmem>> -> memref<1x128x32xf32, #tpu.memory_space<vmem>>
    %dma_start3A_803 = tpu.memref_squeeze %dma_start3A_802 : memref<1x128x32xf32, #tpu.memory_space<vmem>> -> memref<128x32xf32, #tpu.memory_space<vmem>>
    %dma_start3A_804 = arith.constant 0 : i32
    %dma_start3A_805 = tpu.memref_slice %arg9[%dma_start3A_799, %dma_start3A_804] : memref<32x128xi32, #tpu.memory_space<vmem>> -> memref<1x128xi32, #tpu.memory_space<vmem>>
    %dma_start3A_806 = tpu.memref_squeeze %dma_start3A_805 : memref<1x128xi32, #tpu.memory_space<vmem>> -> memref<128xi32, #tpu.memory_space<vmem>>
    %dma_start3A_807 = arith.constant 0 : i32
    %dma_start3A_808 = arith.constant 0 : i32
    %dma_start3A_809 = tpu.memref_slice %arg7[%dma_start3A_807, %dma_start3A_808] : memref<110592x32xf32, #tpu.memory_space<hbm>> -> memref<110592x32xf32, #tpu.memory_space<hbm>>
    tpu.enqueue_indirect_dma source(%dma_start3A_803 : memref<128x32xf32, #tpu.memory_space<vmem>>) target(%dma_start3A_809 : memref<110592x32xf32, #tpu.memory_space<hbm>>) offsets(%dma_start3A_806 : memref<128xi32, #tpu.memory_space<vmem>>) semaphore(%arg14 : memref<!tpu.dma_semaphore, #tpu.memory_space<semaphore_mem>>)
    %dma_start3A_810 = arith.constant 23 : i32
    %dma_start3A_811 = arith.constant 23 : i32
    %dma_start3A_812 = arith.constant 0 : i32
    %dma_start3A_813 = arith.constant 0 : i32
    %dma_start3A_814 = tpu.memref_slice %arg10[%dma_start3A_810, %dma_start3A_812, %dma_start3A_813] : memref<26x128x32xf32, #tpu.memory_space<vmem>> -> memref<1x128x32xf32, #tpu.memory_space<vmem>>
    %dma_start3A_815 = tpu.memref_squeeze %dma_start3A_814 : memref<1x128x32xf32, #tpu.memory_space<vmem>> -> memref<128x32xf32, #tpu.memory_space<vmem>>
    %dma_start3A_816 = arith.constant 0 : i32
    %dma_start3A_817 = tpu.memref_slice %arg9[%dma_start3A_811, %dma_start3A_816] : memref<32x128xi32, #tpu.memory_space<vmem>> -> memref<1x128xi32, #tpu.memory_space<vmem>>
    %dma_start3A_818 = tpu.memref_squeeze %dma_start3A_817 : memref<1x128xi32, #tpu.memory_space<vmem>> -> memref<128xi32, #tpu.memory_space<vmem>>
    %dma_start3A_819 = arith.constant 0 : i32
    %dma_start3A_820 = arith.constant 0 : i32
    %dma_start3A_821 = tpu.memref_slice %arg7[%dma_start3A_819, %dma_start3A_820] : memref<110592x32xf32, #tpu.memory_space<hbm>> -> memref<110592x32xf32, #tpu.memory_space<hbm>>
    tpu.enqueue_indirect_dma source(%dma_start3A_815 : memref<128x32xf32, #tpu.memory_space<vmem>>) target(%dma_start3A_821 : memref<110592x32xf32, #tpu.memory_space<hbm>>) offsets(%dma_start3A_818 : memref<128xi32, #tpu.memory_space<vmem>>) semaphore(%arg14 : memref<!tpu.dma_semaphore, #tpu.memory_space<semaphore_mem>>)
    %dma_start3A_822 = arith.constant 24 : i32
    %dma_start3A_823 = arith.constant 24 : i32
    %dma_start3A_824 = arith.constant 0 : i32
    %dma_start3A_825 = arith.constant 0 : i32
    %dma_start3A_826 = tpu.memref_slice %arg10[%dma_start3A_822, %dma_start3A_824, %dma_start3A_825] : memref<26x128x32xf32, #tpu.memory_space<vmem>> -> memref<1x128x32xf32, #tpu.memory_space<vmem>>
    %dma_start3A_827 = tpu.memref_squeeze %dma_start3A_826 : memref<1x128x32xf32, #tpu.memory_space<vmem>> -> memref<128x32xf32, #tpu.memory_space<vmem>>
    %dma_start3A_828 = arith.constant 0 : i32
    %dma_start3A_829 = tpu.memref_slice %arg9[%dma_start3A_823, %dma_start3A_828] : memref<32x128xi32, #tpu.memory_space<vmem>> -> memref<1x128xi32, #tpu.memory_space<vmem>>
    %dma_start3A_830 = tpu.memref_squeeze %dma_start3A_829 : memref<1x128xi32, #tpu.memory_space<vmem>> -> memref<128xi32, #tpu.memory_space<vmem>>
    %dma_start3A_831 = arith.constant 0 : i32
    %dma_start3A_832 = arith.constant 0 : i32
    %dma_start3A_833 = tpu.memref_slice %arg7[%dma_start3A_831, %dma_start3A_832] : memref<110592x32xf32, #tpu.memory_space<hbm>> -> memref<110592x32xf32, #tpu.memory_space<hbm>>
    tpu.enqueue_indirect_dma source(%dma_start3A_827 : memref<128x32xf32, #tpu.memory_space<vmem>>) target(%dma_start3A_833 : memref<110592x32xf32, #tpu.memory_space<hbm>>) offsets(%dma_start3A_830 : memref<128xi32, #tpu.memory_space<vmem>>) semaphore(%arg14 : memref<!tpu.dma_semaphore, #tpu.memory_space<semaphore_mem>>)
    %dma_start3A_834 = arith.constant 25 : i32
    %dma_start3A_835 = arith.constant 25 : i32
    %dma_start3A_836 = arith.constant 0 : i32
    %dma_start3A_837 = arith.constant 0 : i32
    %dma_start3A_838 = tpu.memref_slice %arg10[%dma_start3A_834, %dma_start3A_836, %dma_start3A_837] : memref<26x128x32xf32, #tpu.memory_space<vmem>> -> memref<1x128x32xf32, #tpu.memory_space<vmem>>
    %dma_start3A_839 = tpu.memref_squeeze %dma_start3A_838 : memref<1x128x32xf32, #tpu.memory_space<vmem>> -> memref<128x32xf32, #tpu.memory_space<vmem>>
    %dma_start3A_840 = arith.constant 0 : i32
    %dma_start3A_841 = tpu.memref_slice %arg9[%dma_start3A_835, %dma_start3A_840] : memref<32x128xi32, #tpu.memory_space<vmem>> -> memref<1x128xi32, #tpu.memory_space<vmem>>
    %dma_start3A_842 = tpu.memref_squeeze %dma_start3A_841 : memref<1x128xi32, #tpu.memory_space<vmem>> -> memref<128xi32, #tpu.memory_space<vmem>>
    %dma_start3A_843 = arith.constant 0 : i32
    %dma_start3A_844 = arith.constant 0 : i32
    %dma_start3A_845 = tpu.memref_slice %arg7[%dma_start3A_843, %dma_start3A_844] : memref<110592x32xf32, #tpu.memory_space<hbm>> -> memref<110592x32xf32, #tpu.memory_space<hbm>>
    tpu.enqueue_indirect_dma source(%dma_start3A_839 : memref<128x32xf32, #tpu.memory_space<vmem>>) target(%dma_start3A_845 : memref<110592x32xf32, #tpu.memory_space<hbm>>) offsets(%dma_start3A_842 : memref<128xi32, #tpu.memory_space<vmem>>) semaphore(%arg14 : memref<!tpu.dma_semaphore, #tpu.memory_space<semaphore_mem>>)
    %dma_wait3A_846 = arith.constant 0 : i32
    %dma_wait3A_847 = arith.constant 0 : i32
    %dma_wait3A_848 = tpu.memref_slice %arg11[%dma_wait3A_846, %dma_wait3A_847] : memref<8x128xi32, #tpu.memory_space<vmem>> -> memref<1x128xi32, #tpu.memory_space<vmem>>
    %dma_wait3A_849 = tpu.memref_squeeze %dma_wait3A_848 : memref<1x128xi32, #tpu.memory_space<vmem>> -> memref<128xi32, #tpu.memory_space<vmem>>
    %dma_wait3A_850 = arith.constant 0 : i32
    %dma_wait3A_851 = arith.constant 0 : i32
    %dma_wait3A_852 = tpu.memref_slice %arg7[%dma_wait3A_850, %dma_wait3A_851] : memref<110592x32xf32, #tpu.memory_space<hbm>> -> memref<110592x32xf32, #tpu.memory_space<hbm>>
    tpu.wait_indirect_dma semaphore(%arg14 : memref<!tpu.dma_semaphore, #tpu.memory_space<semaphore_mem>>) src(%arg12 : memref<128x32xf32, #tpu.memory_space<vmem>>) dst(%dma_wait3A_852 : memref<110592x32xf32, #tpu.memory_space<hbm>>)
    %dma_wait3A_853 = arith.constant 0 : i32
    %dma_wait3A_854 = arith.constant 0 : i32
    %dma_wait3A_855 = arith.constant 0 : i32
    %dma_wait3A_856 = arith.constant 0 : i32
    %dma_wait3A_857 = tpu.memref_slice %arg10[%dma_wait3A_853, %dma_wait3A_855, %dma_wait3A_856] : memref<26x128x32xf32, #tpu.memory_space<vmem>> -> memref<1x128x32xf32, #tpu.memory_space<vmem>>
    %dma_wait3A_858 = tpu.memref_squeeze %dma_wait3A_857 : memref<1x128x32xf32, #tpu.memory_space<vmem>> -> memref<128x32xf32, #tpu.memory_space<vmem>>
    %dma_wait3A_859 = arith.constant 0 : i32
    %dma_wait3A_860 = tpu.memref_slice %arg9[%dma_wait3A_854, %dma_wait3A_859] : memref<32x128xi32, #tpu.memory_space<vmem>> -> memref<1x128xi32, #tpu.memory_space<vmem>>
    %dma_wait3A_861 = tpu.memref_squeeze %dma_wait3A_860 : memref<1x128xi32, #tpu.memory_space<vmem>> -> memref<128xi32, #tpu.memory_space<vmem>>
    %dma_wait3A_862 = arith.constant 0 : i32
    %dma_wait3A_863 = arith.constant 0 : i32
    %dma_wait3A_864 = tpu.memref_slice %arg7[%dma_wait3A_862, %dma_wait3A_863] : memref<110592x32xf32, #tpu.memory_space<hbm>> -> memref<110592x32xf32, #tpu.memory_space<hbm>>
    tpu.wait_indirect_dma semaphore(%arg14 : memref<!tpu.dma_semaphore, #tpu.memory_space<semaphore_mem>>) src(%dma_wait3A_858 : memref<128x32xf32, #tpu.memory_space<vmem>>) dst(%dma_wait3A_864 : memref<110592x32xf32, #tpu.memory_space<hbm>>)
    %dma_wait3A_865 = arith.constant 1 : i32
    %dma_wait3A_866 = arith.constant 1 : i32
    %dma_wait3A_867 = arith.constant 0 : i32
    %dma_wait3A_868 = arith.constant 0 : i32
    %dma_wait3A_869 = tpu.memref_slice %arg10[%dma_wait3A_865, %dma_wait3A_867, %dma_wait3A_868] : memref<26x128x32xf32, #tpu.memory_space<vmem>> -> memref<1x128x32xf32, #tpu.memory_space<vmem>>
    %dma_wait3A_870 = tpu.memref_squeeze %dma_wait3A_869 : memref<1x128x32xf32, #tpu.memory_space<vmem>> -> memref<128x32xf32, #tpu.memory_space<vmem>>
    %dma_wait3A_871 = arith.constant 0 : i32
    %dma_wait3A_872 = tpu.memref_slice %arg9[%dma_wait3A_866, %dma_wait3A_871] : memref<32x128xi32, #tpu.memory_space<vmem>> -> memref<1x128xi32, #tpu.memory_space<vmem>>
    %dma_wait3A_873 = tpu.memref_squeeze %dma_wait3A_872 : memref<1x128xi32, #tpu.memory_space<vmem>> -> memref<128xi32, #tpu.memory_space<vmem>>
    %dma_wait3A_874 = arith.constant 0 : i32
    %dma_wait3A_875 = arith.constant 0 : i32
    %dma_wait3A_876 = tpu.memref_slice %arg7[%dma_wait3A_874, %dma_wait3A_875] : memref<110592x32xf32, #tpu.memory_space<hbm>> -> memref<110592x32xf32, #tpu.memory_space<hbm>>
    tpu.wait_indirect_dma semaphore(%arg14 : memref<!tpu.dma_semaphore, #tpu.memory_space<semaphore_mem>>) src(%dma_wait3A_870 : memref<128x32xf32, #tpu.memory_space<vmem>>) dst(%dma_wait3A_876 : memref<110592x32xf32, #tpu.memory_space<hbm>>)
    %dma_wait3A_877 = arith.constant 2 : i32
    %dma_wait3A_878 = arith.constant 2 : i32
    %dma_wait3A_879 = arith.constant 0 : i32
    %dma_wait3A_880 = arith.constant 0 : i32
    %dma_wait3A_881 = tpu.memref_slice %arg10[%dma_wait3A_877, %dma_wait3A_879, %dma_wait3A_880] : memref<26x128x32xf32, #tpu.memory_space<vmem>> -> memref<1x128x32xf32, #tpu.memory_space<vmem>>
    %dma_wait3A_882 = tpu.memref_squeeze %dma_wait3A_881 : memref<1x128x32xf32, #tpu.memory_space<vmem>> -> memref<128x32xf32, #tpu.memory_space<vmem>>
    %dma_wait3A_883 = arith.constant 0 : i32
    %dma_wait3A_884 = tpu.memref_slice %arg9[%dma_wait3A_878, %dma_wait3A_883] : memref<32x128xi32, #tpu.memory_space<vmem>> -> memref<1x128xi32, #tpu.memory_space<vmem>>
    %dma_wait3A_885 = tpu.memref_squeeze %dma_wait3A_884 : memref<1x128xi32, #tpu.memory_space<vmem>> -> memref<128xi32, #tpu.memory_space<vmem>>
    %dma_wait3A_886 = arith.constant 0 : i32
    %dma_wait3A_887 = arith.constant 0 : i32
    %dma_wait3A_888 = tpu.memref_slice %arg7[%dma_wait3A_886, %dma_wait3A_887] : memref<110592x32xf32, #tpu.memory_space<hbm>> -> memref<110592x32xf32, #tpu.memory_space<hbm>>
    tpu.wait_indirect_dma semaphore(%arg14 : memref<!tpu.dma_semaphore, #tpu.memory_space<semaphore_mem>>) src(%dma_wait3A_882 : memref<128x32xf32, #tpu.memory_space<vmem>>) dst(%dma_wait3A_888 : memref<110592x32xf32, #tpu.memory_space<hbm>>)
    %dma_wait3A_889 = arith.constant 3 : i32
    %dma_wait3A_890 = arith.constant 3 : i32
    %dma_wait3A_891 = arith.constant 0 : i32
    %dma_wait3A_892 = arith.constant 0 : i32
    %dma_wait3A_893 = tpu.memref_slice %arg10[%dma_wait3A_889, %dma_wait3A_891, %dma_wait3A_892] : memref<26x128x32xf32, #tpu.memory_space<vmem>> -> memref<1x128x32xf32, #tpu.memory_space<vmem>>
    %dma_wait3A_894 = tpu.memref_squeeze %dma_wait3A_893 : memref<1x128x32xf32, #tpu.memory_space<vmem>> -> memref<128x32xf32, #tpu.memory_space<vmem>>
    %dma_wait3A_895 = arith.constant 0 : i32
    %dma_wait3A_896 = tpu.memref_slice %arg9[%dma_wait3A_890, %dma_wait3A_895] : memref<32x128xi32, #tpu.memory_space<vmem>> -> memref<1x128xi32, #tpu.memory_space<vmem>>
    %dma_wait3A_897 = tpu.memref_squeeze %dma_wait3A_896 : memref<1x128xi32, #tpu.memory_space<vmem>> -> memref<128xi32, #tpu.memory_space<vmem>>
    %dma_wait3A_898 = arith.constant 0 : i32
    %dma_wait3A_899 = arith.constant 0 : i32
    %dma_wait3A_900 = tpu.memref_slice %arg7[%dma_wait3A_898, %dma_wait3A_899] : memref<110592x32xf32, #tpu.memory_space<hbm>> -> memref<110592x32xf32, #tpu.memory_space<hbm>>
    tpu.wait_indirect_dma semaphore(%arg14 : memref<!tpu.dma_semaphore, #tpu.memory_space<semaphore_mem>>) src(%dma_wait3A_894 : memref<128x32xf32, #tpu.memory_space<vmem>>) dst(%dma_wait3A_900 : memref<110592x32xf32, #tpu.memory_space<hbm>>)
    %dma_wait3A_901 = arith.constant 4 : i32
    %dma_wait3A_902 = arith.constant 4 : i32
    %dma_wait3A_903 = arith.constant 0 : i32
    %dma_wait3A_904 = arith.constant 0 : i32
    %dma_wait3A_905 = tpu.memref_slice %arg10[%dma_wait3A_901, %dma_wait3A_903, %dma_wait3A_904] : memref<26x128x32xf32, #tpu.memory_space<vmem>> -> memref<1x128x32xf32, #tpu.memory_space<vmem>>
    %dma_wait3A_906 = tpu.memref_squeeze %dma_wait3A_905 : memref<1x128x32xf32, #tpu.memory_space<vmem>> -> memref<128x32xf32, #tpu.memory_space<vmem>>
    %dma_wait3A_907 = arith.constant 0 : i32
    %dma_wait3A_908 = tpu.memref_slice %arg9[%dma_wait3A_902, %dma_wait3A_907] : memref<32x128xi32, #tpu.memory_space<vmem>> -> memref<1x128xi32, #tpu.memory_space<vmem>>
    %dma_wait3A_909 = tpu.memref_squeeze %dma_wait3A_908 : memref<1x128xi32, #tpu.memory_space<vmem>> -> memref<128xi32, #tpu.memory_space<vmem>>
    %dma_wait3A_910 = arith.constant 0 : i32
    %dma_wait3A_911 = arith.constant 0 : i32
    %dma_wait3A_912 = tpu.memref_slice %arg7[%dma_wait3A_910, %dma_wait3A_911] : memref<110592x32xf32, #tpu.memory_space<hbm>> -> memref<110592x32xf32, #tpu.memory_space<hbm>>
    tpu.wait_indirect_dma semaphore(%arg14 : memref<!tpu.dma_semaphore, #tpu.memory_space<semaphore_mem>>) src(%dma_wait3A_906 : memref<128x32xf32, #tpu.memory_space<vmem>>) dst(%dma_wait3A_912 : memref<110592x32xf32, #tpu.memory_space<hbm>>)
    %dma_wait3A_913 = arith.constant 5 : i32
    %dma_wait3A_914 = arith.constant 5 : i32
    %dma_wait3A_915 = arith.constant 0 : i32
    %dma_wait3A_916 = arith.constant 0 : i32
    %dma_wait3A_917 = tpu.memref_slice %arg10[%dma_wait3A_913, %dma_wait3A_915, %dma_wait3A_916] : memref<26x128x32xf32, #tpu.memory_space<vmem>> -> memref<1x128x32xf32, #tpu.memory_space<vmem>>
    %dma_wait3A_918 = tpu.memref_squeeze %dma_wait3A_917 : memref<1x128x32xf32, #tpu.memory_space<vmem>> -> memref<128x32xf32, #tpu.memory_space<vmem>>
    %dma_wait3A_919 = arith.constant 0 : i32
    %dma_wait3A_920 = tpu.memref_slice %arg9[%dma_wait3A_914, %dma_wait3A_919] : memref<32x128xi32, #tpu.memory_space<vmem>> -> memref<1x128xi32, #tpu.memory_space<vmem>>
    %dma_wait3A_921 = tpu.memref_squeeze %dma_wait3A_920 : memref<1x128xi32, #tpu.memory_space<vmem>> -> memref<128xi32, #tpu.memory_space<vmem>>
    %dma_wait3A_922 = arith.constant 0 : i32
    %dma_wait3A_923 = arith.constant 0 : i32
    %dma_wait3A_924 = tpu.memref_slice %arg7[%dma_wait3A_922, %dma_wait3A_923] : memref<110592x32xf32, #tpu.memory_space<hbm>> -> memref<110592x32xf32, #tpu.memory_space<hbm>>
    tpu.wait_indirect_dma semaphore(%arg14 : memref<!tpu.dma_semaphore, #tpu.memory_space<semaphore_mem>>) src(%dma_wait3A_918 : memref<128x32xf32, #tpu.memory_space<vmem>>) dst(%dma_wait3A_924 : memref<110592x32xf32, #tpu.memory_space<hbm>>)
    %dma_wait3A_925 = arith.constant 6 : i32
    %dma_wait3A_926 = arith.constant 6 : i32
    %dma_wait3A_927 = arith.constant 0 : i32
    %dma_wait3A_928 = arith.constant 0 : i32
    %dma_wait3A_929 = tpu.memref_slice %arg10[%dma_wait3A_925, %dma_wait3A_927, %dma_wait3A_928] : memref<26x128x32xf32, #tpu.memory_space<vmem>> -> memref<1x128x32xf32, #tpu.memory_space<vmem>>
    %dma_wait3A_930 = tpu.memref_squeeze %dma_wait3A_929 : memref<1x128x32xf32, #tpu.memory_space<vmem>> -> memref<128x32xf32, #tpu.memory_space<vmem>>
    %dma_wait3A_931 = arith.constant 0 : i32
    %dma_wait3A_932 = tpu.memref_slice %arg9[%dma_wait3A_926, %dma_wait3A_931] : memref<32x128xi32, #tpu.memory_space<vmem>> -> memref<1x128xi32, #tpu.memory_space<vmem>>
    %dma_wait3A_933 = tpu.memref_squeeze %dma_wait3A_932 : memref<1x128xi32, #tpu.memory_space<vmem>> -> memref<128xi32, #tpu.memory_space<vmem>>
    %dma_wait3A_934 = arith.constant 0 : i32
    %dma_wait3A_935 = arith.constant 0 : i32
    %dma_wait3A_936 = tpu.memref_slice %arg7[%dma_wait3A_934, %dma_wait3A_935] : memref<110592x32xf32, #tpu.memory_space<hbm>> -> memref<110592x32xf32, #tpu.memory_space<hbm>>
    tpu.wait_indirect_dma semaphore(%arg14 : memref<!tpu.dma_semaphore, #tpu.memory_space<semaphore_mem>>) src(%dma_wait3A_930 : memref<128x32xf32, #tpu.memory_space<vmem>>) dst(%dma_wait3A_936 : memref<110592x32xf32, #tpu.memory_space<hbm>>)
    %dma_wait3A_937 = arith.constant 7 : i32
    %dma_wait3A_938 = arith.constant 7 : i32
    %dma_wait3A_939 = arith.constant 0 : i32
    %dma_wait3A_940 = arith.constant 0 : i32
    %dma_wait3A_941 = tpu.memref_slice %arg10[%dma_wait3A_937, %dma_wait3A_939, %dma_wait3A_940] : memref<26x128x32xf32, #tpu.memory_space<vmem>> -> memref<1x128x32xf32, #tpu.memory_space<vmem>>
    %dma_wait3A_942 = tpu.memref_squeeze %dma_wait3A_941 : memref<1x128x32xf32, #tpu.memory_space<vmem>> -> memref<128x32xf32, #tpu.memory_space<vmem>>
    %dma_wait3A_943 = arith.constant 0 : i32
    %dma_wait3A_944 = tpu.memref_slice %arg9[%dma_wait3A_938, %dma_wait3A_943] : memref<32x128xi32, #tpu.memory_space<vmem>> -> memref<1x128xi32, #tpu.memory_space<vmem>>
    %dma_wait3A_945 = tpu.memref_squeeze %dma_wait3A_944 : memref<1x128xi32, #tpu.memory_space<vmem>> -> memref<128xi32, #tpu.memory_space<vmem>>
    %dma_wait3A_946 = arith.constant 0 : i32
    %dma_wait3A_947 = arith.constant 0 : i32
    %dma_wait3A_948 = tpu.memref_slice %arg7[%dma_wait3A_946, %dma_wait3A_947] : memref<110592x32xf32, #tpu.memory_space<hbm>> -> memref<110592x32xf32, #tpu.memory_space<hbm>>
    tpu.wait_indirect_dma semaphore(%arg14 : memref<!tpu.dma_semaphore, #tpu.memory_space<semaphore_mem>>) src(%dma_wait3A_942 : memref<128x32xf32, #tpu.memory_space<vmem>>) dst(%dma_wait3A_948 : memref<110592x32xf32, #tpu.memory_space<hbm>>)
    %dma_wait3A_949 = arith.constant 8 : i32
    %dma_wait3A_950 = arith.constant 8 : i32
    %dma_wait3A_951 = arith.constant 0 : i32
    %dma_wait3A_952 = arith.constant 0 : i32
    %dma_wait3A_953 = tpu.memref_slice %arg10[%dma_wait3A_949, %dma_wait3A_951, %dma_wait3A_952] : memref<26x128x32xf32, #tpu.memory_space<vmem>> -> memref<1x128x32xf32, #tpu.memory_space<vmem>>
    %dma_wait3A_954 = tpu.memref_squeeze %dma_wait3A_953 : memref<1x128x32xf32, #tpu.memory_space<vmem>> -> memref<128x32xf32, #tpu.memory_space<vmem>>
    %dma_wait3A_955 = arith.constant 0 : i32
    %dma_wait3A_956 = tpu.memref_slice %arg9[%dma_wait3A_950, %dma_wait3A_955] : memref<32x128xi32, #tpu.memory_space<vmem>> -> memref<1x128xi32, #tpu.memory_space<vmem>>
    %dma_wait3A_957 = tpu.memref_squeeze %dma_wait3A_956 : memref<1x128xi32, #tpu.memory_space<vmem>> -> memref<128xi32, #tpu.memory_space<vmem>>
    %dma_wait3A_958 = arith.constant 0 : i32
    %dma_wait3A_959 = arith.constant 0 : i32
    %dma_wait3A_960 = tpu.memref_slice %arg7[%dma_wait3A_958, %dma_wait3A_959] : memref<110592x32xf32, #tpu.memory_space<hbm>> -> memref<110592x32xf32, #tpu.memory_space<hbm>>
    tpu.wait_indirect_dma semaphore(%arg14 : memref<!tpu.dma_semaphore, #tpu.memory_space<semaphore_mem>>) src(%dma_wait3A_954 : memref<128x32xf32, #tpu.memory_space<vmem>>) dst(%dma_wait3A_960 : memref<110592x32xf32, #tpu.memory_space<hbm>>)
    %dma_wait3A_961 = arith.constant 9 : i32
    %dma_wait3A_962 = arith.constant 9 : i32
    %dma_wait3A_963 = arith.constant 0 : i32
    %dma_wait3A_964 = arith.constant 0 : i32
    %dma_wait3A_965 = tpu.memref_slice %arg10[%dma_wait3A_961, %dma_wait3A_963, %dma_wait3A_964] : memref<26x128x32xf32, #tpu.memory_space<vmem>> -> memref<1x128x32xf32, #tpu.memory_space<vmem>>
    %dma_wait3A_966 = tpu.memref_squeeze %dma_wait3A_965 : memref<1x128x32xf32, #tpu.memory_space<vmem>> -> memref<128x32xf32, #tpu.memory_space<vmem>>
    %dma_wait3A_967 = arith.constant 0 : i32
    %dma_wait3A_968 = tpu.memref_slice %arg9[%dma_wait3A_962, %dma_wait3A_967] : memref<32x128xi32, #tpu.memory_space<vmem>> -> memref<1x128xi32, #tpu.memory_space<vmem>>
    %dma_wait3A_969 = tpu.memref_squeeze %dma_wait3A_968 : memref<1x128xi32, #tpu.memory_space<vmem>> -> memref<128xi32, #tpu.memory_space<vmem>>
    %dma_wait3A_970 = arith.constant 0 : i32
    %dma_wait3A_971 = arith.constant 0 : i32
    %dma_wait3A_972 = tpu.memref_slice %arg7[%dma_wait3A_970, %dma_wait3A_971] : memref<110592x32xf32, #tpu.memory_space<hbm>> -> memref<110592x32xf32, #tpu.memory_space<hbm>>
    tpu.wait_indirect_dma semaphore(%arg14 : memref<!tpu.dma_semaphore, #tpu.memory_space<semaphore_mem>>) src(%dma_wait3A_966 : memref<128x32xf32, #tpu.memory_space<vmem>>) dst(%dma_wait3A_972 : memref<110592x32xf32, #tpu.memory_space<hbm>>)
    %dma_wait3A_973 = arith.constant 10 : i32
    %dma_wait3A_974 = arith.constant 10 : i32
    %dma_wait3A_975 = arith.constant 0 : i32
    %dma_wait3A_976 = arith.constant 0 : i32
    %dma_wait3A_977 = tpu.memref_slice %arg10[%dma_wait3A_973, %dma_wait3A_975, %dma_wait3A_976] : memref<26x128x32xf32, #tpu.memory_space<vmem>> -> memref<1x128x32xf32, #tpu.memory_space<vmem>>
    %dma_wait3A_978 = tpu.memref_squeeze %dma_wait3A_977 : memref<1x128x32xf32, #tpu.memory_space<vmem>> -> memref<128x32xf32, #tpu.memory_space<vmem>>
    %dma_wait3A_979 = arith.constant 0 : i32
    %dma_wait3A_980 = tpu.memref_slice %arg9[%dma_wait3A_974, %dma_wait3A_979] : memref<32x128xi32, #tpu.memory_space<vmem>> -> memref<1x128xi32, #tpu.memory_space<vmem>>
    %dma_wait3A_981 = tpu.memref_squeeze %dma_wait3A_980 : memref<1x128xi32, #tpu.memory_space<vmem>> -> memref<128xi32, #tpu.memory_space<vmem>>
    %dma_wait3A_982 = arith.constant 0 : i32
    %dma_wait3A_983 = arith.constant 0 : i32
    %dma_wait3A_984 = tpu.memref_slice %arg7[%dma_wait3A_982, %dma_wait3A_983] : memref<110592x32xf32, #tpu.memory_space<hbm>> -> memref<110592x32xf32, #tpu.memory_space<hbm>>
    tpu.wait_indirect_dma semaphore(%arg14 : memref<!tpu.dma_semaphore, #tpu.memory_space<semaphore_mem>>) src(%dma_wait3A_978 : memref<128x32xf32, #tpu.memory_space<vmem>>) dst(%dma_wait3A_984 : memref<110592x32xf32, #tpu.memory_space<hbm>>)
    %dma_wait3A_985 = arith.constant 11 : i32
    %dma_wait3A_986 = arith.constant 11 : i32
    %dma_wait3A_987 = arith.constant 0 : i32
    %dma_wait3A_988 = arith.constant 0 : i32
    %dma_wait3A_989 = tpu.memref_slice %arg10[%dma_wait3A_985, %dma_wait3A_987, %dma_wait3A_988] : memref<26x128x32xf32, #tpu.memory_space<vmem>> -> memref<1x128x32xf32, #tpu.memory_space<vmem>>
    %dma_wait3A_990 = tpu.memref_squeeze %dma_wait3A_989 : memref<1x128x32xf32, #tpu.memory_space<vmem>> -> memref<128x32xf32, #tpu.memory_space<vmem>>
    %dma_wait3A_991 = arith.constant 0 : i32
    %dma_wait3A_992 = tpu.memref_slice %arg9[%dma_wait3A_986, %dma_wait3A_991] : memref<32x128xi32, #tpu.memory_space<vmem>> -> memref<1x128xi32, #tpu.memory_space<vmem>>
    %dma_wait3A_993 = tpu.memref_squeeze %dma_wait3A_992 : memref<1x128xi32, #tpu.memory_space<vmem>> -> memref<128xi32, #tpu.memory_space<vmem>>
    %dma_wait3A_994 = arith.constant 0 : i32
    %dma_wait3A_995 = arith.constant 0 : i32
    %dma_wait3A_996 = tpu.memref_slice %arg7[%dma_wait3A_994, %dma_wait3A_995] : memref<110592x32xf32, #tpu.memory_space<hbm>> -> memref<110592x32xf32, #tpu.memory_space<hbm>>
    tpu.wait_indirect_dma semaphore(%arg14 : memref<!tpu.dma_semaphore, #tpu.memory_space<semaphore_mem>>) src(%dma_wait3A_990 : memref<128x32xf32, #tpu.memory_space<vmem>>) dst(%dma_wait3A_996 : memref<110592x32xf32, #tpu.memory_space<hbm>>)
    %dma_wait3A_997 = arith.constant 12 : i32
    %dma_wait3A_998 = arith.constant 12 : i32
    %dma_wait3A_999 = arith.constant 0 : i32
    %dma_wait3A_1000 = arith.constant 0 : i32
    %dma_wait3A_1001 = tpu.memref_slice %arg10[%dma_wait3A_997, %dma_wait3A_999, %dma_wait3A_1000] : memref<26x128x32xf32, #tpu.memory_space<vmem>> -> memref<1x128x32xf32, #tpu.memory_space<vmem>>
    %dma_wait3A_1002 = tpu.memref_squeeze %dma_wait3A_1001 : memref<1x128x32xf32, #tpu.memory_space<vmem>> -> memref<128x32xf32, #tpu.memory_space<vmem>>
    %dma_wait3A_1003 = arith.constant 0 : i32
    %dma_wait3A_1004 = tpu.memref_slice %arg9[%dma_wait3A_998, %dma_wait3A_1003] : memref<32x128xi32, #tpu.memory_space<vmem>> -> memref<1x128xi32, #tpu.memory_space<vmem>>
    %dma_wait3A_1005 = tpu.memref_squeeze %dma_wait3A_1004 : memref<1x128xi32, #tpu.memory_space<vmem>> -> memref<128xi32, #tpu.memory_space<vmem>>
    %dma_wait3A_1006 = arith.constant 0 : i32
    %dma_wait3A_1007 = arith.constant 0 : i32
    %dma_wait3A_1008 = tpu.memref_slice %arg7[%dma_wait3A_1006, %dma_wait3A_1007] : memref<110592x32xf32, #tpu.memory_space<hbm>> -> memref<110592x32xf32, #tpu.memory_space<hbm>>
    tpu.wait_indirect_dma semaphore(%arg14 : memref<!tpu.dma_semaphore, #tpu.memory_space<semaphore_mem>>) src(%dma_wait3A_1002 : memref<128x32xf32, #tpu.memory_space<vmem>>) dst(%dma_wait3A_1008 : memref<110592x32xf32, #tpu.memory_space<hbm>>)
    %dma_wait3A_1009 = arith.constant 13 : i32
    %dma_wait3A_1010 = arith.constant 13 : i32
    %dma_wait3A_1011 = arith.constant 0 : i32
    %dma_wait3A_1012 = arith.constant 0 : i32
    %dma_wait3A_1013 = tpu.memref_slice %arg10[%dma_wait3A_1009, %dma_wait3A_1011, %dma_wait3A_1012] : memref<26x128x32xf32, #tpu.memory_space<vmem>> -> memref<1x128x32xf32, #tpu.memory_space<vmem>>
    %dma_wait3A_1014 = tpu.memref_squeeze %dma_wait3A_1013 : memref<1x128x32xf32, #tpu.memory_space<vmem>> -> memref<128x32xf32, #tpu.memory_space<vmem>>
    %dma_wait3A_1015 = arith.constant 0 : i32
    %dma_wait3A_1016 = tpu.memref_slice %arg9[%dma_wait3A_1010, %dma_wait3A_1015] : memref<32x128xi32, #tpu.memory_space<vmem>> -> memref<1x128xi32, #tpu.memory_space<vmem>>
    %dma_wait3A_1017 = tpu.memref_squeeze %dma_wait3A_1016 : memref<1x128xi32, #tpu.memory_space<vmem>> -> memref<128xi32, #tpu.memory_space<vmem>>
    %dma_wait3A_1018 = arith.constant 0 : i32
    %dma_wait3A_1019 = arith.constant 0 : i32
    %dma_wait3A_1020 = tpu.memref_slice %arg7[%dma_wait3A_1018, %dma_wait3A_1019] : memref<110592x32xf32, #tpu.memory_space<hbm>> -> memref<110592x32xf32, #tpu.memory_space<hbm>>
    tpu.wait_indirect_dma semaphore(%arg14 : memref<!tpu.dma_semaphore, #tpu.memory_space<semaphore_mem>>) src(%dma_wait3A_1014 : memref<128x32xf32, #tpu.memory_space<vmem>>) dst(%dma_wait3A_1020 : memref<110592x32xf32, #tpu.memory_space<hbm>>)
    %dma_wait3A_1021 = arith.constant 14 : i32
    %dma_wait3A_1022 = arith.constant 14 : i32
    %dma_wait3A_1023 = arith.constant 0 : i32
    %dma_wait3A_1024 = arith.constant 0 : i32
    %dma_wait3A_1025 = tpu.memref_slice %arg10[%dma_wait3A_1021, %dma_wait3A_1023, %dma_wait3A_1024] : memref<26x128x32xf32, #tpu.memory_space<vmem>> -> memref<1x128x32xf32, #tpu.memory_space<vmem>>
    %dma_wait3A_1026 = tpu.memref_squeeze %dma_wait3A_1025 : memref<1x128x32xf32, #tpu.memory_space<vmem>> -> memref<128x32xf32, #tpu.memory_space<vmem>>
    %dma_wait3A_1027 = arith.constant 0 : i32
    %dma_wait3A_1028 = tpu.memref_slice %arg9[%dma_wait3A_1022, %dma_wait3A_1027] : memref<32x128xi32, #tpu.memory_space<vmem>> -> memref<1x128xi32, #tpu.memory_space<vmem>>
    %dma_wait3A_1029 = tpu.memref_squeeze %dma_wait3A_1028 : memref<1x128xi32, #tpu.memory_space<vmem>> -> memref<128xi32, #tpu.memory_space<vmem>>
    %dma_wait3A_1030 = arith.constant 0 : i32
    %dma_wait3A_1031 = arith.constant 0 : i32
    %dma_wait3A_1032 = tpu.memref_slice %arg7[%dma_wait3A_1030, %dma_wait3A_1031] : memref<110592x32xf32, #tpu.memory_space<hbm>> -> memref<110592x32xf32, #tpu.memory_space<hbm>>
    tpu.wait_indirect_dma semaphore(%arg14 : memref<!tpu.dma_semaphore, #tpu.memory_space<semaphore_mem>>) src(%dma_wait3A_1026 : memref<128x32xf32, #tpu.memory_space<vmem>>) dst(%dma_wait3A_1032 : memref<110592x32xf32, #tpu.memory_space<hbm>>)
    %dma_wait3A_1033 = arith.constant 15 : i32
    %dma_wait3A_1034 = arith.constant 15 : i32
    %dma_wait3A_1035 = arith.constant 0 : i32
    %dma_wait3A_1036 = arith.constant 0 : i32
    %dma_wait3A_1037 = tpu.memref_slice %arg10[%dma_wait3A_1033, %dma_wait3A_1035, %dma_wait3A_1036] : memref<26x128x32xf32, #tpu.memory_space<vmem>> -> memref<1x128x32xf32, #tpu.memory_space<vmem>>
    %dma_wait3A_1038 = tpu.memref_squeeze %dma_wait3A_1037 : memref<1x128x32xf32, #tpu.memory_space<vmem>> -> memref<128x32xf32, #tpu.memory_space<vmem>>
    %dma_wait3A_1039 = arith.constant 0 : i32
    %dma_wait3A_1040 = tpu.memref_slice %arg9[%dma_wait3A_1034, %dma_wait3A_1039] : memref<32x128xi32, #tpu.memory_space<vmem>> -> memref<1x128xi32, #tpu.memory_space<vmem>>
    %dma_wait3A_1041 = tpu.memref_squeeze %dma_wait3A_1040 : memref<1x128xi32, #tpu.memory_space<vmem>> -> memref<128xi32, #tpu.memory_space<vmem>>
    %dma_wait3A_1042 = arith.constant 0 : i32
    %dma_wait3A_1043 = arith.constant 0 : i32
    %dma_wait3A_1044 = tpu.memref_slice %arg7[%dma_wait3A_1042, %dma_wait3A_1043] : memref<110592x32xf32, #tpu.memory_space<hbm>> -> memref<110592x32xf32, #tpu.memory_space<hbm>>
    tpu.wait_indirect_dma semaphore(%arg14 : memref<!tpu.dma_semaphore, #tpu.memory_space<semaphore_mem>>) src(%dma_wait3A_1038 : memref<128x32xf32, #tpu.memory_space<vmem>>) dst(%dma_wait3A_1044 : memref<110592x32xf32, #tpu.memory_space<hbm>>)
    %dma_wait3A_1045 = arith.constant 16 : i32
    %dma_wait3A_1046 = arith.constant 16 : i32
    %dma_wait3A_1047 = arith.constant 0 : i32
    %dma_wait3A_1048 = arith.constant 0 : i32
    %dma_wait3A_1049 = tpu.memref_slice %arg10[%dma_wait3A_1045, %dma_wait3A_1047, %dma_wait3A_1048] : memref<26x128x32xf32, #tpu.memory_space<vmem>> -> memref<1x128x32xf32, #tpu.memory_space<vmem>>
    %dma_wait3A_1050 = tpu.memref_squeeze %dma_wait3A_1049 : memref<1x128x32xf32, #tpu.memory_space<vmem>> -> memref<128x32xf32, #tpu.memory_space<vmem>>
    %dma_wait3A_1051 = arith.constant 0 : i32
    %dma_wait3A_1052 = tpu.memref_slice %arg9[%dma_wait3A_1046, %dma_wait3A_1051] : memref<32x128xi32, #tpu.memory_space<vmem>> -> memref<1x128xi32, #tpu.memory_space<vmem>>
    %dma_wait3A_1053 = tpu.memref_squeeze %dma_wait3A_1052 : memref<1x128xi32, #tpu.memory_space<vmem>> -> memref<128xi32, #tpu.memory_space<vmem>>
    %dma_wait3A_1054 = arith.constant 0 : i32
    %dma_wait3A_1055 = arith.constant 0 : i32
    %dma_wait3A_1056 = tpu.memref_slice %arg7[%dma_wait3A_1054, %dma_wait3A_1055] : memref<110592x32xf32, #tpu.memory_space<hbm>> -> memref<110592x32xf32, #tpu.memory_space<hbm>>
    tpu.wait_indirect_dma semaphore(%arg14 : memref<!tpu.dma_semaphore, #tpu.memory_space<semaphore_mem>>) src(%dma_wait3A_1050 : memref<128x32xf32, #tpu.memory_space<vmem>>) dst(%dma_wait3A_1056 : memref<110592x32xf32, #tpu.memory_space<hbm>>)
    %dma_wait3A_1057 = arith.constant 17 : i32
    %dma_wait3A_1058 = arith.constant 17 : i32
    %dma_wait3A_1059 = arith.constant 0 : i32
    %dma_wait3A_1060 = arith.constant 0 : i32
    %dma_wait3A_1061 = tpu.memref_slice %arg10[%dma_wait3A_1057, %dma_wait3A_1059, %dma_wait3A_1060] : memref<26x128x32xf32, #tpu.memory_space<vmem>> -> memref<1x128x32xf32, #tpu.memory_space<vmem>>
    %dma_wait3A_1062 = tpu.memref_squeeze %dma_wait3A_1061 : memref<1x128x32xf32, #tpu.memory_space<vmem>> -> memref<128x32xf32, #tpu.memory_space<vmem>>
    %dma_wait3A_1063 = arith.constant 0 : i32
    %dma_wait3A_1064 = tpu.memref_slice %arg9[%dma_wait3A_1058, %dma_wait3A_1063] : memref<32x128xi32, #tpu.memory_space<vmem>> -> memref<1x128xi32, #tpu.memory_space<vmem>>
    %dma_wait3A_1065 = tpu.memref_squeeze %dma_wait3A_1064 : memref<1x128xi32, #tpu.memory_space<vmem>> -> memref<128xi32, #tpu.memory_space<vmem>>
    %dma_wait3A_1066 = arith.constant 0 : i32
    %dma_wait3A_1067 = arith.constant 0 : i32
    %dma_wait3A_1068 = tpu.memref_slice %arg7[%dma_wait3A_1066, %dma_wait3A_1067] : memref<110592x32xf32, #tpu.memory_space<hbm>> -> memref<110592x32xf32, #tpu.memory_space<hbm>>
    tpu.wait_indirect_dma semaphore(%arg14 : memref<!tpu.dma_semaphore, #tpu.memory_space<semaphore_mem>>) src(%dma_wait3A_1062 : memref<128x32xf32, #tpu.memory_space<vmem>>) dst(%dma_wait3A_1068 : memref<110592x32xf32, #tpu.memory_space<hbm>>)
    %dma_wait3A_1069 = arith.constant 18 : i32
    %dma_wait3A_1070 = arith.constant 18 : i32
    %dma_wait3A_1071 = arith.constant 0 : i32
    %dma_wait3A_1072 = arith.constant 0 : i32
    %dma_wait3A_1073 = tpu.memref_slice %arg10[%dma_wait3A_1069, %dma_wait3A_1071, %dma_wait3A_1072] : memref<26x128x32xf32, #tpu.memory_space<vmem>> -> memref<1x128x32xf32, #tpu.memory_space<vmem>>
    %dma_wait3A_1074 = tpu.memref_squeeze %dma_wait3A_1073 : memref<1x128x32xf32, #tpu.memory_space<vmem>> -> memref<128x32xf32, #tpu.memory_space<vmem>>
    %dma_wait3A_1075 = arith.constant 0 : i32
    %dma_wait3A_1076 = tpu.memref_slice %arg9[%dma_wait3A_1070, %dma_wait3A_1075] : memref<32x128xi32, #tpu.memory_space<vmem>> -> memref<1x128xi32, #tpu.memory_space<vmem>>
    %dma_wait3A_1077 = tpu.memref_squeeze %dma_wait3A_1076 : memref<1x128xi32, #tpu.memory_space<vmem>> -> memref<128xi32, #tpu.memory_space<vmem>>
    %dma_wait3A_1078 = arith.constant 0 : i32
    %dma_wait3A_1079 = arith.constant 0 : i32
    %dma_wait3A_1080 = tpu.memref_slice %arg7[%dma_wait3A_1078, %dma_wait3A_1079] : memref<110592x32xf32, #tpu.memory_space<hbm>> -> memref<110592x32xf32, #tpu.memory_space<hbm>>
    tpu.wait_indirect_dma semaphore(%arg14 : memref<!tpu.dma_semaphore, #tpu.memory_space<semaphore_mem>>) src(%dma_wait3A_1074 : memref<128x32xf32, #tpu.memory_space<vmem>>) dst(%dma_wait3A_1080 : memref<110592x32xf32, #tpu.memory_space<hbm>>)
    %dma_wait3A_1081 = arith.constant 19 : i32
    %dma_wait3A_1082 = arith.constant 19 : i32
    %dma_wait3A_1083 = arith.constant 0 : i32
    %dma_wait3A_1084 = arith.constant 0 : i32
    %dma_wait3A_1085 = tpu.memref_slice %arg10[%dma_wait3A_1081, %dma_wait3A_1083, %dma_wait3A_1084] : memref<26x128x32xf32, #tpu.memory_space<vmem>> -> memref<1x128x32xf32, #tpu.memory_space<vmem>>
    %dma_wait3A_1086 = tpu.memref_squeeze %dma_wait3A_1085 : memref<1x128x32xf32, #tpu.memory_space<vmem>> -> memref<128x32xf32, #tpu.memory_space<vmem>>
    %dma_wait3A_1087 = arith.constant 0 : i32
    %dma_wait3A_1088 = tpu.memref_slice %arg9[%dma_wait3A_1082, %dma_wait3A_1087] : memref<32x128xi32, #tpu.memory_space<vmem>> -> memref<1x128xi32, #tpu.memory_space<vmem>>
    %dma_wait3A_1089 = tpu.memref_squeeze %dma_wait3A_1088 : memref<1x128xi32, #tpu.memory_space<vmem>> -> memref<128xi32, #tpu.memory_space<vmem>>
    %dma_wait3A_1090 = arith.constant 0 : i32
    %dma_wait3A_1091 = arith.constant 0 : i32
    %dma_wait3A_1092 = tpu.memref_slice %arg7[%dma_wait3A_1090, %dma_wait3A_1091] : memref<110592x32xf32, #tpu.memory_space<hbm>> -> memref<110592x32xf32, #tpu.memory_space<hbm>>
    tpu.wait_indirect_dma semaphore(%arg14 : memref<!tpu.dma_semaphore, #tpu.memory_space<semaphore_mem>>) src(%dma_wait3A_1086 : memref<128x32xf32, #tpu.memory_space<vmem>>) dst(%dma_wait3A_1092 : memref<110592x32xf32, #tpu.memory_space<hbm>>)
    %dma_wait3A_1093 = arith.constant 20 : i32
    %dma_wait3A_1094 = arith.constant 20 : i32
    %dma_wait3A_1095 = arith.constant 0 : i32
    %dma_wait3A_1096 = arith.constant 0 : i32
    %dma_wait3A_1097 = tpu.memref_slice %arg10[%dma_wait3A_1093, %dma_wait3A_1095, %dma_wait3A_1096] : memref<26x128x32xf32, #tpu.memory_space<vmem>> -> memref<1x128x32xf32, #tpu.memory_space<vmem>>
    %dma_wait3A_1098 = tpu.memref_squeeze %dma_wait3A_1097 : memref<1x128x32xf32, #tpu.memory_space<vmem>> -> memref<128x32xf32, #tpu.memory_space<vmem>>
    %dma_wait3A_1099 = arith.constant 0 : i32
    %dma_wait3A_1100 = tpu.memref_slice %arg9[%dma_wait3A_1094, %dma_wait3A_1099] : memref<32x128xi32, #tpu.memory_space<vmem>> -> memref<1x128xi32, #tpu.memory_space<vmem>>
    %dma_wait3A_1101 = tpu.memref_squeeze %dma_wait3A_1100 : memref<1x128xi32, #tpu.memory_space<vmem>> -> memref<128xi32, #tpu.memory_space<vmem>>
    %dma_wait3A_1102 = arith.constant 0 : i32
    %dma_wait3A_1103 = arith.constant 0 : i32
    %dma_wait3A_1104 = tpu.memref_slice %arg7[%dma_wait3A_1102, %dma_wait3A_1103] : memref<110592x32xf32, #tpu.memory_space<hbm>> -> memref<110592x32xf32, #tpu.memory_space<hbm>>
    tpu.wait_indirect_dma semaphore(%arg14 : memref<!tpu.dma_semaphore, #tpu.memory_space<semaphore_mem>>) src(%dma_wait3A_1098 : memref<128x32xf32, #tpu.memory_space<vmem>>) dst(%dma_wait3A_1104 : memref<110592x32xf32, #tpu.memory_space<hbm>>)
    %dma_wait3A_1105 = arith.constant 21 : i32
    %dma_wait3A_1106 = arith.constant 21 : i32
    %dma_wait3A_1107 = arith.constant 0 : i32
    %dma_wait3A_1108 = arith.constant 0 : i32
    %dma_wait3A_1109 = tpu.memref_slice %arg10[%dma_wait3A_1105, %dma_wait3A_1107, %dma_wait3A_1108] : memref<26x128x32xf32, #tpu.memory_space<vmem>> -> memref<1x128x32xf32, #tpu.memory_space<vmem>>
    %dma_wait3A_1110 = tpu.memref_squeeze %dma_wait3A_1109 : memref<1x128x32xf32, #tpu.memory_space<vmem>> -> memref<128x32xf32, #tpu.memory_space<vmem>>
    %dma_wait3A_1111 = arith.constant 0 : i32
    %dma_wait3A_1112 = tpu.memref_slice %arg9[%dma_wait3A_1106, %dma_wait3A_1111] : memref<32x128xi32, #tpu.memory_space<vmem>> -> memref<1x128xi32, #tpu.memory_space<vmem>>
    %dma_wait3A_1113 = tpu.memref_squeeze %dma_wait3A_1112 : memref<1x128xi32, #tpu.memory_space<vmem>> -> memref<128xi32, #tpu.memory_space<vmem>>
    %dma_wait3A_1114 = arith.constant 0 : i32
    %dma_wait3A_1115 = arith.constant 0 : i32
    %dma_wait3A_1116 = tpu.memref_slice %arg7[%dma_wait3A_1114, %dma_wait3A_1115] : memref<110592x32xf32, #tpu.memory_space<hbm>> -> memref<110592x32xf32, #tpu.memory_space<hbm>>
    tpu.wait_indirect_dma semaphore(%arg14 : memref<!tpu.dma_semaphore, #tpu.memory_space<semaphore_mem>>) src(%dma_wait3A_1110 : memref<128x32xf32, #tpu.memory_space<vmem>>) dst(%dma_wait3A_1116 : memref<110592x32xf32, #tpu.memory_space<hbm>>)
    %dma_wait3A_1117 = arith.constant 22 : i32
    %dma_wait3A_1118 = arith.constant 22 : i32
    %dma_wait3A_1119 = arith.constant 0 : i32
    %dma_wait3A_1120 = arith.constant 0 : i32
    %dma_wait3A_1121 = tpu.memref_slice %arg10[%dma_wait3A_1117, %dma_wait3A_1119, %dma_wait3A_1120] : memref<26x128x32xf32, #tpu.memory_space<vmem>> -> memref<1x128x32xf32, #tpu.memory_space<vmem>>
    %dma_wait3A_1122 = tpu.memref_squeeze %dma_wait3A_1121 : memref<1x128x32xf32, #tpu.memory_space<vmem>> -> memref<128x32xf32, #tpu.memory_space<vmem>>
    %dma_wait3A_1123 = arith.constant 0 : i32
    %dma_wait3A_1124 = tpu.memref_slice %arg9[%dma_wait3A_1118, %dma_wait3A_1123] : memref<32x128xi32, #tpu.memory_space<vmem>> -> memref<1x128xi32, #tpu.memory_space<vmem>>
    %dma_wait3A_1125 = tpu.memref_squeeze %dma_wait3A_1124 : memref<1x128xi32, #tpu.memory_space<vmem>> -> memref<128xi32, #tpu.memory_space<vmem>>
    %dma_wait3A_1126 = arith.constant 0 : i32
    %dma_wait3A_1127 = arith.constant 0 : i32
    %dma_wait3A_1128 = tpu.memref_slice %arg7[%dma_wait3A_1126, %dma_wait3A_1127] : memref<110592x32xf32, #tpu.memory_space<hbm>> -> memref<110592x32xf32, #tpu.memory_space<hbm>>
    tpu.wait_indirect_dma semaphore(%arg14 : memref<!tpu.dma_semaphore, #tpu.memory_space<semaphore_mem>>) src(%dma_wait3A_1122 : memref<128x32xf32, #tpu.memory_space<vmem>>) dst(%dma_wait3A_1128 : memref<110592x32xf32, #tpu.memory_space<hbm>>)
    %dma_wait3A_1129 = arith.constant 23 : i32
    %dma_wait3A_1130 = arith.constant 23 : i32
    %dma_wait3A_1131 = arith.constant 0 : i32
    %dma_wait3A_1132 = arith.constant 0 : i32
    %dma_wait3A_1133 = tpu.memref_slice %arg10[%dma_wait3A_1129, %dma_wait3A_1131, %dma_wait3A_1132] : memref<26x128x32xf32, #tpu.memory_space<vmem>> -> memref<1x128x32xf32, #tpu.memory_space<vmem>>
    %dma_wait3A_1134 = tpu.memref_squeeze %dma_wait3A_1133 : memref<1x128x32xf32, #tpu.memory_space<vmem>> -> memref<128x32xf32, #tpu.memory_space<vmem>>
    %dma_wait3A_1135 = arith.constant 0 : i32
    %dma_wait3A_1136 = tpu.memref_slice %arg9[%dma_wait3A_1130, %dma_wait3A_1135] : memref<32x128xi32, #tpu.memory_space<vmem>> -> memref<1x128xi32, #tpu.memory_space<vmem>>
    %dma_wait3A_1137 = tpu.memref_squeeze %dma_wait3A_1136 : memref<1x128xi32, #tpu.memory_space<vmem>> -> memref<128xi32, #tpu.memory_space<vmem>>
    %dma_wait3A_1138 = arith.constant 0 : i32
    %dma_wait3A_1139 = arith.constant 0 : i32
    %dma_wait3A_1140 = tpu.memref_slice %arg7[%dma_wait3A_1138, %dma_wait3A_1139] : memref<110592x32xf32, #tpu.memory_space<hbm>> -> memref<110592x32xf32, #tpu.memory_space<hbm>>
    tpu.wait_indirect_dma semaphore(%arg14 : memref<!tpu.dma_semaphore, #tpu.memory_space<semaphore_mem>>) src(%dma_wait3A_1134 : memref<128x32xf32, #tpu.memory_space<vmem>>) dst(%dma_wait3A_1140 : memref<110592x32xf32, #tpu.memory_space<hbm>>)
    %dma_wait3A_1141 = arith.constant 24 : i32
    %dma_wait3A_1142 = arith.constant 24 : i32
    %dma_wait3A_1143 = arith.constant 0 : i32
    %dma_wait3A_1144 = arith.constant 0 : i32
    %dma_wait3A_1145 = tpu.memref_slice %arg10[%dma_wait3A_1141, %dma_wait3A_1143, %dma_wait3A_1144] : memref<26x128x32xf32, #tpu.memory_space<vmem>> -> memref<1x128x32xf32, #tpu.memory_space<vmem>>
    %dma_wait3A_1146 = tpu.memref_squeeze %dma_wait3A_1145 : memref<1x128x32xf32, #tpu.memory_space<vmem>> -> memref<128x32xf32, #tpu.memory_space<vmem>>
    %dma_wait3A_1147 = arith.constant 0 : i32
    %dma_wait3A_1148 = tpu.memref_slice %arg9[%dma_wait3A_1142, %dma_wait3A_1147] : memref<32x128xi32, #tpu.memory_space<vmem>> -> memref<1x128xi32, #tpu.memory_space<vmem>>
    %dma_wait3A_1149 = tpu.memref_squeeze %dma_wait3A_1148 : memref<1x128xi32, #tpu.memory_space<vmem>> -> memref<128xi32, #tpu.memory_space<vmem>>
    %dma_wait3A_1150 = arith.constant 0 : i32
    %dma_wait3A_1151 = arith.constant 0 : i32
    %dma_wait3A_1152 = tpu.memref_slice %arg7[%dma_wait3A_1150, %dma_wait3A_1151] : memref<110592x32xf32, #tpu.memory_space<hbm>> -> memref<110592x32xf32, #tpu.memory_space<hbm>>
    tpu.wait_indirect_dma semaphore(%arg14 : memref<!tpu.dma_semaphore, #tpu.memory_space<semaphore_mem>>) src(%dma_wait3A_1146 : memref<128x32xf32, #tpu.memory_space<vmem>>) dst(%dma_wait3A_1152 : memref<110592x32xf32, #tpu.memory_space<hbm>>)
    %dma_wait3A_1153 = arith.constant 25 : i32
    %dma_wait3A_1154 = arith.constant 25 : i32
    %dma_wait3A_1155 = arith.constant 0 : i32
    %dma_wait3A_1156 = arith.constant 0 : i32
    %dma_wait3A_1157 = tpu.memref_slice %arg10[%dma_wait3A_1153, %dma_wait3A_1155, %dma_wait3A_1156] : memref<26x128x32xf32, #tpu.memory_space<vmem>> -> memref<1x128x32xf32, #tpu.memory_space<vmem>>
    %dma_wait3A_1158 = tpu.memref_squeeze %dma_wait3A_1157 : memref<1x128x32xf32, #tpu.memory_space<vmem>> -> memref<128x32xf32, #tpu.memory_space<vmem>>
    %dma_wait3A_1159 = arith.constant 0 : i32
    %dma_wait3A_1160 = tpu.memref_slice %arg9[%dma_wait3A_1154, %dma_wait3A_1159] : memref<32x128xi32, #tpu.memory_space<vmem>> -> memref<1x128xi32, #tpu.memory_space<vmem>>
    %dma_wait3A_1161 = tpu.memref_squeeze %dma_wait3A_1160 : memref<1x128xi32, #tpu.memory_space<vmem>> -> memref<128xi32, #tpu.memory_space<vmem>>
    %dma_wait3A_1162 = arith.constant 0 : i32
    %dma_wait3A_1163 = arith.constant 0 : i32
    %dma_wait3A_1164 = tpu.memref_slice %arg7[%dma_wait3A_1162, %dma_wait3A_1163] : memref<110592x32xf32, #tpu.memory_space<hbm>> -> memref<110592x32xf32, #tpu.memory_space<hbm>>
    tpu.wait_indirect_dma semaphore(%arg14 : memref<!tpu.dma_semaphore, #tpu.memory_space<semaphore_mem>>) src(%dma_wait3A_1158 : memref<128x32xf32, #tpu.memory_space<vmem>>) dst(%dma_wait3A_1164 : memref<110592x32xf32, #tpu.memory_space<hbm>>)
    return
  }
}

module attributes {stable_mosaic.version = 14 : i64} {
  func.func @_repack_body(%arg0: i32, %arg1: memref<8192x32xf32, #tpu.memory_space<vmem>>, %arg2: memref<2048x128xf32, #tpu.memory_space<vmem>>) attributes {dimension_semantics = [#tpu.dimension_semantics<arbitrary>], iteration_bounds = array<i64: 123>, scalar_prefetch = 0 : i64, scratch_operands = 0 : i64, tpu.core_type = #tpu.core_type<tc>, window_params = [{transform_indices = @transform_0, window_bounds = array<i64: 8192, 32>}, {transform_indices = @transform_1, window_bounds = array<i64: 2048, 128>}]} {
    %get3A = arith.constant 0 : index
    %get3A_0 = arith.constant 0 : index
    %get3A_1 = vector.load %arg1[%get3A, %get3A_0] : memref<8192x32xf32, #tpu.memory_space<vmem>>, vector<8192x32xf32>
    %slice3A = vector.extract_strided_slice %get3A_1 {offsets = [0, 0], sizes = [2048, 32], strides = [1, 1]} : vector<8192x32xf32> to vector<2048x32xf32>
    %slice3A_2 = vector.extract_strided_slice %get3A_1 {offsets = [2048, 0], sizes = [2048, 32], strides = [1, 1]} : vector<8192x32xf32> to vector<2048x32xf32>
    %slice3A_3 = vector.extract_strided_slice %get3A_1 {offsets = [4096, 0], sizes = [2048, 32], strides = [1, 1]} : vector<8192x32xf32> to vector<2048x32xf32>
    %slice3A_4 = vector.extract_strided_slice %get3A_1 {offsets = [6144, 0], sizes = [2048, 32], strides = [1, 1]} : vector<8192x32xf32> to vector<2048x32xf32>
    %concatenate3A = tpu.concatenate %slice3A, %slice3A_2, %slice3A_3, %slice3A_4 in 1 : vector<2048x32xf32>, vector<2048x32xf32>, vector<2048x32xf32>, vector<2048x32xf32> -> vector<2048x128xf32>
    %swap3A = arith.constant 0 : index
    %swap3A_5 = arith.constant 0 : index
    %swap3A_6 = vector.load %arg2[%swap3A, %swap3A_5] : memref<2048x128xf32, #tpu.memory_space<vmem>>, vector<2048x128xf32>
    tpu.vector_store %arg2[%swap3A, %swap3A_5], %concatenate3A {strides = array<i32>} : memref<2048x128xf32, #tpu.memory_space<vmem>>, vector<2048x128xf32>,
    return
  }
  func.func @transform_0(%arg0: i32) -> (i32, i32) {
    %c0_i32 = arith.constant 0 : i32
    %c0_i32_0 = arith.constant 0 : i32
    return %arg0, %c0_i32 : i32, i32
  }
  func.func @transform_1(%arg0: i32) -> (i32, i32) {
    %c0_i32 = arith.constant 0 : i32
    %c0_i32_0 = arith.constant 0 : i32
    return %arg0, %c0_i32 : i32, i32
  }
}

module attributes {stable_mosaic.version = 14 : i64} {
  func.func @_mm_body(%arg0: memref<4096x13xf32, #tpu.memory_space<vmem>>, %arg1: memref<13x32xf32, #tpu.memory_space<vmem>>, %arg2: memref<1x32xf32, #tpu.memory_space<vmem>>, %arg3: memref<4096x32xf32, #tpu.memory_space<vmem>>) attributes {dimension_semantics = [], scalar_prefetch = 0 : i64, scratch_operands = 0 : i64, tpu.core_type = #tpu.core_type<tc>} {
    %get3A = arith.constant 0 : index
    %get3A_0 = arith.constant 0 : index
    %get3A_1 = vector.load %arg0[%get3A, %get3A_0] : memref<4096x13xf32, #tpu.memory_space<vmem>>, vector<4096x13xf32>
    %get3A_2 = arith.constant 0 : index
    %get3A_3 = arith.constant 0 : index
    %get3A_4 = vector.load %arg1[%get3A_2, %get3A_3] : memref<13x32xf32, #tpu.memory_space<vmem>>, vector<13x32xf32>
    %dot_general3A = arith.constant dense<0.000000e+00> : vector<4096x32xf32>
    %dot_general3A_5 = tpu.matmul %get3A_1, %get3A_4, %dot_general3A {dimension_numbers = #tpu.dot_dimension_numbers<[1], [0], [0], [1], [0, 0, 1, 1], [], []>, transpose_lhs_hint = false} : vector<4096x13xf32>, vector<13x32xf32>, vector<4096x32xf32> -> vector<4096x32xf32>
    %get3A_6 = arith.constant 0 : index
    %get3A_7 = arith.constant 0 : index
    %get3A_8 = vector.load %arg2[%get3A_6, %get3A_7] : memref<1x32xf32, #tpu.memory_space<vmem>>, vector<1x32xf32>
    %add3A = vector.broadcast %get3A_8 : vector<1x32xf32> to vector<4096x32xf32>
    %add3A_9 = arith.addf %dot_general3A_5, %add3A : vector<4096x32xf32>
    %swap3A = arith.constant 0 : index
    %swap3A_10 = arith.constant 0 : index
    %swap3A_11 = vector.load %arg3[%swap3A, %swap3A_10] : memref<4096x32xf32, #tpu.memory_space<vmem>>, vector<4096x32xf32>
    tpu.vector_store %arg3[%swap3A, %swap3A_10], %add3A_9 {strides = array<i32>} : memref<4096x32xf32, #tpu.memory_space<vmem>>, vector<4096x32xf32>,
    return
  }
}

</mosaic_0001>

<sc_bundles>
// kernel: kernel.5.cloned.1.call-start
scs
__scs_entry_jumppad:
0x0: {  	(pc) =	sbr.rel $0x88, $3  }
0x1: {  	(tag) =	ssettag $0x0;
	lr =	simm.s32 $0x1  }
0x2: {  	[smem:$0x3F9C] =	sst lr;
	_ =	strace $0xD0000000  }
0x3: {  	_ = 	snop  }
0x4: {  	_ = 	snop  }
0x5: {  	_ = 	snop  }
0x6: {  	_ = 	snop  }
0x7: {  	_ = 	snop  }
__scs_overlays_trampoline_lowered:
0x8: {  	[smem:$0x3FAB] =	sst s0  }
0x9: {  	[smem:$0x3FAC] =	sst s1  }
0xa: {  	[smem:$0x3FAD] =	sst s2  }
0xb: {  	[smem:$0x3FAE] =	sst s3  }
0xc: {  	[smem:$0x3FAF] =	sst s4  }
0xd: {  	[smem:$0x3FB0] =	sst s5  }
0xe: {  	[smem:$0x3FB1] =	sst s6  }
0xf: {  	[smem:$0x3FB2] =	sst s7  }
0x10: {  	[smem:$0x3FB3] =	sst s8  }
0x11: {  	[smem:$0x3FB4] =	sst s9;
	s0 =	simm.s32 @!p0 $0x0  }
0x12: {  	s1 =	sld [smem:$0x3F9A];
	s0 =	simm.s32 @p0 $0x1  }
0x13: {  	[smem:$0x3FB5] =	sst s0;
	s0 =	simm.s32 @!p1 $0x0  }
0x14: {  	s2 =	sld [smem:$0x3F99];
	s0 =	simm.s32 @p1 $0x1  }
0x15: {  	[smem:$0x3FB6] =	sst s0;
	s0 =	simm.s32 @!p2 $0x0  }
0x16: {  	s3 =	sld [smem:$0x3FDB];
	s0 =	simm.s32 @p2 $0x1  }
0x17: {  	s4 =	simm.s32 $0x1BF5;
	[smem:$0x3FB8] =	sst s0  }
0x18: {  	s0 =	sld [smem:$0x3F9B];
	_ =	swait.ge [sflag:s4], $0x0  }
0x19: {  	s7 =	sld [smem:$0x3F9C]  }
0x1a: {  	s8 =	sadd.s32 $0xFFFFE003, lr  }
0x1b: {  	s9 =	sadd.s32 $0xFFFFFEF7, lr;
	s5 =	simm.s32 $0xFFFFFFFF;
	p2 =	slt.u32 s8, $0xFFFFF086  }
0x1c: {  	p1 =	slt.u32 s9, $0xF7A;
	s5 =	simm.s32 @!p2 $0x0  }
0x1d: {  	s5 =	simm.s32 @p1 $0x1;
	p0 =	seq.s32 s7, s2  }
0x1e: {  	s7 =	smul.u32 @!p0 $0xF7A, s2;
	p2 =	seq.s32 @!p0 s5, $0x0  }
0x1f: {  	s9 =	smul.u32 $0xF7A, s1;
	s8 =	simm.s32 @!p0 $0x1BF5;
	p2 =	por !p2, p0  }
0x20: {  	[sflag:s8] =	ssyncset.s32 @!p0 $0xFFFFF086;
	s6 =	sadd.s32 @!p0 s3, s7;
	s7 =	simm.s32 @!p0 $0x108  }
0x21: {  	s3 =	sadd.s32 s3, s9;
	s6 =	sadd.s32 @!p0 $0x88, s6;
	s7 =	simm.s32 @p2 $0x1082  }
0x22: {  	[simem:s7], [sflag:s8] =	dma.local @!p0 [hbm:s6], $0xF7A  }
0x23: {  	s9 =	sor.u32 $0xD0000000, s2;
	s6 =	simm.s32 $0x108;
	_ =	swait.ge @!p0 [sflag:s8], $0x0  }
0x24: {  	s3 =	sadd.s32 $0x88, s3;
	s6 =	simm.s32 @!p1 $0x1082;
	[sflag:s4] =	ssyncset.s32 $0xFFFFF086  }
0x25: {  	[simem:s6], [sflag:s4] =	dma.local [hbm:s3], $0xF7A  }
0x26: {  	[smem:$0x3F9C] =	sst s1;
	(tag) =	ssettag s2;
	_ =	strace s9  }
0x27: {  	s1 =	sld [smem:$0x3FAC]  }
0x28: {  	s2 =	sld [smem:$0x3FAD]  }
0x29: {  	s4 =	sld [smem:$0x3FAF]  }
0x2a: {  	p0 =	seq.s32 s5, $0x0;
	s5 =	sld [smem:$0x3FB0]  }
0x2b: {  	s6 =	sld [smem:$0x3FB1]  }
0x2c: {  	s7 =	sld [smem:$0x3FB2]  }
0x2d: {  	s3 =	simm.s32 $0x108;
	s8 =	sld [smem:$0x3FB3]  }
0x2e: {  	s3 =	simm.s32 @!p0 $0x1082;
	s9 =	sld [smem:$0x3FB4]  }
0x2f: {  	lr =	sadd.s32 s0, s3;
	s0 =	sld [smem:$0x3FAB]  }
0x30: {  	s3 =	sld [smem:$0x3FAE]  }
0x31: {  	[smem:$0x3FB7] =	sst s10  }
0x32: {  	s10 =	sld [smem:$0x3FB5];
	_ =	sdelay $0x3  }
0x33: {  	p0 =	seq.s32 s10, $0x1;
	s10 =	sld [smem:$0x3FB7];
	_ =	sdelay $0x3  }
0x34: {  	[smem:$0x3FB7] =	sst s10  }
0x35: {  	s10 =	sld [smem:$0x3FB6];
	_ =	sdelay $0x3  }
0x36: {  	p1 =	seq.s32 s10, $0x1;
	s10 =	sld [smem:$0x3FB7];
	_ =	sdelay $0x3  }
0x37: {  	[smem:$0x3FB7] =	sst s10  }
0x38: {  	s10 =	sld [smem:$0x3FB8]  }
0x39: {  	_ = 	snop;
	(pc) =	sbr.ind lr, $3  }
0x3a: {  	_ = 	snop  }
0x3b: {  	_ = 	snop  }
0x3c: {  	p2 =	seq.s32 s10, $0x1;
	s10 =	sld [smem:$0x3FB7]  }
0x3d: {  	_ =	shalt  }
0x3e: {  	_ =	shalt  }
0x3f: {  	_ =	shalt  }
0x40: {  	_ =	shalt  }
0x41: {  	_ =	shalt  }
0x42: {  	_ =	shalt  }
0x43: {  	_ =	shalt  }
0x44: {  	_ =	shalt  }
0x45: {  	_ =	shalt  }
0x46: {  	_ =	shalt  }
0x47: {  	_ =	shalt  }
0x48: {  	_ =	shalt  }
0x49: {  	_ =	shalt  }
0x4a: {  	_ =	shalt  }
0x4b: {  	_ =	shalt  }
0x4c: {  	_ =	shalt  }
0x4d: {  	_ =	shalt  }
0x4e: {  	_ =	shalt  }
0x4f: {  	_ =	shalt  }
0x50: {  	_ =	shalt  }
0x51: {  	_ =	shalt  }
0x52: {  	_ =	shalt  }
0x53: {  	_ =	shalt  }
0x54: {  	_ =	shalt  }
0x55: {  	_ =	shalt  }
0x56: {  	_ =	shalt  }
0x57: {  	_ =	shalt  }
0x58: {  	_ =	shalt  }
0x59: {  	_ =	shalt  }
0x5a: {  	_ =	shalt  }
0x5b: {  	_ =	shalt  }
0x5c: {  	_ =	shalt  }
0x5d: {  	_ =	shalt  }
0x5e: {  	_ =	shalt  }
0x5f: {  	_ =	shalt  }
0x60: {  	_ =	shalt  }
0x61: {  	_ =	shalt  }
0x62: {  	_ =	shalt  }
0x63: {  	_ =	shalt  }
0x64: {  	_ =	shalt  }
0x65: {  	_ =	shalt  }
0x66: {  	_ =	shalt  }
0x67: {  	_ =	shalt  }
0x68: {  	_ =	shalt  }
0x69: {  	_ =	shalt  }
0x6a: {  	_ =	shalt  }
0x6b: {  	_ =	shalt  }
0x6c: {  	_ =	shalt  }
0x6d: {  	_ =	shalt  }
0x6e: {  	_ =	shalt  }
0x6f: {  	_ =	shalt  }
0x70: {  	_ =	shalt  }
0x71: {  	_ =	shalt  }
0x72: {  	_ =	shalt  }
0x73: {  	_ =	shalt  }
0x74: {  	_ =	shalt  }
0x75: {  	_ =	shalt  }
0x76: {  	_ =	shalt  }
0x77: {  	_ =	shalt  }
0x78: {  	_ =	shalt  }
0x79: {  	_ =	shalt  }
0x7a: {  	_ =	shalt  }
0x7b: {  	_ =	shalt  }
0x7c: {  	_ =	shalt  }
0x7d: {  	_ =	shalt  }
0x7e: {  	_ =	shalt  }
0x7f: {  	_ =	shalt  }
0x80: {  	_ =	shalt  }
0x81: {  	_ =	shalt  }
0x82: {  	_ =	shalt  }
0x83: {  	_ =	shalt  }
0x84: {  	_ =	shalt  }
0x85: {  	_ =	shalt  }
0x86: {  	_ =	shalt  }
0x87: {  	_ =	shalt  }
.Lfunc_end0:
.L_simem_size_0:
called_computation_lowered:
.L_overlay_start_0:
0x88: {  	s2 =	sld [smem:$0x3FD9]  }
0x89: {  	s3 =	sld [smem:$0x3FFE];
	_ =	sdelay $0x1  }
0x8a: {  	s1 =	srdreg.scid  }
0x8b: {  	s0 =	sand.u32 $0x1, s1  }
0x8c: {  	s17 =	sshll.u32 s0, $0xA;
	s2 =	sadd.s32 s3, s2  }
0x8d: {  	s2 =	sadd.s32 s2, s17  }
0x8e: {  	[smem:$0x3FC3] =	sst s2  }
0x8f: {  	_ = 	snop  }
0x90: {  	s2 =	sld [smem:$0x3FD0];
	(tm) =	ssettm $0x1  }
0x91: {  	s18 =	sld [smem:$0x3FFB];
	_ =	sdelay $0x3  }
0x92: {  	_ =	strace s18  }
0x93: {  	s3 =	sld [smem:$0x3FFC];
	_ =	sdelay $0x3  }
0x94: {  	_ =	strace s3  }
0x95: {  	s3 =	sld [smem:$0x3FFD];
	_ =	sdelay $0x3  }
0x96: {  	_ =	strace s3  }
0x97: {  	_ =	strace $0x8FFFFFFF  }
0x98: {  	s19 =	sld [smem:$0x3FDB];
	_ =	sdelay $0x1  }
0x99: {  	s4 =	simm.s32 $_scs_section_size  }
0x9a: {  	s5 =	simm.s32 $_size__tile_overlayer_lowered;
	s6 =	simm.s32 $_tile_overlayer_lowered  }
0x9b: {  	s22 =	simm.s32 $0x1BFF;
	s21 =	sshll.u32 s6, $0x1;
	s3 =	sadd.s32 s4, s19  }
0x9c: {  	s7 =	simm.s32 $0x0;
	s20 =	sshll.u32 s5, $0x1;
	s5 =	sadd.s32 s21, s3  }
0x9d: {  	[timem:s7], [sflag:s22] =	dma.local [hbm:s5], s20  }
0x9e: {  	_ =	swait.ge [sflag:s22], s20  }
0x9f: {  	s4 =	ssub.s32 $0x0, s20;
	[sflag:s22] =	ssyncset.done $0x0  }
0xa0: {  	[sflag:s22] =	ssyncadd.s32 s4;
	_ =	sdelay $0x1  }
0xa1: {  	s23 =	simm.s32 $0x1B8B  }
0xa2: {  	_ =	swait.ge [sflag:s23], $0x1  }
0xa3: {  	[sflag:s23] =	ssyncset.done $0x0  }
0xa4: {  	s25 =	simm.s32 $0x1B8E;
	s24 =	sld [smem:$0x3FFE];
	[sflag:s23] =	ssyncadd.s32 $0xFFFFFFFF  }
0xa5: {  	s26 =	simm.s32 $execute0_lowered;
	[smem:$0x3FD2] =	sst s25  }
0xa6: {  	s5 =	sshll.u32 s26, $0x1;
	_ =	strace $0x80000046;
	[dreg:$0x1] =	wrdreg $0xFFFFFFFF  }
0xa7: {  	s28 =	simm.s32 $_size_execute0_lowered;
	s3 =	sadd.s32 s3, s5;
	[dreg:$0x0] =	wrdreg $0x0  }
0xa8: {  	s5 =	sshll.u32 s28, $0x1;
	[dreg:$0x2] =	wrdreg s3  }
0xa9: {  	[dreg:$0x3] =	wrdreg s5  }
0xaa: {  	[dreg:$0x4] =	wrdreg $0xC0  }
0xab: {  	_ =	task [dreg:s7], $0x5FFFF  }
0xac: {  	[dreg:$0x1] =	wrdreg $0xFFFFFFFF  }
0xad: {  	[dreg:$0x0] =	wrdreg $0x60  }
0xae: {  	[dreg:$0x2] =	wrdreg s24  }
0xaf: {  	[dreg:$0x3] =	wrdreg s2  }
0xb0: {  	[dreg:$0x4] =	wrdreg $0x9  }
0xb1: {  	_ =	task.clear_ibuf [dreg:s7], $0x5FFFF;
	_ =	strace $0x90000046  }
0xb2: {  	s29 =	simm.s32 $0x9;
	_ =	strace $0x80000048  }
0xb3: {  	_ =	swait.ge [sflag:s29], $0x1  }
0xb4: {  	[sflag:s29] =	ssyncadd.s32 $0xFFFFFFFF  }
0xb5: {  	_ =	strace $0x90000048  }
0xb6: {  	_ =	sfence  }
0xb7: {  	s30 =	sld [smem:$0x0];
	_ =	sdelay $0x2  }
0xb8: {  	s31 =	sshll.u32 s1, $0xD;
	s1 =	sshrl.u32 s1, $0x2  }
0xb9: {  	s3 =	sand.u32 $0x4000, s31;
	s1 =	sadd.s32 s1, s30  }
0xba: {  	s0 =	sor.u32 s3, s0;
	s1 =	sshll.u32 s1, $0x11  }
0xbb: {  	s0 =	sor.u32 s1, s0  }
0xbc: {  	s0 =	sadd.s32 $0x8F2B, s0  }
0xbd: {  	[sflag:s0] =	ssyncadd.remote.s32 $0x1  }
0xbe: {  	_ =	sfence.sel $0xFFFF  }
0xbf: {  	[dreg:$0x0] =	wrdreg $0xFFFFFFFF;
	(pc) =	sbr.abs _section_cstart, $3  }
0xc0: {  	[dreg:$0x1] =	wrdreg $0xFFFFFFFF  }
0xc1: {  	_ =	task.clear_ibuf [dreg:s7], $0x2FFFF;
	_ =	strace $0x9FFFFFFF  }
0xc2: {  	(tm) =	ssettm $0x7FFFFFFF  }
0xc3: {  	_ =	shalt  }
tec
execute0_lowered:
.L_overlay_start_1:
0x0: {  	(tag) =	ssettag $0x1  }
0x1: {  	s2 =	stileid.u32;
	s1 =	rddreg [dreg:$0x0]  }
0x2: {  	s6 =	simm.s32 $0x0;
	s3 =	sshll.u32 s2, $0x1;
	s2 =	rddreg [dreg:$0x1]  }
0x3: {  	s8 =	simm.s32 $0x100;
	[smem:$0x7FF] =	sst s6  }
0x4: {  	s9 =	simm.s32 $0x180;
	_ =	strace $0x80000047;
	[dreg:$0x7] =	wrdreg s8  }
0x5: {  	s10 =	simm.s32 $0x200;
	[dreg:$0x8] =	wrdreg s9  }
0x6: {  	s11 =	simm.s32 $0x280;
	[dreg:$0x9] =	wrdreg s10  }
0x7: {  	s12 =	simm.s32 $0x300;
	[dreg:$0xa] =	wrdreg s11  }
0x8: {  	s13 =	simm.s32 $0x380;
	[dreg:$0xb] =	wrdreg s12  }
0x9: {  	s14 =	simm.s32 $0x400;
	[dreg:$0xc] =	wrdreg s13  }
0xa: {  	s15 =	simm.s32 $0x480;
	[dreg:$0xd] =	wrdreg s14  }
0xb: {  	s16 =	simm.s32 $0x500;
	[dreg:$0xe] =	wrdreg s15  }
0xc: {  	s17 =	simm.s32 $0x580;
	[dreg:$0xf] =	wrdreg s16  }
0xd: {  	s18 =	simm.s32 $0x600;
	[dreg:$0x10] =	wrdreg s17  }
0xe: {  	s19 =	simm.s32 $0x680;
	[dreg:$0x11] =	wrdreg s18  }
0xf: {  	s20 =	simm.s32 $0x700;
	[dreg:$0x12] =	wrdreg s19  }
0x10: {  	s21 =	simm.s32 $0x780;
	[dreg:$0x13] =	wrdreg s20  }
0x11: {  	s22 =	simm.s32 $0x800;
	[dreg:$0x14] =	wrdreg s21  }
0x12: {  	s23 =	simm.s32 $0x880;
	[dreg:$0x15] =	wrdreg s22  }
0x13: {  	s24 =	simm.s32 $0x900;
	[dreg:$0x16] =	wrdreg s23  }
0x14: {  	s25 =	simm.s32 $0x980;
	[dreg:$0x17] =	wrdreg s24  }
0x15: {  	s0 =	srdreg.scid;
	[dreg:$0x18] =	wrdreg s25;
	s8 =	simm.s32 $0xC00  }
0x16: {  	s29 =	simm.s32 $0x9D00;
	s9 =	simm.s32 $0xC80;
	[dreg:$0x1d] =	wrdreg s8  }
0x17: {  	s31 =	simm.s32 $0xAD00;
	s10 =	simm.s32 $0xD80;
	[dreg:$0x1e] =	wrdreg s9  }
0x18: {  	p0 =	por $0x0, $0x0;
	s11 =	simm.s32 $0xE00;
	[dreg:$0x1f] =	wrdreg s10  }
0x19: {  	s30 =	simm.s32 $0x15D00;
	s12 =	simm.s32 $0xE80;
	[smem:$0x7E6] =	sst s11  }
0x1a: {  	s28 =	simm.s32 $0x16D00;
	s13 =	simm.s32 $0xF00;
	[smem:$0x7E7] =	sst s12  }
0x1b: {  	s0 =	sand.u32 $0x1, s0;
	s14 =	simm.s32 $0xF80;
	[smem:$0x7E8] =	sst s13  }
0x1c: {  	s3 =	sor.u32 s0, s3;
	s16 =	simm.s32 $0x1000;
	[smem:$0x7E9] =	sst s14  }
0x1d: {  	s0 =	ssub.s32 $0x2, s0;
	s17 =	simm.s32 $0x1080;
	[smem:$0x7EA] =	sst s16  }
0x1e: {  	s18 =	simm.s32 $0x1100;
	s19 =	simm.s32 $0x1180;
	[smem:$0x7EB] =	sst s17  }
0x1f: {  	s20 =	simm.s32 $0x1200;
	s21 =	simm.s32 $0x1280;
	[smem:$0x7EC] =	sst s18  }
0x20: {  	s22 =	simm.s32 $0x1300;
	s23 =	simm.s32 $0x1380;
	[smem:$0x7ED] =	sst s19  }
0x21: {  	s24 =	simm.s32 $0x1400;
	s25 =	simm.s32 $0x1480;
	[smem:$0x7EE] =	sst s20  }
0x22: {  	s4 =	smul.u32 $0x1A0, s3;
	s5 =	sshll.u32 s3, $0x9;
	[smem:$0x7EF] =	sst s21  }
0x23: {  	s3 =	sshll.u32 s3, $0x7;
	s15 =	sshrl.u32 s0, $0x1;
	[smem:$0x7F0] =	sst s22  }
0x24: {  	s9 =	simm.s32 $0x3;
	s10 =	simm.s32 $0xD00;
	[smem:$0x7F1] =	sst s23  }
0x25: {  	s13 =	simm.s32 $0x1BD00;
	s14 =	simm.s32 $0x1C100;
	[smem:$0x7F2] =	sst s24  }
0x26: {  	s16 =	simm.s32 $0x2D00;
	s17 =	simm.s32 $0x3D00;
	[smem:$0x7F3] =	sst s25  }
0x27: {  	s18 =	simm.s32 $0x4D00;
	s19 =	simm.s32 $0x5D00;
	s8 =	simm.s32 $0x1680  }
0x28: {  	s22 =	simm.s32 $0x6D00;
	s11 =	simm.s32 $0x1700;
	[smem:$0x7F7] =	sst s8  }
0x29: {  	s24 =	simm.s32 $0x7D00;
	s12 =	simm.s32 $0x1780;
	[smem:$0x7F8] =	sst s11  }
0x2a: {  	s20 =	simm.s32 $0x1800;
	s21 =	simm.s32 $0x1880;
	[smem:$0x7F9] =	sst s12  }
0x2b: {  	s23 =	simm.s32 $0x1900;
	s25 =	simm.s32 $0x1980;
	[smem:$0x7FA] =	sst s20  }
0x2c: {  	s5 =	sadd.s32 s5, s1;
	s3 =	sadd.s32 s3, s1;
	[smem:$0x7FB] =	sst s21  }
0x2d: {  	s0 =	ssub.s32 s0, s15;
	s15 =	simm.s32 $0x1D00;
	[smem:$0x7FC] =	sst s23  }
0x2e: {  	[smem:$0x7FD] =	sst s25;
	s25 =	simm.s32 $0x17D00;
	s26 =	sadd.s32 $0x8600, s5  }
0x2f: {  	s23 =	simm.s32 $0x18D00;
	s3 =	sadd.s32 $0xC600, s3;
	[dreg:$0x4] =	wrdreg s26  }
0x30: {  	s20 =	simm.s32 $0x19D00;
	s7 =	sadd.s32 $0x1200, s5;
	[dreg:$0x5] =	wrdreg s3  }
0x31: {  	s4 =	sadd.s32 s4, s1;
	s5 =	simm.s32 $0xB00;
	[dreg:$0x6] =	wrdreg s7  }
0x32: {  	s21 =	simm.s32 $0x1AD00;
	s4 =	sadd.s32 $0x5200, s4;
	[dreg:$0x1b] =	wrdreg s5  }
0x33: {  	s8 =	simm.s32 $0x1;
	s26 =	simm.s32 $0xA00;
	[dreg:$0x3] =	wrdreg s4  }
0x34: {  	s0 =	smax.u32 s0, $0x1;
	s7 =	simm.s32 $0xB80;
	[dreg:$0x19] =	wrdreg s26  }
0x35: {  	s3 =	simm.s32 $0x1580;
	p1 =	sne.s32 s0, $0x1;
	[dreg:$0x1c] =	wrdreg s7  }
.Ltmp0:
0x36: {  	s5 =	simm.s32 $0x1600;
	[smem:$0x7F5] =	sst s3;
	(pc) =	sbr.rel @!p1 .LBB2_5-.Ltmp0, $4  }
0x37: {  	s4 =	simm.s32 $0xA80;
	s7 =	sadd.s32 $0xF43600, s1;
	[smem:$0x7F6] =	sst s5  }
0x38: {  	s26 =	simm.s32 $0x1500;
	s1 =	sadd.s32 $0xFFFFFFFF, s0;
	[dreg:$0x1a] =	wrdreg s4  }
0x39: {  	s0 =	simm.s32 $0x14D00;
	s3 =	simm.s32 $0x2;
	[smem:$0x7F4] =	sst s26  }
0x3a: {  	s4 =	simm.s32 $0x80;
	s26 =	simm.s32 $0x8D00;
	s11 =	rddreg [dreg:$0x3]  }
0x3b: {  	[tilespmem:s6], [sflag:$0x3] =	stream.linear.gather [hbm4b:s11+s6], $0xD00, $0x38;
	[tilespmem:$0x1D100] =	vst v63  }
0x3c: {  	_ =	swait.ge [sflag:s9], $0xD00  }
0x3d: {  	[sflag:s9] =	ssyncset.done $0x0  }
0x3e: {  	s5 =	rddreg [dreg:$0x4];
	[sflag:s9] =	ssyncadd.s32 $0xFFFFF300  }
0x3f: {  	[tilespmem:s10], [sflag:$0x3] =	stream.linear.gather [hbm4b:s5+s6], $0x1000, $0x38;
	[tilespmem:$0x1D100] =	vst v63  }
0x40: {  	_ =	swait.ge [sflag:s9], $0x1000  }
0x41: {  	[sflag:s9] =	ssyncset.done $0x0  }
0x42: {  	s12 =	rddreg [dreg:$0x5];
	[sflag:s9] =	ssyncadd.s32 $0xFFFFF000  }
0x43: {  	[tilespmem:s13], [sflag:$0x3] =	stream.linear.gather [hbm4b:s12+s6], $0x400, $0x38;
	[tilespmem:$0x1D100] =	vst v63  }
0x44: {  	_ =	swait.ge [sflag:s9], $0x400  }
0x45: {  	[sflag:s9] =	ssyncset.done $0x0  }
0x46: {  	s17 =	rddreg [dreg:$0x6];
	[sflag:s9] =	ssyncadd.s32 $0xFFFFFC00  }
0x47: {  	[tilespmem:s14], [sflag:$0x3] =	stream.linear.gather [hbm4b:s17+s6], $0x1000, $0x38;
	[tilespmem:$0x1D100] =	vst v63  }
0x48: {  	_ =	swait.ge [sflag:s9], $0x1000  }
0x49: {  	[sflag:s9] =	ssyncset.done $0x0  }
0x4a: {  	[sflag:s9] =	ssyncadd.s32 $0xFFFFF000  }
0x4b: {  	[tilespmem:s15], [sflag:$0x1] =	stream.indirect.gather [hbm4b:s7+s4], $0x20, s6, s4, $0xb8;
	[tilespmem:$0x1D100] =	vst v63  }
0x4c: {  	_ = 	snop  }
0x4d: {  	[tilespmem:s16], [sflag:$0x1] =	stream.indirect.gather [hbm4b:s7+s4], $0x20, s4, s4, $0xb8;
	[tilespmem:$0x1D100] =	vst v63  }
0x4e: {  	s18 =	rddreg [dreg:$0x7];
	s16 =	simm.s32 $0x3D00  }
0x4f: {  	[tilespmem:s16], [sflag:$0x1] =	stream.indirect.gather [hbm4b:s7+s4], $0x20, s18, s4, $0xb8;
	[tilespmem:$0x1D100] =	vst v63  }
0x50: {  	s17 =	simm.s32 $0x4D00;
	s21 =	rddreg [dreg:$0x8]  }
0x51: {  	[tilespmem:s17], [sflag:$0x1] =	stream.indirect.gather [hbm4b:s7+s4], $0x20, s21, s4, $0xb8;
	[tilespmem:$0x1D100] =	vst v63  }
0x52: {  	s20 =	simm.s32 $0x5D00;
	s22 =	rddreg [dreg:$0x9]  }
0x53: {  	[tilespmem:s20], [sflag:$0x1] =	stream.indirect.gather [hbm4b:s7+s4], $0x20, s22, s4, $0xb8;
	[tilespmem:$0x1D100] =	vst v63  }
0x54: {  	s26 =	simm.s32 $0x6D00;
	s23 =	rddreg [dreg:$0xa]  }
0x55: {  	[tilespmem:s26], [sflag:$0x1] =	stream.indirect.gather [hbm4b:s7+s4], $0x20, s23, s4, $0xb8;
	[tilespmem:$0x1D100] =	vst v63  }
0x56: {  	s28 =	simm.s32 $0x7D00;
	s25 =	rddreg [dreg:$0xb]  }
0x57: {  	[tilespmem:s28], [sflag:$0x1] =	stream.indirect.gather [hbm4b:s7+s4], $0x20, s25, s4, $0xb8;
	[tilespmem:$0x1D100] =	vst v63  }
0x58: {  	s29 =	simm.s32 $0x8D00;
	s18 =	rddreg [dreg:$0xc]  }
0x59: {  	[tilespmem:s29], [sflag:$0x1] =	stream.indirect.gather [hbm4b:s7+s4], $0x20, s18, s4, $0xb8;
	[tilespmem:$0x1D100] =	vst v63  }
0x5a: {  	s30 =	simm.s32 $0x9D00;
	s21 =	rddreg [dreg:$0xd]  }
0x5b: {  	[tilespmem:s30], [sflag:$0x1] =	stream.indirect.gather [hbm4b:s7+s4], $0x20, s21, s4, $0xb8;
	[tilespmem:$0x1D100] =	vst v63  }
0x5c: {  	s31 =	simm.s32 $0xAD00;
	s22 =	rddreg [dreg:$0xe]  }
0x5d: {  	[tilespmem:s31], [sflag:$0x1] =	stream.indirect.gather [hbm4b:s7+s4], $0x20, s22, s4, $0xb8;
	[tilespmem:$0x1D100] =	vst v63  }
0x5e: {  	s23 =	rddreg [dreg:$0xf];
	s18 =	simm.s32 $0xBD00  }
0x5f: {  	[tilespmem:s18], [sflag:$0x1] =	stream.indirect.gather [hbm4b:s7+s4], $0x20, s23, s4, $0xb8;
	[tilespmem:$0x1D100] =	vst v63  }
0x60: {  	s25 =	rddreg [dreg:$0x10];
	s21 =	simm.s32 $0xCD00  }
0x61: {  	[tilespmem:s21], [sflag:$0x1] =	stream.indirect.gather [hbm4b:s7+s4], $0x20, s25, s4, $0xb8;
	[tilespmem:$0x1D100] =	vst v63  }
0x62: {  	s22 =	rddreg [dreg:$0x11];
	s23 =	simm.s32 $0xDD00  }
0x63: {  	[tilespmem:s23], [sflag:$0x1] =	stream.indirect.gather [hbm4b:s7+s4], $0x20, s22, s4, $0xb8;
	[tilespmem:$0x1D100] =	vst v63  }
0x64: {  	s25 =	rddreg [dreg:$0x12];
	s22 =	simm.s32 $0xED00  }
0x65: {  	[tilespmem:s22], [sflag:$0x1] =	stream.indirect.gather [hbm4b:s7+s4], $0x20, s25, s4, $0xb8;
	[tilespmem:$0x1D100] =	vst v63  }
0x66: {  	s19 =	simm.s32 $0xFD00;
	s11 =	rddreg [dreg:$0x13]  }
0x67: {  	[tilespmem:s19], [sflag:$0x1] =	stream.indirect.gather [hbm4b:s7+s4], $0x20, s11, s4, $0xb8;
	[tilespmem:$0x1D100] =	vst v63  }
0x68: {  	s25 =	rddreg [dreg:$0x14];
	s19 =	simm.s32 $0x10D00  }
0x69: {  	[tilespmem:s19], [sflag:$0x1] =	stream.indirect.gather [hbm4b:s7+s4], $0x20, s25, s4, $0xb8;
	[tilespmem:$0x1D100] =	vst v63  }
0x6a: {  	s11 =	rddreg [dreg:$0x15];
	s25 =	simm.s32 $0x11D00  }
0x6b: {  	[tilespmem:s25], [sflag:$0x1] =	stream.indirect.gather [hbm4b:s7+s4], $0x20, s11, s4, $0xb8;
	[tilespmem:$0x1D100] =	vst v63  }
0x6c: {  	s24 =	simm.s32 $0x12D00;
	s10 =	rddreg [dreg:$0x16]  }
0x6d: {  	[tilespmem:s24], [sflag:$0x1] =	stream.indirect.gather [hbm4b:s7+s4], $0x20, s10, s4, $0xb8;
	[tilespmem:$0x1D100] =	vst v63  }
0x6e: {  	s11 =	rddreg [dreg:$0x17];
	s24 =	simm.s32 $0x13D00  }
0x6f: {  	[tilespmem:s24], [sflag:$0x1] =	stream.indirect.gather [hbm4b:s7+s4], $0x20, s11, s4, $0xb8;
	[tilespmem:$0x1D100] =	vst v63  }
0x70: {  	s0 =	simm.s32 $0x14D00;
	s10 =	rddreg [dreg:$0x18]  }
0x71: {  	[tilespmem:s0], [sflag:$0x1] =	stream.indirect.gather [hbm4b:s7+s4], $0x20, s10, s4, $0xb8;
	[tilespmem:$0x1D100] =	vst v63  }
0x72: {  	s5 =	simm.s32 $0x15D00;
	s11 =	rddreg [dreg:$0x19]  }
0x73: {  	[tilespmem:s5], [sflag:$0x1] =	stream.indirect.gather [hbm4b:s7+s4], $0x20, s11, s4, $0xb8;
	[tilespmem:$0x1D100] =	vst v63  }
0x74: {  	s15 =	smov.u32 s1;
	s1 =	simm.s32 $0x16D00;
	s0 =	rddreg [dreg:$0x1a]  }
0x75: {  	[tilespmem:s1], [sflag:$0x1] =	stream.indirect.gather [hbm4b:s7+s4], $0x20, s0, s4, $0xb8;
	[tilespmem:$0x1D100] =	vst v63  }
0x76: {  	s6 =	simm.s32 $0x17D00;
	s5 =	rddreg [dreg:$0x1b]  }
0x77: {  	[tilespmem:s6], [sflag:$0x1] =	stream.indirect.gather [hbm4b:s7+s4], $0x20, s5, s4, $0xb8;
	[tilespmem:$0x1D100] =	vst v63  }
0x78: {  	s12 =	simm.s32 $0x18D00;
	s0 =	rddreg [dreg:$0x1c]  }
0x79: {  	[tilespmem:s12], [sflag:$0x1] =	stream.indirect.gather [hbm4b:s7+s4], $0x20, s0, s4, $0xb8;
	[tilespmem:$0x1D100] =	vst v63  }
0x7a: {  	s13 =	simm.s32 $0x19D00;
	s1 =	rddreg [dreg:$0x1d]  }
0x7b: {  	[tilespmem:s13], [sflag:$0x1] =	stream.indirect.gather [hbm4b:s7+s4], $0x20, s1, s4, $0xb8;
	[tilespmem:$0x1D100] =	vst v63  }
0x7c: {  	s14 =	simm.s32 $0x1AD00;
	s12 =	rddreg [dreg:$0x1e]  }
0x7d: {  	[tilespmem:s14], [sflag:$0x1] =	stream.indirect.gather [hbm4b:s7+s4], $0x20, s12, s4, $0xb8;
	[tilespmem:$0x1D100] =	vst v63  }
0x7e: {  	_ =	swait.ge [sflag:s8], $0x1000  }
0x7f: {  	[sflag:s8] =	ssyncset.done $0x0  }
0x80: {  	[sflag:s8] =	ssyncadd.s32 $0xFFFFF000  }
0x81: {  	_ =	swait.ge [sflag:s8], $0x1000  }
0x82: {  	[sflag:s8] =	ssyncset.done $0x0  }
0x83: {  	[sflag:s8] =	ssyncadd.s32 $0xFFFFF000  }
0x84: {  	_ =	swait.ge [sflag:s8], $0x1000  }
0x85: {  	[sflag:s8] =	ssyncset.done $0x0  }
0x86: {  	[sflag:s8] =	ssyncadd.s32 $0xFFFFF000  }
0x87: {  	_ =	swait.ge [sflag:s8], $0x1000  }
0x88: {  	[sflag:s8] =	ssyncset.done $0x0  }
0x89: {  	[sflag:s8] =	ssyncadd.s32 $0xFFFFF000  }
0x8a: {  	_ =	swait.ge [sflag:s8], $0x1000  }
0x8b: {  	[sflag:s8] =	ssyncset.done $0x0  }
0x8c: {  	[sflag:s8] =	ssyncadd.s32 $0xFFFFF000  }
0x8d: {  	_ =	swait.ge [sflag:s8], $0x1000  }
0x8e: {  	[sflag:s8] =	ssyncset.done $0x0  }
0x8f: {  	[sflag:s8] =	ssyncadd.s32 $0xFFFFF000  }
0x90: {  	_ =	swait.ge [sflag:s8], $0x1000  }
0x91: {  	[sflag:s8] =	ssyncset.done $0x0  }
0x92: {  	[sflag:s8] =	ssyncadd.s32 $0xFFFFF000  }
0x93: {  	_ =	swait.ge [sflag:s8], $0x1000  }
0x94: {  	[sflag:s8] =	ssyncset.done $0x0  }
0x95: {  	[sflag:s8] =	ssyncadd.s32 $0xFFFFF000  }
0x96: {  	_ =	swait.ge [sflag:s8], $0x1000  }
0x97: {  	[sflag:s8] =	ssyncset.done $0x0  }
0x98: {  	[sflag:s8] =	ssyncadd.s32 $0xFFFFF000  }
0x99: {  	_ =	swait.ge [sflag:s8], $0x1000  }
0x9a: {  	[sflag:s8] =	ssyncset.done $0x0  }
0x9b: {  	[sflag:s8] =	ssyncadd.s32 $0xFFFFF000  }
0x9c: {  	_ =	swait.ge [sflag:s8], $0x1000  }
0x9d: {  	[sflag:s8] =	ssyncset.done $0x0  }
0x9e: {  	[sflag:s8] =	ssyncadd.s32 $0xFFFFF000  }
0x9f: {  	_ =	swait.ge [sflag:s8], $0x1000  }
0xa0: {  	[sflag:s8] =	ssyncset.done $0x0  }
0xa1: {  	[sflag:s8] =	ssyncadd.s32 $0xFFFFF000  }
0xa2: {  	_ =	swait.ge [sflag:s8], $0x1000  }
0xa3: {  	[sflag:s8] =	ssyncset.done $0x0  }
0xa4: {  	[sflag:s8] =	ssyncadd.s32 $0xFFFFF000  }
0xa5: {  	_ =	swait.ge [sflag:s8], $0x1000  }
0xa6: {  	[sflag:s8] =	ssyncset.done $0x0  }
0xa7: {  	[sflag:s8] =	ssyncadd.s32 $0xFFFFF000  }
0xa8: {  	_ =	swait.ge [sflag:s8], $0x1000  }
0xa9: {  	[sflag:s8] =	ssyncset.done $0x0  }
0xaa: {  	[sflag:s8] =	ssyncadd.s32 $0xFFFFF000  }
0xab: {  	_ =	swait.ge [sflag:s8], $0x1000  }
0xac: {  	[sflag:s8] =	ssyncset.done $0x0  }
0xad: {  	[sflag:s8] =	ssyncadd.s32 $0xFFFFF000  }
0xae: {  	_ =	swait.ge [sflag:s8], $0x1000  }
0xaf: {  	[sflag:s8] =	ssyncset.done $0x0  }
0xb0: {  	[sflag:s8] =	ssyncadd.s32 $0xFFFFF000  }
0xb1: {  	_ =	swait.ge [sflag:s8], $0x1000  }
0xb2: {  	[sflag:s8] =	ssyncset.done $0x0  }
0xb3: {  	[sflag:s8] =	ssyncadd.s32 $0xFFFFF000  }
0xb4: {  	_ =	swait.ge [sflag:s8], $0x1000  }
0xb5: {  	[sflag:s8] =	ssyncset.done $0x0  }
0xb6: {  	[sflag:s8] =	ssyncadd.s32 $0xFFFFF000  }
0xb7: {  	_ =	swait.ge [sflag:s8], $0x1000  }
0xb8: {  	[sflag:s8] =	ssyncset.done $0x0  }
0xb9: {  	[sflag:s8] =	ssyncadd.s32 $0xFFFFF000  }
0xba: {  	_ =	swait.ge [sflag:s8], $0x1000  }
0xbb: {  	[sflag:s8] =	ssyncset.done $0x0  }
0xbc: {  	[sflag:s8] =	ssyncadd.s32 $0xFFFFF000  }
0xbd: {  	_ =	swait.ge [sflag:s8], $0x1000  }
0xbe: {  	[sflag:s8] =	ssyncset.done $0x0  }
0xbf: {  	[sflag:s8] =	ssyncadd.s32 $0xFFFFF000  }
0xc0: {  	_ =	swait.ge [sflag:s8], $0x1000  }
0xc1: {  	[sflag:s8] =	ssyncset.done $0x0  }
0xc2: {  	[sflag:s8] =	ssyncadd.s32 $0xFFFFF000  }
0xc3: {  	_ =	swait.ge [sflag:s8], $0x1000  }
0xc4: {  	[sflag:s8] =	ssyncset.done $0x0  }
0xc5: {  	[sflag:s8] =	ssyncadd.s32 $0xFFFFF000  }
0xc6: {  	_ =	swait.ge [sflag:s8], $0x1000  }
0xc7: {  	[sflag:s8] =	ssyncset.done $0x0  }
0xc8: {  	[sflag:s8] =	ssyncadd.s32 $0xFFFFF000  }
0xc9: {  	_ =	swait.ge [sflag:s8], $0x1000  }
0xca: {  	[sflag:s8] =	ssyncset.done $0x0  }
0xcb: {  	s13 =	simm.s32 $0x1C100;
	s14 =	simm.s32 $0x1BD00;
	[sflag:s8] =	ssyncadd.s32 $0xFFFFF000  }
0xcc: {  	[hbm4b:s2+s4] =	stream.indirect.scatter [tilespmem:s13], [sflag:$0x2], $0x20, s14, s4, $0xb8;
	[tilespmem:$0x1D100] =	vst v63  }
0xcd: {  	s12 =	simm.s32 $0x1D00;
	s10 =	rddreg [dreg:$0x1f];
	s13 =	simm.s32 $0xD00  }
0xce: {  	[hbm4b:s2+s4] =	stream.indirect.scatter [tilespmem:s12], [sflag:$0x2], $0x20, s13, s4, $0xb8;
	[tilespmem:$0x1D100] =	vst v63  }
0xcf: {  	s11 =	sld [smem:$0x7E6];
	s14 =	simm.s32 $0x2D00  }
0xd0: {  	[hbm4b:s2+s4] =	stream.indirect.scatter [tilespmem:s14], [sflag:$0x2], $0x20, s10, s4, $0xb8;
	[tilespmem:$0x1D100] =	vst v63  }
0xd1: {  	s13 =	sld [smem:$0x7E7]  }
0xd2: {  	[hbm4b:s2+s4] =	stream.indirect.scatter [tilespmem:s16], [sflag:$0x2], $0x20, s11, s4, $0xb8;
	[tilespmem:$0x1D100] =	vst v63  }
0xd3: {  	s14 =	sld [smem:$0x7E8]  }
0xd4: {  	[hbm4b:s2+s4] =	stream.indirect.scatter [tilespmem:s17], [sflag:$0x2], $0x20, s13, s4, $0xb8;
	[tilespmem:$0x1D100] =	vst v63  }
0xd5: {  	s16 =	sld [smem:$0x7E9]  }
0xd6: {  	[hbm4b:s2+s4] =	stream.indirect.scatter [tilespmem:s20], [sflag:$0x2], $0x20, s14, s4, $0xb8;
	[tilespmem:$0x1D100] =	vst v63  }
0xd7: {  	s17 =	sld [smem:$0x7EA]  }
0xd8: {  	[hbm4b:s2+s4] =	stream.indirect.scatter [tilespmem:s26], [sflag:$0x2], $0x20, s16, s4, $0xb8;
	[tilespmem:$0x1D100] =	vst v63  }
0xd9: {  	s20 =	sld [smem:$0x7EB]  }
0xda: {  	[hbm4b:s2+s4] =	stream.indirect.scatter [tilespmem:s28], [sflag:$0x2], $0x20, s17, s4, $0xb8;
	[tilespmem:$0x1D100] =	vst v63  }
0xdb: {  	s26 =	sld [smem:$0x7EC]  }
0xdc: {  	[hbm4b:s2+s4] =	stream.indirect.scatter [tilespmem:s29], [sflag:$0x2], $0x20, s20, s4, $0xb8;
	[tilespmem:$0x1D100] =	vst v63  }
0xdd: {  	s28 =	sld [smem:$0x7ED]  }
0xde: {  	[hbm4b:s2+s4] =	stream.indirect.scatter [tilespmem:s30], [sflag:$0x2], $0x20, s26, s4, $0xb8;
	[tilespmem:$0x1D100] =	vst v63  }
0xdf: {  	s29 =	sld [smem:$0x7EE]  }
0xe0: {  	[hbm4b:s2+s4] =	stream.indirect.scatter [tilespmem:s31], [sflag:$0x2], $0x20, s28, s4, $0xb8;
	[tilespmem:$0x1D100] =	vst v63  }
0xe1: {  	s30 =	sld [smem:$0x7EF]  }
0xe2: {  	[hbm4b:s2+s4] =	stream.indirect.scatter [tilespmem:s18], [sflag:$0x2], $0x20, s29, s4, $0xb8;
	[tilespmem:$0x1D100] =	vst v63  }
0xe3: {  	s31 =	sld [smem:$0x7F0]  }
0xe4: {  	[hbm4b:s2+s4] =	stream.indirect.scatter [tilespmem:s21], [sflag:$0x2], $0x20, s30, s4, $0xb8;
	[tilespmem:$0x1D100] =	vst v63  }
0xe5: {  	s12 =	sld [smem:$0x7F1]  }
0xe6: {  	[hbm4b:s2+s4] =	stream.indirect.scatter [tilespmem:s23], [sflag:$0x2], $0x20, s31, s4, $0xb8;
	[tilespmem:$0x1D100] =	vst v63  }
0xe7: {  	s13 =	sld [smem:$0x7F2]  }
0xe8: {  	[hbm4b:s2+s4] =	stream.indirect.scatter [tilespmem:s22], [sflag:$0x2], $0x20, s12, s4, $0xb8;
	[tilespmem:$0x1D100] =	vst v63  }
0xe9: {  	s14 =	sld [smem:$0x7F3];
	s16 =	simm.s32 $0xFD00  }
0xea: {  	[hbm4b:s2+s4] =	stream.indirect.scatter [tilespmem:s16], [sflag:$0x2], $0x20, s13, s4, $0xb8;
	[tilespmem:$0x1D100] =	vst v63  }
0xeb: {  	s17 =	sld [smem:$0x7F4]  }
0xec: {  	[hbm4b:s2+s4] =	stream.indirect.scatter [tilespmem:s19], [sflag:$0x2], $0x20, s14, s4, $0xb8;
	[tilespmem:$0x1D100] =	vst v63  }
0xed: {  	s18 =	sld [smem:$0x7F5]  }
0xee: {  	[hbm4b:s2+s4] =	stream.indirect.scatter [tilespmem:s25], [sflag:$0x2], $0x20, s17, s4, $0xb8;
	[tilespmem:$0x1D100] =	vst v63  }
0xef: {  	s20 =	simm.s32 $0x12D00;
	s19 =	sld [smem:$0x7F6]  }
0xf0: {  	[hbm4b:s2+s4] =	stream.indirect.scatter [tilespmem:s20], [sflag:$0x2], $0x20, s18, s4, $0xb8;
	[tilespmem:$0x1D100] =	vst v63  }
0xf1: {  	s21 =	sld [smem:$0x7F7]  }
0xf2: {  	[hbm4b:s2+s4] =	stream.indirect.scatter [tilespmem:s24], [sflag:$0x2], $0x20, s19, s4, $0xb8;
	[tilespmem:$0x1D100] =	vst v63  }
0xf3: {  	s23 =	simm.s32 $0x14D00;
	s22 =	sld [smem:$0x7F8]  }
0xf4: {  	[hbm4b:s2+s4] =	stream.indirect.scatter [tilespmem:s23], [sflag:$0x2], $0x20, s21, s4, $0xb8;
	[tilespmem:$0x1D100] =	vst v63  }
0xf5: {  	s25 =	simm.s32 $0x15D00;
	s24 =	sld [smem:$0x7F9]  }
0xf6: {  	[hbm4b:s2+s4] =	stream.indirect.scatter [tilespmem:s25], [sflag:$0x2], $0x20, s22, s4, $0xb8;
	[tilespmem:$0x1D100] =	vst v63  }
0xf7: {  	s26 =	sld [smem:$0x7FA];
	s28 =	simm.s32 $0x16D00  }
0xf8: {  	[hbm4b:s2+s4] =	stream.indirect.scatter [tilespmem:s28], [sflag:$0x2], $0x20, s24, s4, $0xb8;
	[tilespmem:$0x1D100] =	vst v63  }
0xf9: {  	s6 =	simm.s32 $0x17D00;
	s29 =	sld [smem:$0x7FB]  }
0xfa: {  	[hbm4b:s2+s4] =	stream.indirect.scatter [tilespmem:s6], [sflag:$0x2], $0x20, s26, s4, $0xb8;
	[tilespmem:$0x1D100] =	vst v63  }
0xfb: {  	s5 =	simm.s32 $0x18D00;
	s30 =	sld [smem:$0x7FC]  }
0xfc: {  	[hbm4b:s2+s4] =	stream.indirect.scatter [tilespmem:s5], [sflag:$0x2], $0x20, s29, s4, $0xb8;
	[tilespmem:$0x1D100] =	vst v63  }
0xfd: {  	s1 =	simm.s32 $0x19D00;
	s31 =	sld [smem:$0x7FD]  }
0xfe: {  	[hbm4b:s2+s4] =	stream.indirect.scatter [tilespmem:s1], [sflag:$0x2], $0x20, s30, s4, $0xb8;
	[tilespmem:$0x1D100] =	vst v63  }
0xff: {  	s0 =	simm.s32 $0x1AD00  }
0x100: {  	[hbm4b:s2+s4] =	stream.indirect.scatter [tilespmem:s0], [sflag:$0x2], $0x20, s31, s4, $0xb8;
	[tilespmem:$0x1D100] =	vst v63  }
0x101: {  	_ =	swait.ge [sflag:s3], $0x1000  }
0x102: {  	[sflag:s3] =	ssyncset.done $0x0  }
0x103: {  	[sflag:s3] =	ssyncadd.s32 $0xFFFFF000  }
0x104: {  	_ =	swait.ge [sflag:s3], $0x1000  }
0x105: {  	[sflag:s3] =	ssyncset.done $0x0  }
0x106: {  	[sflag:s3] =	ssyncadd.s32 $0xFFFFF000  }
0x107: {  	_ =	swait.ge [sflag:s3], $0x1000  }
0x108: {  	[sflag:s3] =	ssyncset.done $0x0  }
0x109: {  	[sflag:s3] =	ssyncadd.s32 $0xFFFFF000  }
0x10a: {  	_ =	swait.ge [sflag:s3], $0x1000  }
0x10b: {  	[sflag:s3] =	ssyncset.done $0x0  }
0x10c: {  	[sflag:s3] =	ssyncadd.s32 $0xFFFFF000  }
0x10d: {  	_ =	swait.ge [sflag:s3], $0x1000  }
0x10e: {  	[sflag:s3] =	ssyncset.done $0x0  }
0x10f: {  	[sflag:s3] =	ssyncadd.s32 $0xFFFFF000  }
0x110: {  	_ =	swait.ge [sflag:s3], $0x1000  }
0x111: {  	[sflag:s3] =	ssyncset.done $0x0  }
0x112: {  	[sflag:s3] =	ssyncadd.s32 $0xFFFFF000  }
0x113: {  	_ =	swait.ge [sflag:s3], $0x1000  }
0x114: {  	[sflag:s3] =	ssyncset.done $0x0  }
0x115: {  	[sflag:s3] =	ssyncadd.s32 $0xFFFFF000  }
0x116: {  	_ =	swait.ge [sflag:s3], $0x1000  }
0x117: {  	[sflag:s3] =	ssyncset.done $0x0  }
0x118: {  	[sflag:s3] =	ssyncadd.s32 $0xFFFFF000  }
0x119: {  	_ =	swait.ge [sflag:s3], $0x1000  }
0x11a: {  	[sflag:s3] =	ssyncset.done $0x0  }
0x11b: {  	[sflag:s3] =	ssyncadd.s32 $0xFFFFF000  }
0x11c: {  	_ =	swait.ge [sflag:s3], $0x1000  }
0x11d: {  	[sflag:s3] =	ssyncset.done $0x0  }
0x11e: {  	[sflag:s3] =	ssyncadd.s32 $0xFFFFF000  }
0x11f: {  	_ =	swait.ge [sflag:s3], $0x1000  }
0x120: {  	[sflag:s3] =	ssyncset.done $0x0  }
0x121: {  	[sflag:s3] =	ssyncadd.s32 $0xFFFFF000  }
0x122: {  	_ =	swait.ge [sflag:s3], $0x1000  }
0x123: {  	[sflag:s3] =	ssyncset.done $0x0  }
0x124: {  	[sflag:s3] =	ssyncadd.s32 $0xFFFFF000  }
0x125: {  	_ =	swait.ge [sflag:s3], $0x1000  }
0x126: {  	[sflag:s3] =	ssyncset.done $0x0  }
0x127: {  	[sflag:s3] =	ssyncadd.s32 $0xFFFFF000  }
0x128: {  	_ =	swait.ge [sflag:s3], $0x1000  }
0x129: {  	[sflag:s3] =	ssyncset.done $0x0  }
0x12a: {  	[sflag:s3] =	ssyncadd.s32 $0xFFFFF000  }
0x12b: {  	_ =	swait.ge [sflag:s3], $0x1000  }
0x12c: {  	[sflag:s3] =	ssyncset.done $0x0  }
0x12d: {  	[sflag:s3] =	ssyncadd.s32 $0xFFFFF000  }
0x12e: {  	_ =	swait.ge [sflag:s3], $0x1000  }
0x12f: {  	[sflag:s3] =	ssyncset.done $0x0  }
0x130: {  	[sflag:s3] =	ssyncadd.s32 $0xFFFFF000  }
0x131: {  	_ =	swait.ge [sflag:s3], $0x1000  }
0x132: {  	[sflag:s3] =	ssyncset.done $0x0  }
0x133: {  	[sflag:s3] =	ssyncadd.s32 $0xFFFFF000  }
0x134: {  	_ =	swait.ge [sflag:s3], $0x1000  }
0x135: {  	[sflag:s3] =	ssyncset.done $0x0  }
0x136: {  	[sflag:s3] =	ssyncadd.s32 $0xFFFFF000  }
0x137: {  	_ =	swait.ge [sflag:s3], $0x1000  }
0x138: {  	[sflag:s3] =	ssyncset.done $0x0  }
0x139: {  	[sflag:s3] =	ssyncadd.s32 $0xFFFFF000  }
0x13a: {  	_ =	swait.ge [sflag:s3], $0x1000  }
0x13b: {  	[sflag:s3] =	ssyncset.done $0x0  }
0x13c: {  	[sflag:s3] =	ssyncadd.s32 $0xFFFFF000  }
0x13d: {  	_ =	swait.ge [sflag:s3], $0x1000  }
0x13e: {  	[sflag:s3] =	ssyncset.done $0x0  }
0x13f: {  	[sflag:s3] =	ssyncadd.s32 $0xFFFFF000  }
0x140: {  	_ =	swait.ge [sflag:s3], $0x1000  }
0x141: {  	[sflag:s3] =	ssyncset.done $0x0  }
0x142: {  	[sflag:s3] =	ssyncadd.s32 $0xFFFFF000  }
0x143: {  	_ =	swait.ge [sflag:s3], $0x1000  }
0x144: {  	[sflag:s3] =	ssyncset.done $0x0  }
0x145: {  	[sflag:s3] =	ssyncadd.s32 $0xFFFFF000  }
0x146: {  	_ =	swait.ge [sflag:s3], $0x1000  }
0x147: {  	[sflag:s3] =	ssyncset.done $0x0  }
0x148: {  	[sflag:s3] =	ssyncadd.s32 $0xFFFFF000  }
0x149: {  	_ =	swait.ge [sflag:s3], $0x1000  }
0x14a: {  	[sflag:s3] =	ssyncset.done $0x0  }
0x14b: {  	p1 =	sne.s32 s15, $0x1;
	[sflag:s3] =	ssyncadd.s32 $0xFFFFF000  }
.Ltmp1:
0x14c: {  	_ =	swait.ge [sflag:s3], $0x1000;
	(pc) =	sbr.rel @!p1 .LBB2_6-.Ltmp1, $4  }
0x14d: {  	[sflag:s3] =	ssyncset.done $0x0  }
0x14e: {  	[sflag:s3] =	ssyncadd.s32 $0xFFFFF000  }
0x14f: {  	p0 =	por $0x1, $0x1;
	_ =	swait.ge [sflag:s3], $0x1000  }
0x150: {  	s10 =	sadd.s32 $0xFFFFFFFF, s15;
	s11 =	rddreg [dreg:$0x3];
	[sflag:s3] =	ssyncset.done $0x0  }
0x151: {  	s6 =	simm.s32 $0x3D00;
	s14 =	simm.s32 $0x4D00  }
0x152: {  	s22 =	simm.s32 $0x5D00;
	s26 =	simm.s32 $0x6D00;
	s29 =	simm.s32 $0x7D00  }
0x153: {  	s31 =	simm.s32 $0x8D00;
	s5 =	simm.s32 $0xAD00;
	s16 =	simm.s32 $0xBD00  }
0x154: {  	s13 =	simm.s32 $0xCD00;
	s17 =	simm.s32 $0xDD00;
	s15 =	simm.s32 $0xED00  }
0x155: {  	s19 =	simm.s32 $0x10D00;
	s20 =	simm.s32 $0x11D00;
	s18 =	simm.s32 $0x13D00  }
0x156: {  	s30 =	simm.s32 $0x15D00;
	s28 =	simm.s32 $0x16D00;
	s25 =	simm.s32 $0x17D00  }
0x157: {  	s23 =	simm.s32 $0x18D00;
	s24 =	simm.s32 $0x19D00;
	s21 =	simm.s32 $0x1AD00  }
.LBB2_3:
0x158: {  	[sflag:s3] =	ssyncadd.s32 $0xFFFFF000;
	s0 =	simm.s32 $0x0  }
0x159: {  	[tilespmem:s0], [sflag:$0x3] =	stream.linear.gather [hbm4b:s11+s0], $0xD00, $0x38;
	[tilespmem:$0x1D100] =	vst v63  }
0x15a: {  	_ =	swait.ge [sflag:s9], $0xD00  }
0x15b: {  	[sflag:s9] =	ssyncset.done $0x0  }
0x15c: {  	s1 =	simm.s32 $0xD00;
	s12 =	rddreg [dreg:$0x4];
	[sflag:s9] =	ssyncadd.s32 $0xFFFFF300  }
0x15d: {  	[tilespmem:s1], [sflag:$0x3] =	stream.linear.gather [hbm4b:s12+s0], $0x1000, $0x38;
	[tilespmem:$0x1D100] =	vst v63  }
0x15e: {  	_ =	swait.ge [sflag:s9], $0x1000  }
0x15f: {  	[sflag:s9] =	ssyncset.done $0x0  }
0x160: {  	s12 =	simm.s32 $0x1BD00;
	s1 =	rddreg [dreg:$0x5];
	[sflag:s9] =	ssyncadd.s32 $0xFFFFF000  }
0x161: {  	[tilespmem:s12], [sflag:$0x3] =	stream.linear.gather [hbm4b:s1+s0], $0x400, $0x38;
	[tilespmem:$0x1D100] =	vst v63  }
0x162: {  	_ =	swait.ge [sflag:s9], $0x400  }
0x163: {  	[sflag:s9] =	ssyncset.done $0x0  }
0x164: {  	s12 =	simm.s32 $0x1C100;
	s1 =	rddreg [dreg:$0x6];
	[sflag:s9] =	ssyncadd.s32 $0xFFFFFC00  }
0x165: {  	[tilespmem:s12], [sflag:$0x3] =	stream.linear.gather [hbm4b:s1+s0], $0x1000, $0x38;
	[tilespmem:$0x1D100] =	vst v63  }
0x166: {  	_ =	swait.ge [sflag:s9], $0x1000  }
0x167: {  	[sflag:s9] =	ssyncset.done $0x0  }
0x168: {  	s12 =	simm.s32 $0x1D00;
	[sflag:s9] =	ssyncadd.s32 $0xFFFFF000  }
0x169: {  	[tilespmem:s12], [sflag:$0x1] =	stream.indirect.gather [hbm4b:s7+s4], $0x20, s0, s4, $0xb8;
	[tilespmem:$0x1D100] =	vst v63  }
0x16a: {  	s12 =	simm.s32 $0x2D00  }
0x16b: {  	[tilespmem:s12], [sflag:$0x1] =	stream.indirect.gather [hbm4b:s7+s4], $0x20, s4, s4, $0xb8;
	[tilespmem:$0x1D100] =	vst v63  }
0x16c: {  	s1 =	rddreg [dreg:$0x7]  }
0x16d: {  	[tilespmem:s6], [sflag:$0x1] =	stream.indirect.gather [hbm4b:s7+s4], $0x20, s1, s4, $0xb8;
	[tilespmem:$0x1D100] =	vst v63  }
0x16e: {  	s12 =	rddreg [dreg:$0x8]  }
0x16f: {  	[tilespmem:s14], [sflag:$0x1] =	stream.indirect.gather [hbm4b:s7+s4], $0x20, s12, s4, $0xb8;
	[tilespmem:$0x1D100] =	vst v63  }
0x170: {  	s0 =	rddreg [dreg:$0x9]  }
0x171: {  	[tilespmem:s22], [sflag:$0x1] =	stream.indirect.gather [hbm4b:s7+s4], $0x20, s0, s4, $0xb8;
	[tilespmem:$0x1D100] =	vst v63  }
0x172: {  	s1 =	rddreg [dreg:$0xa]  }
0x173: {  	[tilespmem:s26], [sflag:$0x1] =	stream.indirect.gather [hbm4b:s7+s4], $0x20, s1, s4, $0xb8;
	[tilespmem:$0x1D100] =	vst v63  }
0x174: {  	s0 =	rddreg [dreg:$0xb]  }
0x175: {  	[tilespmem:s29], [sflag:$0x1] =	stream.indirect.gather [hbm4b:s7+s4], $0x20, s0, s4, $0xb8;
	[tilespmem:$0x1D100] =	vst v63  }
0x176: {  	s1 =	rddreg [dreg:$0xc]  }
0x177: {  	[tilespmem:s31], [sflag:$0x1] =	stream.indirect.gather [hbm4b:s7+s4], $0x20, s1, s4, $0xb8;
	[tilespmem:$0x1D100] =	vst v63  }
0x178: {  	s11 =	rddreg [dreg:$0xd];
	s1 =	simm.s32 $0x9D00  }
0x179: {  	[tilespmem:s1], [sflag:$0x1] =	stream.indirect.gather [hbm4b:s7+s4], $0x20, s11, s4, $0xb8;
	[tilespmem:$0x1D100] =	vst v63  }
0x17a: {  	s0 =	rddreg [dreg:$0xe]  }
0x17b: {  	[tilespmem:s5], [sflag:$0x1] =	stream.indirect.gather [hbm4b:s7+s4], $0x20, s0, s4, $0xb8;
	[tilespmem:$0x1D100] =	vst v63  }
0x17c: {  	s11 =	rddreg [dreg:$0xf]  }
0x17d: {  	[tilespmem:s16], [sflag:$0x1] =	stream.indirect.gather [hbm4b:s7+s4], $0x20, s11, s4, $0xb8;
	[tilespmem:$0x1D100] =	vst v63  }
0x17e: {  	s0 =	rddreg [dreg:$0x10]  }
0x17f: {  	[tilespmem:s13], [sflag:$0x1] =	stream.indirect.gather [hbm4b:s7+s4], $0x20, s0, s4, $0xb8;
	[tilespmem:$0x1D100] =	vst v63  }
0x180: {  	s11 =	rddreg [dreg:$0x11]  }
0x181: {  	[tilespmem:s17], [sflag:$0x1] =	stream.indirect.gather [hbm4b:s7+s4], $0x20, s11, s4, $0xb8;
	[tilespmem:$0x1D100] =	vst v63  }
0x182: {  	s0 =	rddreg [dreg:$0x12]  }
0x183: {  	[tilespmem:s15], [sflag:$0x1] =	stream.indirect.gather [hbm4b:s7+s4], $0x20, s0, s4, $0xb8;
	[tilespmem:$0x1D100] =	vst v63  }
0x184: {  	s11 =	rddreg [dreg:$0x13];
	s0 =	simm.s32 $0xFD00  }
0x185: {  	[tilespmem:s0], [sflag:$0x1] =	stream.indirect.gather [hbm4b:s7+s4], $0x20, s11, s4, $0xb8;
	[tilespmem:$0x1D100] =	vst v63  }
0x186: {  	s12 =	rddreg [dreg:$0x14]  }
0x187: {  	[tilespmem:s19], [sflag:$0x1] =	stream.indirect.gather [hbm4b:s7+s4], $0x20, s12, s4, $0xb8;
	[tilespmem:$0x1D100] =	vst v63  }
0x188: {  	s0 =	rddreg [dreg:$0x15]  }
0x189: {  	[tilespmem:s20], [sflag:$0x1] =	stream.indirect.gather [hbm4b:s7+s4], $0x20, s0, s4, $0xb8;
	[tilespmem:$0x1D100] =	vst v63  }
0x18a: {  	s12 =	rddreg [dreg:$0x16];
	s0 =	simm.s32 $0x12D00  }
0x18b: {  	[tilespmem:s0], [sflag:$0x1] =	stream.indirect.gather [hbm4b:s7+s4], $0x20, s12, s4, $0xb8;
	[tilespmem:$0x1D100] =	vst v63  }
0x18c: {  	s11 =	rddreg [dreg:$0x17]  }
0x18d: {  	[tilespmem:s18], [sflag:$0x1] =	stream.indirect.gather [hbm4b:s7+s4], $0x20, s11, s4, $0xb8;
	[tilespmem:$0x1D100] =	vst v63  }
0x18e: {  	s12 =	rddreg [dreg:$0x18];
	s0 =	simm.s32 $0x14D00  }
0x18f: {  	[tilespmem:s0], [sflag:$0x1] =	stream.indirect.gather [hbm4b:s7+s4], $0x20, s12, s4, $0xb8;
	[tilespmem:$0x1D100] =	vst v63  }
0x190: {  	s11 =	rddreg [dreg:$0x19]  }
0x191: {  	[tilespmem:s30], [sflag:$0x1] =	stream.indirect.gather [hbm4b:s7+s4], $0x20, s11, s4, $0xb8;
	[tilespmem:$0x1D100] =	vst v63  }
0x192: {  	s0 =	rddreg [dreg:$0x1a]  }
0x193: {  	[tilespmem:s28], [sflag:$0x1] =	stream.indirect.gather [hbm4b:s7+s4], $0x20, s0, s4, $0xb8;
	[tilespmem:$0x1D100] =	vst v63  }
0x194: {  	s11 =	rddreg [dreg:$0x1b]  }
0x195: {  	[tilespmem:s25], [sflag:$0x1] =	stream.indirect.gather [hbm4b:s7+s4], $0x20, s11, s4, $0xb8;
	[tilespmem:$0x1D100] =	vst v63  }
0x196: {  	s0 =	rddreg [dreg:$0x1c]  }
0x197: {  	[tilespmem:s23], [sflag:$0x1] =	stream.indirect.gather [hbm4b:s7+s4], $0x20, s0, s4, $0xb8;
	[tilespmem:$0x1D100] =	vst v63  }
0x198: {  	s11 =	rddreg [dreg:$0x1d]  }
0x199: {  	[tilespmem:s24], [sflag:$0x1] =	stream.indirect.gather [hbm4b:s7+s4], $0x20, s11, s4, $0xb8;
	[tilespmem:$0x1D100] =	vst v63  }
0x19a: {  	s0 =	rddreg [dreg:$0x1e]  }
0x19b: {  	[tilespmem:s21], [sflag:$0x1] =	stream.indirect.gather [hbm4b:s7+s4], $0x20, s0, s4, $0xb8;
	[tilespmem:$0x1D100] =	vst v63  }
0x19c: {  	_ =	swait.ge [sflag:s8], $0x1000  }
0x19d: {  	[sflag:s8] =	ssyncset.done $0x0  }
0x19e: {  	[sflag:s8] =	ssyncadd.s32 $0xFFFFF000  }
0x19f: {  	_ =	swait.ge [sflag:s8], $0x1000  }
0x1a0: {  	[sflag:s8] =	ssyncset.done $0x0  }
0x1a1: {  	[sflag:s8] =	ssyncadd.s32 $0xFFFFF000  }
0x1a2: {  	_ =	swait.ge [sflag:s8], $0x1000  }
0x1a3: {  	[sflag:s8] =	ssyncset.done $0x0  }
0x1a4: {  	[sflag:s8] =	ssyncadd.s32 $0xFFFFF000  }
0x1a5: {  	_ =	swait.ge [sflag:s8], $0x1000  }
0x1a6: {  	[sflag:s8] =	ssyncset.done $0x0  }
0x1a7: {  	[sflag:s8] =	ssyncadd.s32 $0xFFFFF000  }
0x1a8: {  	_ =	swait.ge [sflag:s8], $0x1000  }
0x1a9: {  	[sflag:s8] =	ssyncset.done $0x0  }
0x1aa: {  	[sflag:s8] =	ssyncadd.s32 $0xFFFFF000  }
0x1ab: {  	_ =	swait.ge [sflag:s8], $0x1000  }
0x1ac: {  	[sflag:s8] =	ssyncset.done $0x0  }
0x1ad: {  	[sflag:s8] =	ssyncadd.s32 $0xFFFFF000  }
0x1ae: {  	_ =	swait.ge [sflag:s8], $0x1000  }
0x1af: {  	[sflag:s8] =	ssyncset.done $0x0  }
0x1b0: {  	[sflag:s8] =	ssyncadd.s32 $0xFFFFF000  }
0x1b1: {  	_ =	swait.ge [sflag:s8], $0x1000  }
0x1b2: {  	[sflag:s8] =	ssyncset.done $0x0  }
0x1b3: {  	[sflag:s8] =	ssyncadd.s32 $0xFFFFF000  }
0x1b4: {  	_ =	swait.ge [sflag:s8], $0x1000  }
0x1b5: {  	[sflag:s8] =	ssyncset.done $0x0  }
0x1b6: {  	[sflag:s8] =	ssyncadd.s32 $0xFFFFF000  }
0x1b7: {  	_ =	swait.ge [sflag:s8], $0x1000  }
0x1b8: {  	[sflag:s8] =	ssyncset.done $0x0  }
0x1b9: {  	[sflag:s8] =	ssyncadd.s32 $0xFFFFF000  }
0x1ba: {  	_ =	swait.ge [sflag:s8], $0x1000  }
0x1bb: {  	[sflag:s8] =	ssyncset.done $0x0  }
0x1bc: {  	[sflag:s8] =	ssyncadd.s32 $0xFFFFF000  }
0x1bd: {  	_ =	swait.ge [sflag:s8], $0x1000  }
0x1be: {  	[sflag:s8] =	ssyncset.done $0x0  }
0x1bf: {  	[sflag:s8] =	ssyncadd.s32 $0xFFFFF000  }
0x1c0: {  	_ =	swait.ge [sflag:s8], $0x1000  }
0x1c1: {  	[sflag:s8] =	ssyncset.done $0x0  }
0x1c2: {  	[sflag:s8] =	ssyncadd.s32 $0xFFFFF000  }
0x1c3: {  	_ =	swait.ge [sflag:s8], $0x1000  }
0x1c4: {  	[sflag:s8] =	ssyncset.done $0x0  }
0x1c5: {  	[sflag:s8] =	ssyncadd.s32 $0xFFFFF000  }
0x1c6: {  	_ =	swait.ge [sflag:s8], $0x1000  }
0x1c7: {  	[sflag:s8] =	ssyncset.done $0x0  }
0x1c8: {  	[sflag:s8] =	ssyncadd.s32 $0xFFFFF000  }
0x1c9: {  	_ =	swait.ge [sflag:s8], $0x1000  }
0x1ca: {  	[sflag:s8] =	ssyncset.done $0x0  }
0x1cb: {  	[sflag:s8] =	ssyncadd.s32 $0xFFFFF000  }
0x1cc: {  	_ =	swait.ge [sflag:s8], $0x1000  }
0x1cd: {  	[sflag:s8] =	ssyncset.done $0x0  }
0x1ce: {  	[sflag:s8] =	ssyncadd.s32 $0xFFFFF000  }
0x1cf: {  	_ =	swait.ge [sflag:s8], $0x1000  }
0x1d0: {  	[sflag:s8] =	ssyncset.done $0x0  }
0x1d1: {  	[sflag:s8] =	ssyncadd.s32 $0xFFFFF000  }
0x1d2: {  	_ =	swait.ge [sflag:s8], $0x1000  }
0x1d3: {  	[sflag:s8] =	ssyncset.done $0x0  }
0x1d4: {  	[sflag:s8] =	ssyncadd.s32 $0xFFFFF000  }
0x1d5: {  	_ =	swait.ge [sflag:s8], $0x1000  }
0x1d6: {  	[sflag:s8] =	ssyncset.done $0x0  }
0x1d7: {  	[sflag:s8] =	ssyncadd.s32 $0xFFFFF000  }
0x1d8: {  	_ =	swait.ge [sflag:s8], $0x1000  }
0x1d9: {  	[sflag:s8] =	ssyncset.done $0x0  }
0x1da: {  	[sflag:s8] =	ssyncadd.s32 $0xFFFFF000  }
0x1db: {  	_ =	swait.ge [sflag:s8], $0x1000  }
0x1dc: {  	[sflag:s8] =	ssyncset.done $0x0  }
0x1dd: {  	[sflag:s8] =	ssyncadd.s32 $0xFFFFF000  }
0x1de: {  	_ =	swait.ge [sflag:s8], $0x1000  }
0x1df: {  	[sflag:s8] =	ssyncset.done $0x0  }
0x1e0: {  	[sflag:s8] =	ssyncadd.s32 $0xFFFFF000  }
0x1e1: {  	_ =	swait.ge [sflag:s8], $0x1000  }
0x1e2: {  	[sflag:s8] =	ssyncset.done $0x0  }
0x1e3: {  	[sflag:s8] =	ssyncadd.s32 $0xFFFFF000  }
0x1e4: {  	_ =	swait.ge [sflag:s8], $0x1000  }
0x1e5: {  	[sflag:s8] =	ssyncset.done $0x0  }
0x1e6: {  	[sflag:s8] =	ssyncadd.s32 $0xFFFFF000  }
0x1e7: {  	_ =	swait.ge [sflag:s8], $0x1000  }
0x1e8: {  	[sflag:s8] =	ssyncset.done $0x0  }
0x1e9: {  	s12 =	simm.s32 $0x1BD00;
	s0 =	simm.s32 $0x1C100;
	[sflag:s8] =	ssyncadd.s32 $0xFFFFF000  }
0x1ea: {  	[hbm4b:s2+s4] =	stream.indirect.scatter [tilespmem:s0], [sflag:$0x2], $0x20, s12, s4, $0xb8;
	[tilespmem:$0x1D100] =	vst v63  }
0x1eb: {  	s11 =	rddreg [dreg:$0x1f];
	s12 =	simm.s32 $0xD00;
	s0 =	simm.s32 $0x1D00  }
0x1ec: {  	[hbm4b:s2+s4] =	stream.indirect.scatter [tilespmem:s0], [sflag:$0x2], $0x20, s12, s4, $0xb8;
	[tilespmem:$0x1D100] =	vst v63  }
0x1ed: {  	s12 =	sld [smem:$0x7E6];
	s0 =	simm.s32 $0x2D00  }
0x1ee: {  	[hbm4b:s2+s4] =	stream.indirect.scatter [tilespmem:s0], [sflag:$0x2], $0x20, s11, s4, $0xb8;
	[tilespmem:$0x1D100] =	vst v63  }
0x1ef: {  	s11 =	sld [smem:$0x7E7]  }
0x1f0: {  	[hbm4b:s2+s4] =	stream.indirect.scatter [tilespmem:s6], [sflag:$0x2], $0x20, s12, s4, $0xb8;
	[tilespmem:$0x1D100] =	vst v63  }
0x1f1: {  	s0 =	sld [smem:$0x7E8]  }
0x1f2: {  	[hbm4b:s2+s4] =	stream.indirect.scatter [tilespmem:s14], [sflag:$0x2], $0x20, s11, s4, $0xb8;
	[tilespmem:$0x1D100] =	vst v63  }
0x1f3: {  	s11 =	sld [smem:$0x7E9]  }
0x1f4: {  	[hbm4b:s2+s4] =	stream.indirect.scatter [tilespmem:s22], [sflag:$0x2], $0x20, s0, s4, $0xb8;
	[tilespmem:$0x1D100] =	vst v63  }
0x1f5: {  	s0 =	sld [smem:$0x7EA]  }
0x1f6: {  	[hbm4b:s2+s4] =	stream.indirect.scatter [tilespmem:s26], [sflag:$0x2], $0x20, s11, s4, $0xb8;
	[tilespmem:$0x1D100] =	vst v63  }
0x1f7: {  	s11 =	sld [smem:$0x7EB]  }
0x1f8: {  	[hbm4b:s2+s4] =	stream.indirect.scatter [tilespmem:s29], [sflag:$0x2], $0x20, s0, s4, $0xb8;
	[tilespmem:$0x1D100] =	vst v63  }
0x1f9: {  	s0 =	sld [smem:$0x7EC]  }
0x1fa: {  	[hbm4b:s2+s4] =	stream.indirect.scatter [tilespmem:s31], [sflag:$0x2], $0x20, s11, s4, $0xb8;
	[tilespmem:$0x1D100] =	vst v63  }
0x1fb: {  	s11 =	sld [smem:$0x7ED]  }
0x1fc: {  	[hbm4b:s2+s4] =	stream.indirect.scatter [tilespmem:s1], [sflag:$0x2], $0x20, s0, s4, $0xb8;
	[tilespmem:$0x1D100] =	vst v63  }
0x1fd: {  	s0 =	sld [smem:$0x7EE]  }
0x1fe: {  	[hbm4b:s2+s4] =	stream.indirect.scatter [tilespmem:s5], [sflag:$0x2], $0x20, s11, s4, $0xb8;
	[tilespmem:$0x1D100] =	vst v63  }
0x1ff: {  	s1 =	sld [smem:$0x7EF]  }
0x200: {  	[hbm4b:s2+s4] =	stream.indirect.scatter [tilespmem:s16], [sflag:$0x2], $0x20, s0, s4, $0xb8;
	[tilespmem:$0x1D100] =	vst v63  }
0x201: {  	s0 =	sld [smem:$0x7F0]  }
0x202: {  	[hbm4b:s2+s4] =	stream.indirect.scatter [tilespmem:s13], [sflag:$0x2], $0x20, s1, s4, $0xb8;
	[tilespmem:$0x1D100] =	vst v63  }
0x203: {  	s1 =	sld [smem:$0x7F1]  }
0x204: {  	[hbm4b:s2+s4] =	stream.indirect.scatter [tilespmem:s17], [sflag:$0x2], $0x20, s0, s4, $0xb8;
	[tilespmem:$0x1D100] =	vst v63  }
0x205: {  	s0 =	sld [smem:$0x7F2]  }
0x206: {  	[hbm4b:s2+s4] =	stream.indirect.scatter [tilespmem:s15], [sflag:$0x2], $0x20, s1, s4, $0xb8;
	[tilespmem:$0x1D100] =	vst v63  }
0x207: {  	s11 =	sld [smem:$0x7F3];
	s1 =	simm.s32 $0xFD00  }
0x208: {  	[hbm4b:s2+s4] =	stream.indirect.scatter [tilespmem:s1], [sflag:$0x2], $0x20, s0, s4, $0xb8;
	[tilespmem:$0x1D100] =	vst v63  }
0x209: {  	s1 =	sld [smem:$0x7F4]  }
0x20a: {  	[hbm4b:s2+s4] =	stream.indirect.scatter [tilespmem:s19], [sflag:$0x2], $0x20, s11, s4, $0xb8;
	[tilespmem:$0x1D100] =	vst v63  }
0x20b: {  	s0 =	sld [smem:$0x7F5]  }
0x20c: {  	[hbm4b:s2+s4] =	stream.indirect.scatter [tilespmem:s20], [sflag:$0x2], $0x20, s1, s4, $0xb8;
	[tilespmem:$0x1D100] =	vst v63  }
0x20d: {  	s12 =	sld [smem:$0x7F6];
	s1 =	simm.s32 $0x12D00  }
0x20e: {  	[hbm4b:s2+s4] =	stream.indirect.scatter [tilespmem:s1], [sflag:$0x2], $0x20, s0, s4, $0xb8;
	[tilespmem:$0x1D100] =	vst v63  }
0x20f: {  	s0 =	sld [smem:$0x7F7]  }
0x210: {  	[hbm4b:s2+s4] =	stream.indirect.scatter [tilespmem:s18], [sflag:$0x2], $0x20, s12, s4, $0xb8;
	[tilespmem:$0x1D100] =	vst v63  }
0x211: {  	s1 =	simm.s32 $0x14D00;
	s12 =	sld [smem:$0x7F8]  }
0x212: {  	[hbm4b:s2+s4] =	stream.indirect.scatter [tilespmem:s1], [sflag:$0x2], $0x20, s0, s4, $0xb8;
	[tilespmem:$0x1D100] =	vst v63  }
0x213: {  	s1 =	sld [smem:$0x7F9]  }
0x214: {  	[hbm4b:s2+s4] =	stream.indirect.scatter [tilespmem:s30], [sflag:$0x2], $0x20, s12, s4, $0xb8;
	[tilespmem:$0x1D100] =	vst v63  }
0x215: {  	s0 =	sld [smem:$0x7FA]  }
0x216: {  	[hbm4b:s2+s4] =	stream.indirect.scatter [tilespmem:s28], [sflag:$0x2], $0x20, s1, s4, $0xb8;
	[tilespmem:$0x1D100] =	vst v63  }
0x217: {  	s1 =	sld [smem:$0x7FB]  }
0x218: {  	[hbm4b:s2+s4] =	stream.indirect.scatter [tilespmem:s25], [sflag:$0x2], $0x20, s0, s4, $0xb8;
	[tilespmem:$0x1D100] =	vst v63  }
0x219: {  	s0 =	sld [smem:$0x7FC]  }
0x21a: {  	[hbm4b:s2+s4] =	stream.indirect.scatter [tilespmem:s23], [sflag:$0x2], $0x20, s1, s4, $0xb8;
	[tilespmem:$0x1D100] =	vst v63  }
0x21b: {  	s1 =	sld [smem:$0x7FD]  }
0x21c: {  	[hbm4b:s2+s4] =	stream.indirect.scatter [tilespmem:s24], [sflag:$0x2], $0x20, s0, s4, $0xb8;
	[tilespmem:$0x1D100] =	vst v63  }
0x21d: {  	_ = 	snop  }
0x21e: {  	[hbm4b:s2+s4] =	stream.indirect.scatter [tilespmem:s21], [sflag:$0x2], $0x20, s1, s4, $0xb8;
	[tilespmem:$0x1D100] =	vst v63  }
0x21f: {  	_ =	swait.ge [sflag:s3], $0x1000  }
0x220: {  	[sflag:s3] =	ssyncset.done $0x0  }
0x221: {  	[sflag:s3] =	ssyncadd.s32 $0xFFFFF000  }
0x222: {  	_ =	swait.ge [sflag:s3], $0x1000  }
0x223: {  	[sflag:s3] =	ssyncset.done $0x0  }
0x224: {  	[sflag:s3] =	ssyncadd.s32 $0xFFFFF000  }
0x225: {  	_ =	swait.ge [sflag:s3], $0x1000  }
0x226: {  	[sflag:s3] =	ssyncset.done $0x0  }
0x227: {  	[sflag:s3] =	ssyncadd.s32 $0xFFFFF000  }
0x228: {  	_ =	swait.ge [sflag:s3], $0x1000  }
0x229: {  	[sflag:s3] =	ssyncset.done $0x0  }
0x22a: {  	[sflag:s3] =	ssyncadd.s32 $0xFFFFF000  }
0x22b: {  	_ =	swait.ge [sflag:s3], $0x1000  }
0x22c: {  	[sflag:s3] =	ssyncset.done $0x0  }
0x22d: {  	[sflag:s3] =	ssyncadd.s32 $0xFFFFF000  }
0x22e: {  	_ =	swait.ge [sflag:s3], $0x1000  }
0x22f: {  	[sflag:s3] =	ssyncset.done $0x0  }
0x230: {  	[sflag:s3] =	ssyncadd.s32 $0xFFFFF000  }
0x231: {  	_ =	swait.ge [sflag:s3], $0x1000  }
0x232: {  	[sflag:s3] =	ssyncset.done $0x0  }
0x233: {  	[sflag:s3] =	ssyncadd.s32 $0xFFFFF000  }
0x234: {  	_ =	swait.ge [sflag:s3], $0x1000  }
0x235: {  	[sflag:s3] =	ssyncset.done $0x0  }
0x236: {  	[sflag:s3] =	ssyncadd.s32 $0xFFFFF000  }
0x237: {  	_ =	swait.ge [sflag:s3], $0x1000  }
0x238: {  	[sflag:s3] =	ssyncset.done $0x0  }
0x239: {  	[sflag:s3] =	ssyncadd.s32 $0xFFFFF000  }
0x23a: {  	_ =	swait.ge [sflag:s3], $0x1000  }
0x23b: {  	[sflag:s3] =	ssyncset.done $0x0  }
0x23c: {  	[sflag:s3] =	ssyncadd.s32 $0xFFFFF000  }
0x23d: {  	_ =	swait.ge [sflag:s3], $0x1000  }
0x23e: {  	[sflag:s3] =	ssyncset.done $0x0  }
0x23f: {  	[sflag:s3] =	ssyncadd.s32 $0xFFFFF000  }
0x240: {  	_ =	swait.ge [sflag:s3], $0x1000  }
0x241: {  	[sflag:s3] =	ssyncset.done $0x0  }
0x242: {  	[sflag:s3] =	ssyncadd.s32 $0xFFFFF000  }
0x243: {  	_ =	swait.ge [sflag:s3], $0x1000  }
0x244: {  	[sflag:s3] =	ssyncset.done $0x0  }
0x245: {  	[sflag:s3] =	ssyncadd.s32 $0xFFFFF000  }
0x246: {  	_ =	swait.ge [sflag:s3], $0x1000  }
0x247: {  	[sflag:s3] =	ssyncset.done $0x0  }
0x248: {  	[sflag:s3] =	ssyncadd.s32 $0xFFFFF000  }
0x249: {  	_ =	swait.ge [sflag:s3], $0x1000  }
0x24a: {  	[sflag:s3] =	ssyncset.done $0x0  }
0x24b: {  	[sflag:s3] =	ssyncadd.s32 $0xFFFFF000  }
0x24c: {  	_ =	swait.ge [sflag:s3], $0x1000  }
0x24d: {  	[sflag:s3] =	ssyncset.done $0x0  }
0x24e: {  	[sflag:s3] =	ssyncadd.s32 $0xFFFFF000  }
0x24f: {  	_ =	swait.ge [sflag:s3], $0x1000  }
0x250: {  	[sflag:s3] =	ssyncset.done $0x0  }
0x251: {  	[sflag:s3] =	ssyncadd.s32 $0xFFFFF000  }
0x252: {  	_ =	swait.ge [sflag:s3], $0x1000  }
0x253: {  	[sflag:s3] =	ssyncset.done $0x0  }
0x254: {  	[sflag:s3] =	ssyncadd.s32 $0xFFFFF000  }
0x255: {  	_ =	swait.ge [sflag:s3], $0x1000  }
0x256: {  	[sflag:s3] =	ssyncset.done $0x0  }
0x257: {  	[sflag:s3] =	ssyncadd.s32 $0xFFFFF000  }
0x258: {  	_ =	swait.ge [sflag:s3], $0x1000  }
0x259: {  	[sflag:s3] =	ssyncset.done $0x0  }
0x25a: {  	[sflag:s3] =	ssyncadd.s32 $0xFFFFF000  }
0x25b: {  	_ =	swait.ge [sflag:s3], $0x1000  }
0x25c: {  	[sflag:s3] =	ssyncset.done $0x0  }
0x25d: {  	[sflag:s3] =	ssyncadd.s32 $0xFFFFF000  }
0x25e: {  	_ =	swait.ge [sflag:s3], $0x1000  }
0x25f: {  	[sflag:s3] =	ssyncset.done $0x0  }
0x260: {  	[sflag:s3] =	ssyncadd.s32 $0xFFFFF000  }
0x261: {  	_ =	swait.ge [sflag:s3], $0x1000  }
0x262: {  	[sflag:s3] =	ssyncset.done $0x0  }
0x263: {  	[sflag:s3] =	ssyncadd.s32 $0xFFFFF000  }
0x264: {  	_ =	swait.ge [sflag:s3], $0x1000  }
0x265: {  	[sflag:s3] =	ssyncset.done $0x0  }
0x266: {  	[sflag:s3] =	ssyncadd.s32 $0xFFFFF000  }
0x267: {  	_ =	swait.ge [sflag:s3], $0x1000  }
0x268: {  	[sflag:s3] =	ssyncset.done $0x0  }
0x269: {  	p1 =	sne.s32 s10, $0x1;
	[sflag:s3] =	ssyncadd.s32 $0xFFFFF000  }
.Ltmp2:
0x26a: {  	_ =	swait.ge [sflag:s3], $0x1000;
	(pc) =	sbr.rel @p1 .LBB2_3-.Ltmp2, $4  }
0x26b: {  	[sflag:s3] =	ssyncset.done $0x0  }
0x26c: {  	[sflag:s3] =	ssyncadd.s32 $0xFFFFF000  }
0x26d: {  	_ =	swait.ge [sflag:s3], $0x1000  }
0x26e: {  	s10 =	sadd.s32 $0xFFFFFFFF, s10;
	s11 =	rddreg [dreg:$0x3];
	[sflag:s3] =	ssyncset.done $0x0  }
0x26f: {  	s13 =	simm.s32 $0x1BD00;
	s14 =	simm.s32 $0x1C100  }
0x270: {  	s15 =	simm.s32 $0x1D00;
	s16 =	simm.s32 $0x2D00;
	s17 =	simm.s32 $0x3D00  }
0x271: {  	s18 =	simm.s32 $0x4D00;
	s19 =	simm.s32 $0x5D00;
	s20 =	simm.s32 $0x19D00  }
0x272: {  	s21 =	simm.s32 $0x1AD00;
	s22 =	simm.s32 $0x6D00;
	s23 =	simm.s32 $0x18D00  }
0x273: {  	s24 =	simm.s32 $0x7D00;
	s25 =	simm.s32 $0x17D00;
	s26 =	simm.s32 $0x8D00  }
0x274: {  	s28 =	simm.s32 $0x16D00;
	s29 =	simm.s32 $0x9D00;
	s30 =	simm.s32 $0x15D00  }
0x275: {  	s31 =	simm.s32 $0xAD00;
	s0 =	simm.s32 $0x14D00;
	s6 =	simm.s32 $0x0  }
.LBB2_5:
0x276: {  	[sflag:s3] =	ssyncadd.s32 @p0 $0xFFFFF000  }
0x277: {  	[tilespmem:s6], [sflag:$0x3] =	stream.linear.gather [hbm4b:s11+s6], $0xD00, $0x38;
	[tilespmem:$0x1D100] =	vst v63  }
0x278: {  	_ =	swait.ge [sflag:s9], $0xD00  }
0x279: {  	[sflag:s9] =	ssyncset.done $0x0  }
0x27a: {  	s1 =	simm.s32 $0xD00;
	s10 =	rddreg [dreg:$0x4];
	[sflag:s9] =	ssyncadd.s32 $0xFFFFF300  }
0x27b: {  	[tilespmem:s1], [sflag:$0x3] =	stream.linear.gather [hbm4b:s10+s6], $0x1000, $0x38;
	[tilespmem:$0x1D100] =	vst v63  }
0x27c: {  	_ =	swait.ge [sflag:s9], $0x1000  }
0x27d: {  	[sflag:s9] =	ssyncset.done $0x0  }
0x27e: {  	s11 =	rddreg [dreg:$0x5];
	[sflag:s9] =	ssyncadd.s32 $0xFFFFF000  }
0x27f: {  	[tilespmem:s13], [sflag:$0x3] =	stream.linear.gather [hbm4b:s11+s6], $0x400, $0x38;
	[tilespmem:$0x1D100] =	vst v63  }
0x280: {  	_ =	swait.ge [sflag:s9], $0x400  }
0x281: {  	[sflag:s9] =	ssyncset.done $0x0  }
0x282: {  	s12 =	rddreg [dreg:$0x6];
	[sflag:s9] =	ssyncadd.s32 $0xFFFFFC00  }
0x283: {  	[tilespmem:s14], [sflag:$0x3] =	stream.linear.gather [hbm4b:s12+s6], $0x1000, $0x38;
	[tilespmem:$0x1D100] =	vst v63  }
0x284: {  	_ =	swait.ge [sflag:s9], $0x1000  }
0x285: {  	[sflag:s9] =	ssyncset.done $0x0  }
0x286: {  	[sflag:s9] =	ssyncadd.s32 $0xFFFFF000  }
0x287: {  	[tilespmem:s15], [sflag:$0x1] =	stream.indirect.gather [hbm4b:s7+s4], $0x20, s6, s4, $0xb8;
	[tilespmem:$0x1D100] =	vst v63  }
0x288: {  	_ = 	snop  }
0x289: {  	[tilespmem:s16], [sflag:$0x1] =	stream.indirect.gather [hbm4b:s7+s4], $0x20, s4, s4, $0xb8;
	[tilespmem:$0x1D100] =	vst v63  }
0x28a: {  	s1 =	rddreg [dreg:$0x7]  }
0x28b: {  	[tilespmem:s17], [sflag:$0x1] =	stream.indirect.gather [hbm4b:s7+s4], $0x20, s1, s4, $0xb8;
	[tilespmem:$0x1D100] =	vst v63  }
0x28c: {  	s5 =	rddreg [dreg:$0x8]  }
0x28d: {  	[tilespmem:s18], [sflag:$0x1] =	stream.indirect.gather [hbm4b:s7+s4], $0x20, s5, s4, $0xb8;
	[tilespmem:$0x1D100] =	vst v63  }
0x28e: {  	s10 =	rddreg [dreg:$0x9]  }
0x28f: {  	[tilespmem:s19], [sflag:$0x1] =	stream.indirect.gather [hbm4b:s7+s4], $0x20, s10, s4, $0xb8;
	[tilespmem:$0x1D100] =	vst v63  }
0x290: {  	s11 =	rddreg [dreg:$0xa]  }
0x291: {  	[tilespmem:s22], [sflag:$0x1] =	stream.indirect.gather [hbm4b:s7+s4], $0x20, s11, s4, $0xb8;
	[tilespmem:$0x1D100] =	vst v63  }
0x292: {  	s12 =	rddreg [dreg:$0xb]  }
0x293: {  	[tilespmem:s24], [sflag:$0x1] =	stream.indirect.gather [hbm4b:s7+s4], $0x20, s12, s4, $0xb8;
	[tilespmem:$0x1D100] =	vst v63  }
0x294: {  	s1 =	rddreg [dreg:$0xc]  }
0x295: {  	[tilespmem:s26], [sflag:$0x1] =	stream.indirect.gather [hbm4b:s7+s4], $0x20, s1, s4, $0xb8;
	[tilespmem:$0x1D100] =	vst v63  }
0x296: {  	s5 =	rddreg [dreg:$0xd]  }
0x297: {  	[tilespmem:s29], [sflag:$0x1] =	stream.indirect.gather [hbm4b:s7+s4], $0x20, s5, s4, $0xb8;
	[tilespmem:$0x1D100] =	vst v63  }
0x298: {  	s10 =	rddreg [dreg:$0xe]  }
0x299: {  	[tilespmem:s31], [sflag:$0x1] =	stream.indirect.gather [hbm4b:s7+s4], $0x20, s10, s4, $0xb8;
	[tilespmem:$0x1D100] =	vst v63  }
0x29a: {  	s11 =	rddreg [dreg:$0xf];
	s1 =	simm.s32 $0xBD00  }
0x29b: {  	[tilespmem:s1], [sflag:$0x1] =	stream.indirect.gather [hbm4b:s7+s4], $0x20, s11, s4, $0xb8;
	[tilespmem:$0x1D100] =	vst v63  }
0x29c: {  	s12 =	rddreg [dreg:$0x10];
	s5 =	simm.s32 $0xCD00  }
0x29d: {  	[tilespmem:s5], [sflag:$0x1] =	stream.indirect.gather [hbm4b:s7+s4], $0x20, s12, s4, $0xb8;
	[tilespmem:$0x1D100] =	vst v63  }
0x29e: {  	s10 =	rddreg [dreg:$0x11];
	s12 =	simm.s32 $0xDD00  }
0x29f: {  	[tilespmem:s12], [sflag:$0x1] =	stream.indirect.gather [hbm4b:s7+s4], $0x20, s10, s4, $0xb8;
	[tilespmem:$0x1D100] =	vst v63  }
0x2a0: {  	s11 =	rddreg [dreg:$0x12];
	s12 =	simm.s32 $0xED00  }
0x2a1: {  	[tilespmem:s12], [sflag:$0x1] =	stream.indirect.gather [hbm4b:s7+s4], $0x20, s11, s4, $0xb8;
	[tilespmem:$0x1D100] =	vst v63  }
0x2a2: {  	s10 =	rddreg [dreg:$0x13];
	s11 =	simm.s32 $0xFD00  }
0x2a3: {  	[tilespmem:s11], [sflag:$0x1] =	stream.indirect.gather [hbm4b:s7+s4], $0x20, s10, s4, $0xb8;
	[tilespmem:$0x1D100] =	vst v63  }
0x2a4: {  	s9 =	rddreg [dreg:$0x14];
	s10 =	simm.s32 $0x10D00  }
0x2a5: {  	[tilespmem:s10], [sflag:$0x1] =	stream.indirect.gather [hbm4b:s7+s4], $0x20, s9, s4, $0xb8;
	[tilespmem:$0x1D100] =	vst v63  }
0x2a6: {  	s6 =	rddreg [dreg:$0x15];
	s10 =	simm.s32 $0x11D00  }
0x2a7: {  	[tilespmem:s10], [sflag:$0x1] =	stream.indirect.gather [hbm4b:s7+s4], $0x20, s6, s4, $0xb8;
	[tilespmem:$0x1D100] =	vst v63  }
0x2a8: {  	s9 =	rddreg [dreg:$0x16];
	s10 =	simm.s32 $0x12D00  }
0x2a9: {  	[tilespmem:s10], [sflag:$0x1] =	stream.indirect.gather [hbm4b:s7+s4], $0x20, s9, s4, $0xb8;
	[tilespmem:$0x1D100] =	vst v63  }
0x2aa: {  	s6 =	rddreg [dreg:$0x17];
	s10 =	simm.s32 $0x13D00  }
0x2ab: {  	[tilespmem:s10], [sflag:$0x1] =	stream.indirect.gather [hbm4b:s7+s4], $0x20, s6, s4, $0xb8;
	[tilespmem:$0x1D100] =	vst v63  }
0x2ac: {  	s9 =	rddreg [dreg:$0x18]  }
0x2ad: {  	[tilespmem:s0], [sflag:$0x1] =	stream.indirect.gather [hbm4b:s7+s4], $0x20, s9, s4, $0xb8;
	[tilespmem:$0x1D100] =	vst v63  }
0x2ae: {  	s6 =	rddreg [dreg:$0x19]  }
0x2af: {  	[tilespmem:s30], [sflag:$0x1] =	stream.indirect.gather [hbm4b:s7+s4], $0x20, s6, s4, $0xb8;
	[tilespmem:$0x1D100] =	vst v63  }
0x2b0: {  	s0 =	rddreg [dreg:$0x1a]  }
0x2b1: {  	[tilespmem:s28], [sflag:$0x1] =	stream.indirect.gather [hbm4b:s7+s4], $0x20, s0, s4, $0xb8;
	[tilespmem:$0x1D100] =	vst v63  }
0x2b2: {  	s6 =	rddreg [dreg:$0x1b]  }
0x2b3: {  	[tilespmem:s25], [sflag:$0x1] =	stream.indirect.gather [hbm4b:s7+s4], $0x20, s6, s4, $0xb8;
	[tilespmem:$0x1D100] =	vst v63  }
0x2b4: {  	s0 =	rddreg [dreg:$0x1c]  }
0x2b5: {  	[tilespmem:s23], [sflag:$0x1] =	stream.indirect.gather [hbm4b:s7+s4], $0x20, s0, s4, $0xb8;
	[tilespmem:$0x1D100] =	vst v63  }
0x2b6: {  	s6 =	rddreg [dreg:$0x1d]  }
0x2b7: {  	[tilespmem:s20], [sflag:$0x1] =	stream.indirect.gather [hbm4b:s7+s4], $0x20, s6, s4, $0xb8;
	[tilespmem:$0x1D100] =	vst v63  }
0x2b8: {  	s0 =	rddreg [dreg:$0x1e]  }
0x2b9: {  	[tilespmem:s21], [sflag:$0x1] =	stream.indirect.gather [hbm4b:s7+s4], $0x20, s0, s4, $0xb8;
	[tilespmem:$0x1D100] =	vst v63  }
0x2ba: {  	_ =	swait.ge [sflag:s8], $0x1000  }
0x2bb: {  	[sflag:s8] =	ssyncset.done $0x0  }
0x2bc: {  	[sflag:s8] =	ssyncadd.s32 $0xFFFFF000  }
0x2bd: {  	_ =	swait.ge [sflag:s8], $0x1000  }
0x2be: {  	[sflag:s8] =	ssyncset.done $0x0  }
0x2bf: {  	[sflag:s8] =	ssyncadd.s32 $0xFFFFF000  }
0x2c0: {  	_ =	swait.ge [sflag:s8], $0x1000  }
0x2c1: {  	[sflag:s8] =	ssyncset.done $0x0  }
0x2c2: {  	[sflag:s8] =	ssyncadd.s32 $0xFFFFF000  }
0x2c3: {  	_ =	swait.ge [sflag:s8], $0x1000  }
0x2c4: {  	[sflag:s8] =	ssyncset.done $0x0  }
0x2c5: {  	[sflag:s8] =	ssyncadd.s32 $0xFFFFF000  }
0x2c6: {  	_ =	swait.ge [sflag:s8], $0x1000  }
0x2c7: {  	[sflag:s8] =	ssyncset.done $0x0  }
0x2c8: {  	[sflag:s8] =	ssyncadd.s32 $0xFFFFF000  }
0x2c9: {  	_ =	swait.ge [sflag:s8], $0x1000  }
0x2ca: {  	[sflag:s8] =	ssyncset.done $0x0  }
0x2cb: {  	[sflag:s8] =	ssyncadd.s32 $0xFFFFF000  }
0x2cc: {  	_ =	swait.ge [sflag:s8], $0x1000  }
0x2cd: {  	[sflag:s8] =	ssyncset.done $0x0  }
0x2ce: {  	[sflag:s8] =	ssyncadd.s32 $0xFFFFF000  }
0x2cf: {  	_ =	swait.ge [sflag:s8], $0x1000  }
0x2d0: {  	[sflag:s8] =	ssyncset.done $0x0  }
0x2d1: {  	[sflag:s8] =	ssyncadd.s32 $0xFFFFF000  }
0x2d2: {  	_ =	swait.ge [sflag:s8], $0x1000  }
0x2d3: {  	[sflag:s8] =	ssyncset.done $0x0  }
0x2d4: {  	[sflag:s8] =	ssyncadd.s32 $0xFFFFF000  }
0x2d5: {  	_ =	swait.ge [sflag:s8], $0x1000  }
0x2d6: {  	[sflag:s8] =	ssyncset.done $0x0  }
0x2d7: {  	[sflag:s8] =	ssyncadd.s32 $0xFFFFF000  }
0x2d8: {  	_ =	swait.ge [sflag:s8], $0x1000  }
0x2d9: {  	[sflag:s8] =	ssyncset.done $0x0  }
0x2da: {  	[sflag:s8] =	ssyncadd.s32 $0xFFFFF000  }
0x2db: {  	_ =	swait.ge [sflag:s8], $0x1000  }
0x2dc: {  	[sflag:s8] =	ssyncset.done $0x0  }
0x2dd: {  	[sflag:s8] =	ssyncadd.s32 $0xFFFFF000  }
0x2de: {  	_ =	swait.ge [sflag:s8], $0x1000  }
0x2df: {  	[sflag:s8] =	ssyncset.done $0x0  }
0x2e0: {  	[sflag:s8] =	ssyncadd.s32 $0xFFFFF000  }
0x2e1: {  	_ =	swait.ge [sflag:s8], $0x1000  }
0x2e2: {  	[sflag:s8] =	ssyncset.done $0x0  }
0x2e3: {  	[sflag:s8] =	ssyncadd.s32 $0xFFFFF000  }
0x2e4: {  	_ =	swait.ge [sflag:s8], $0x1000  }
0x2e5: {  	[sflag:s8] =	ssyncset.done $0x0  }
0x2e6: {  	[sflag:s8] =	ssyncadd.s32 $0xFFFFF000  }
0x2e7: {  	_ =	swait.ge [sflag:s8], $0x1000  }
0x2e8: {  	[sflag:s8] =	ssyncset.done $0x0  }
0x2e9: {  	[sflag:s8] =	ssyncadd.s32 $0xFFFFF000  }
0x2ea: {  	_ =	swait.ge [sflag:s8], $0x1000  }
0x2eb: {  	[sflag:s8] =	ssyncset.done $0x0  }
0x2ec: {  	[sflag:s8] =	ssyncadd.s32 $0xFFFFF000  }
0x2ed: {  	_ =	swait.ge [sflag:s8], $0x1000  }
0x2ee: {  	[sflag:s8] =	ssyncset.done $0x0  }
0x2ef: {  	[sflag:s8] =	ssyncadd.s32 $0xFFFFF000  }
0x2f0: {  	_ =	swait.ge [sflag:s8], $0x1000  }
0x2f1: {  	[sflag:s8] =	ssyncset.done $0x0  }
0x2f2: {  	[sflag:s8] =	ssyncadd.s32 $0xFFFFF000  }
0x2f3: {  	_ =	swait.ge [sflag:s8], $0x1000  }
0x2f4: {  	[sflag:s8] =	ssyncset.done $0x0  }
0x2f5: {  	[sflag:s8] =	ssyncadd.s32 $0xFFFFF000  }
0x2f6: {  	_ =	swait.ge [sflag:s8], $0x1000  }
0x2f7: {  	[sflag:s8] =	ssyncset.done $0x0  }
0x2f8: {  	[sflag:s8] =	ssyncadd.s32 $0xFFFFF000  }
0x2f9: {  	_ =	swait.ge [sflag:s8], $0x1000  }
0x2fa: {  	[sflag:s8] =	ssyncset.done $0x0  }
0x2fb: {  	[sflag:s8] =	ssyncadd.s32 $0xFFFFF000  }
0x2fc: {  	_ =	swait.ge [sflag:s8], $0x1000  }
0x2fd: {  	[sflag:s8] =	ssyncset.done $0x0  }
0x2fe: {  	[sflag:s8] =	ssyncadd.s32 $0xFFFFF000  }
0x2ff: {  	_ =	swait.ge [sflag:s8], $0x1000  }
0x300: {  	[sflag:s8] =	ssyncset.done $0x0  }
0x301: {  	[sflag:s8] =	ssyncadd.s32 $0xFFFFF000  }
0x302: {  	_ =	swait.ge [sflag:s8], $0x1000  }
0x303: {  	[sflag:s8] =	ssyncset.done $0x0  }
0x304: {  	[sflag:s8] =	ssyncadd.s32 $0xFFFFF000  }
0x305: {  	_ =	swait.ge [sflag:s8], $0x1000  }
0x306: {  	[sflag:s8] =	ssyncset.done $0x0  }
0x307: {  	[sflag:s8] =	ssyncadd.s32 $0xFFFFF000  }
0x308: {  	[hbm4b:s2+s4] =	stream.indirect.scatter [tilespmem:s14], [sflag:$0x2], $0x20, s13, s4, $0xb8;
	[tilespmem:$0x1D100] =	vst v63  }
0x309: {  	s13 =	rddreg [dreg:$0x1f];
	s14 =	simm.s32 $0xD00  }
0x30a: {  	[hbm4b:s2+s4] =	stream.indirect.scatter [tilespmem:s15], [sflag:$0x2], $0x20, s14, s4, $0xb8;
	[tilespmem:$0x1D100] =	vst v63  }
0x30b: {  	s15 =	sld [smem:$0x7E6]  }
0x30c: {  	[hbm4b:s2+s4] =	stream.indirect.scatter [tilespmem:s16], [sflag:$0x2], $0x20, s13, s4, $0xb8;
	[tilespmem:$0x1D100] =	vst v63  }
0x30d: {  	s16 =	sld [smem:$0x7E7]  }
0x30e: {  	[hbm4b:s2+s4] =	stream.indirect.scatter [tilespmem:s17], [sflag:$0x2], $0x20, s15, s4, $0xb8;
	[tilespmem:$0x1D100] =	vst v63  }
0x30f: {  	s17 =	sld [smem:$0x7E8]  }
0x310: {  	[hbm4b:s2+s4] =	stream.indirect.scatter [tilespmem:s18], [sflag:$0x2], $0x20, s16, s4, $0xb8;
	[tilespmem:$0x1D100] =	vst v63  }
0x311: {  	s18 =	sld [smem:$0x7E9]  }
0x312: {  	[hbm4b:s2+s4] =	stream.indirect.scatter [tilespmem:s19], [sflag:$0x2], $0x20, s17, s4, $0xb8;
	[tilespmem:$0x1D100] =	vst v63  }
0x313: {  	s19 =	sld [smem:$0x7EA]  }
0x314: {  	[hbm4b:s2+s4] =	stream.indirect.scatter [tilespmem:s22], [sflag:$0x2], $0x20, s18, s4, $0xb8;
	[tilespmem:$0x1D100] =	vst v63  }
0x315: {  	s22 =	sld [smem:$0x7EB]  }
0x316: {  	[hbm4b:s2+s4] =	stream.indirect.scatter [tilespmem:s24], [sflag:$0x2], $0x20, s19, s4, $0xb8;
	[tilespmem:$0x1D100] =	vst v63  }
0x317: {  	s24 =	sld [smem:$0x7EC]  }
0x318: {  	[hbm4b:s2+s4] =	stream.indirect.scatter [tilespmem:s26], [sflag:$0x2], $0x20, s22, s4, $0xb8;
	[tilespmem:$0x1D100] =	vst v63  }
0x319: {  	s26 =	sld [smem:$0x7ED]  }
0x31a: {  	[hbm4b:s2+s4] =	stream.indirect.scatter [tilespmem:s29], [sflag:$0x2], $0x20, s24, s4, $0xb8;
	[tilespmem:$0x1D100] =	vst v63  }
0x31b: {  	s29 =	sld [smem:$0x7EE]  }
0x31c: {  	[hbm4b:s2+s4] =	stream.indirect.scatter [tilespmem:s31], [sflag:$0x2], $0x20, s26, s4, $0xb8;
	[tilespmem:$0x1D100] =	vst v63  }
0x31d: {  	s31 =	sld [smem:$0x7EF]  }
0x31e: {  	[hbm4b:s2+s4] =	stream.indirect.scatter [tilespmem:s1], [sflag:$0x2], $0x20, s29, s4, $0xb8;
	[tilespmem:$0x1D100] =	vst v63  }
0x31f: {  	s0 =	sld [smem:$0x7F0]  }
0x320: {  	[hbm4b:s2+s4] =	stream.indirect.scatter [tilespmem:s5], [sflag:$0x2], $0x20, s31, s4, $0xb8;
	[tilespmem:$0x1D100] =	vst v63  }
0x321: {  	s1 =	sld [smem:$0x7F1];
	s5 =	simm.s32 $0xDD00  }
0x322: {  	[hbm4b:s2+s4] =	stream.indirect.scatter [tilespmem:s5], [sflag:$0x2], $0x20, s0, s4, $0xb8;
	[tilespmem:$0x1D100] =	vst v63  }
0x323: {  	s8 =	sld [smem:$0x7F2]  }
0x324: {  	[hbm4b:s2+s4] =	stream.indirect.scatter [tilespmem:s12], [sflag:$0x2], $0x20, s1, s4, $0xb8;
	[tilespmem:$0x1D100] =	vst v63  }
0x325: {  	s9 =	sld [smem:$0x7F3]  }
0x326: {  	[hbm4b:s2+s4] =	stream.indirect.scatter [tilespmem:s11], [sflag:$0x2], $0x20, s8, s4, $0xb8;
	[tilespmem:$0x1D100] =	vst v63  }
0x327: {  	s13 =	simm.s32 $0x10D00;
	s12 =	sld [smem:$0x7F4]  }
0x328: {  	[hbm4b:s2+s4] =	stream.indirect.scatter [tilespmem:s13], [sflag:$0x2], $0x20, s9, s4, $0xb8;
	[tilespmem:$0x1D100] =	vst v63  }
0x329: {  	s14 =	sld [smem:$0x7F5];
	s15 =	simm.s32 $0x11D00  }
0x32a: {  	[hbm4b:s2+s4] =	stream.indirect.scatter [tilespmem:s15], [sflag:$0x2], $0x20, s12, s4, $0xb8;
	[tilespmem:$0x1D100] =	vst v63  }
0x32b: {  	s17 =	sld [smem:$0x7F6];
	s18 =	simm.s32 $0x12D00  }
0x32c: {  	[hbm4b:s2+s4] =	stream.indirect.scatter [tilespmem:s18], [sflag:$0x2], $0x20, s14, s4, $0xb8;
	[tilespmem:$0x1D100] =	vst v63  }
0x32d: {  	s19 =	sld [smem:$0x7F7]  }
0x32e: {  	[hbm4b:s2+s4] =	stream.indirect.scatter [tilespmem:s10], [sflag:$0x2], $0x20, s17, s4, $0xb8;
	[tilespmem:$0x1D100] =	vst v63  }
0x32f: {  	s16 =	simm.s32 $0x14D00;
	s22 =	sld [smem:$0x7F8]  }
0x330: {  	[hbm4b:s2+s4] =	stream.indirect.scatter [tilespmem:s16], [sflag:$0x2], $0x20, s19, s4, $0xb8;
	[tilespmem:$0x1D100] =	vst v63  }
0x331: {  	s24 =	sld [smem:$0x7F9]  }
0x332: {  	[hbm4b:s2+s4] =	stream.indirect.scatter [tilespmem:s30], [sflag:$0x2], $0x20, s22, s4, $0xb8;
	[tilespmem:$0x1D100] =	vst v63  }
0x333: {  	s26 =	sld [smem:$0x7FA]  }
0x334: {  	[hbm4b:s2+s4] =	stream.indirect.scatter [tilespmem:s28], [sflag:$0x2], $0x20, s24, s4, $0xb8;
	[tilespmem:$0x1D100] =	vst v63  }
0x335: {  	s28 =	sld [smem:$0x7FB]  }
0x336: {  	[hbm4b:s2+s4] =	stream.indirect.scatter [tilespmem:s25], [sflag:$0x2], $0x20, s26, s4, $0xb8;
	[tilespmem:$0x1D100] =	vst v63  }
0x337: {  	s29 =	sld [smem:$0x7FC]  }
0x338: {  	[hbm4b:s2+s4] =	stream.indirect.scatter [tilespmem:s23], [sflag:$0x2], $0x20, s28, s4, $0xb8;
	[tilespmem:$0x1D100] =	vst v63  }
0x339: {  	s30 =	sld [smem:$0x7FD]  }
0x33a: {  	[hbm4b:s2+s4] =	stream.indirect.scatter [tilespmem:s20], [sflag:$0x2], $0x20, s29, s4, $0xb8;
	[tilespmem:$0x1D100] =	vst v63  }
0x33b: {  	_ = 	snop  }
0x33c: {  	[hbm4b:s2+s4] =	stream.indirect.scatter [tilespmem:s21], [sflag:$0x2], $0x20, s30, s4, $0xb8;
	[tilespmem:$0x1D100] =	vst v63  }
0x33d: {  	_ =	swait.ge [sflag:s3], $0x1000  }
0x33e: {  	[sflag:s3] =	ssyncset.done $0x0  }
0x33f: {  	[sflag:s3] =	ssyncadd.s32 $0xFFFFF000  }
0x340: {  	_ =	swait.ge [sflag:s3], $0x1000  }
0x341: {  	[sflag:s3] =	ssyncset.done $0x0  }
0x342: {  	[sflag:s3] =	ssyncadd.s32 $0xFFFFF000  }
0x343: {  	_ =	swait.ge [sflag:s3], $0x1000  }
0x344: {  	[sflag:s3] =	ssyncset.done $0x0  }
0x345: {  	[sflag:s3] =	ssyncadd.s32 $0xFFFFF000  }
0x346: {  	_ =	swait.ge [sflag:s3], $0x1000  }
0x347: {  	[sflag:s3] =	ssyncset.done $0x0  }
0x348: {  	[sflag:s3] =	ssyncadd.s32 $0xFFFFF000  }
0x349: {  	_ =	swait.ge [sflag:s3], $0x1000  }
0x34a: {  	[sflag:s3] =	ssyncset.done $0x0  }
0x34b: {  	[sflag:s3] =	ssyncadd.s32 $0xFFFFF000  }
0x34c: {  	_ =	swait.ge [sflag:s3], $0x1000  }
0x34d: {  	[sflag:s3] =	ssyncset.done $0x0  }
0x34e: {  	[sflag:s3] =	ssyncadd.s32 $0xFFFFF000  }
0x34f: {  	_ =	swait.ge [sflag:s3], $0x1000  }
0x350: {  	[sflag:s3] =	ssyncset.done $0x0  }
0x351: {  	[sflag:s3] =	ssyncadd.s32 $0xFFFFF000  }
0x352: {  	_ =	swait.ge [sflag:s3], $0x1000  }
0x353: {  	[sflag:s3] =	ssyncset.done $0x0  }
0x354: {  	[sflag:s3] =	ssyncadd.s32 $0xFFFFF000  }
0x355: {  	_ =	swait.ge [sflag:s3], $0x1000  }
0x356: {  	[sflag:s3] =	ssyncset.done $0x0  }
0x357: {  	[sflag:s3] =	ssyncadd.s32 $0xFFFFF000  }
0x358: {  	_ =	swait.ge [sflag:s3], $0x1000  }
0x359: {  	[sflag:s3] =	ssyncset.done $0x0  }
0x35a: {  	[sflag:s3] =	ssyncadd.s32 $0xFFFFF000  }
0x35b: {  	_ =	swait.ge [sflag:s3], $0x1000  }
0x35c: {  	[sflag:s3] =	ssyncset.done $0x0  }
0x35d: {  	[sflag:s3] =	ssyncadd.s32 $0xFFFFF000  }
0x35e: {  	_ =	swait.ge [sflag:s3], $0x1000  }
0x35f: {  	[sflag:s3] =	ssyncset.done $0x0  }
0x360: {  	[sflag:s3] =	ssyncadd.s32 $0xFFFFF000  }
0x361: {  	_ =	swait.ge [sflag:s3], $0x1000  }
0x362: {  	[sflag:s3] =	ssyncset.done $0x0  }
0x363: {  	[sflag:s3] =	ssyncadd.s32 $0xFFFFF000  }
0x364: {  	_ =	swait.ge [sflag:s3], $0x1000  }
0x365: {  	[sflag:s3] =	ssyncset.done $0x0  }
0x366: {  	[sflag:s3] =	ssyncadd.s32 $0xFFFFF000  }
0x367: {  	_ =	swait.ge [sflag:s3], $0x1000  }
0x368: {  	[sflag:s3] =	ssyncset.done $0x0  }
0x369: {  	[sflag:s3] =	ssyncadd.s32 $0xFFFFF000  }
0x36a: {  	_ =	swait.ge [sflag:s3], $0x1000  }
0x36b: {  	[sflag:s3] =	ssyncset.done $0x0  }
0x36c: {  	[sflag:s3] =	ssyncadd.s32 $0xFFFFF000  }
0x36d: {  	_ =	swait.ge [sflag:s3], $0x1000  }
0x36e: {  	[sflag:s3] =	ssyncset.done $0x0  }
0x36f: {  	[sflag:s3] =	ssyncadd.s32 $0xFFFFF000  }
0x370: {  	_ =	swait.ge [sflag:s3], $0x1000  }
0x371: {  	[sflag:s3] =	ssyncset.done $0x0  }
0x372: {  	[sflag:s3] =	ssyncadd.s32 $0xFFFFF000  }
0x373: {  	_ =	swait.ge [sflag:s3], $0x1000  }
0x374: {  	[sflag:s3] =	ssyncset.done $0x0  }
0x375: {  	[sflag:s3] =	ssyncadd.s32 $0xFFFFF000  }
0x376: {  	_ =	swait.ge [sflag:s3], $0x1000  }
0x377: {  	[sflag:s3] =	ssyncset.done $0x0  }
0x378: {  	[sflag:s3] =	ssyncadd.s32 $0xFFFFF000  }
0x379: {  	_ =	swait.ge [sflag:s3], $0x1000  }
0x37a: {  	[sflag:s3] =	ssyncset.done $0x0  }
0x37b: {  	[sflag:s3] =	ssyncadd.s32 $0xFFFFF000  }
0x37c: {  	_ =	swait.ge [sflag:s3], $0x1000  }
0x37d: {  	[sflag:s3] =	ssyncset.done $0x0  }
0x37e: {  	[sflag:s3] =	ssyncadd.s32 $0xFFFFF000  }
0x37f: {  	_ =	swait.ge [sflag:s3], $0x1000  }
0x380: {  	[sflag:s3] =	ssyncset.done $0x0  }
0x381: {  	[sflag:s3] =	ssyncadd.s32 $0xFFFFF000  }
0x382: {  	_ =	swait.ge [sflag:s3], $0x1000  }
0x383: {  	[sflag:s3] =	ssyncset.done $0x0  }
0x384: {  	[sflag:s3] =	ssyncadd.s32 $0xFFFFF000  }
0x385: {  	_ =	swait.ge [sflag:s3], $0x1000  }
0x386: {  	[sflag:s3] =	ssyncset.done $0x0  }
0x387: {  	[sflag:s3] =	ssyncadd.s32 $0xFFFFF000  }
0x388: {  	_ =	swait.ge [sflag:s3], $0x1000  }
0x389: {  	[sflag:s3] =	ssyncset.done $0x0  }
0x38a: {  	[sflag:s3] =	ssyncadd.s32 $0xFFFFF000  }
0x38b: {  	_ =	swait.ge [sflag:s3], $0x1000  }
0x38c: {  	[sflag:s3] =	ssyncset.done $0x0  }
0x38d: {  	[sflag:s3] =	ssyncadd.s32 $0xFFFFF000  }
0x38e: {  	_ =	sfence.sel $0x180000  }
0x38f: {  	[bflag:$0x0] =	sbarrier.arrive $0xFFFF  }
0x390: {  	_ =	strace $0x90000047  }
0x391: {  	s31 =	stileid.u32;
	[bflag:$0x2] =	sbarrier.arrive $0xFFFF  }
0x392: {  	p0 =	sne.s32 s31, $0x0;
	s0 =	rddreg [dreg:$0x2]  }
0x393: {  	s0 =	sadd.s32 @!p0 $0x100000, s0  }
0x394: {  	[sflag:s0] =	ssyncadd.tile.s32 @!p0 $0x1;
	_ =	shalt  }
.LBB2_6:
0x395: {  	s13 =	simm.s32 $0x1BD00;
	s14 =	simm.s32 $0x1C100;
	s15 =	simm.s32 $0x1D00  }
0x396: {  	s16 =	simm.s32 $0x2D00;
	s17 =	simm.s32 $0x3D00;
	s18 =	simm.s32 $0x4D00  }
.Ltmp3:
0x397: {  	s19 =	simm.s32 $0x5D00;
	s20 =	simm.s32 $0x19D00;
	(pc) =	sbr.rel .LBB2_5-.Ltmp3, $4  }
0x398: {  	s21 =	simm.s32 $0x1AD00;
	s22 =	simm.s32 $0x6D00;
	s23 =	simm.s32 $0x18D00  }
0x399: {  	s24 =	simm.s32 $0x7D00;
	s25 =	simm.s32 $0x17D00;
	s26 =	simm.s32 $0x8D00  }
0x39a: {  	s28 =	simm.s32 $0x16D00;
	s29 =	simm.s32 $0x9D00;
	s30 =	simm.s32 $0x15D00  }
0x39b: {  	s31 =	simm.s32 $0xAD00;
	s0 =	simm.s32 $0x14D00;
	s6 =	simm.s32 $0x0  }
.Lfunc_end2:
_tile_overlayer_lowered:
.L_overlay_start_2:
0x39c: {  	(tag) =	ssettag $0x2  }
0x39d: {  	s0 =	rddreg [dreg:$0x0];
	s2 =	stileid.u32  }
0x39e: {  	s1 =	rddreg [dreg:$0x1];
	p0 =	sne.s32 s2, $0x0  }
0x39f: {  	s3 =	rddreg [dreg:$0x2];
	[bflag:$0x3] =	sbarrier.arrive $0xFFFF;
	s2 =	simm.s32 @!p0 $0x1C03  }
0x3a0: {  	[timem:s3], [sflag:s2] =	dma.local @!p0 [hbm:s0], s1  }
0x3a1: {  	s0 =	simm.s32 @!p0 $0x3  }
0x3a2: {  	_ =	swait.ge @!p0 [sflag:s0], s1  }
0x3a3: {  	s1 =	ssub.s32 @!p0 $0x0, s1;
	[sflag:s0] =	ssyncset.done @!p0 $0x0  }
0x3a4: {  	[sflag:s0] =	ssyncadd.s32 @!p0 s1  }
0x3a5: {  	[bflag:$0x3] =	sbarrier.arrive $0xFFFF  }
0x3a6: {  	_ =	shalt  }

</sc_bundles>
